<compile_context>
chip_gen: v7x
topology: tpu7x:2x2x1
jax: 0.10.2.dev20260603
libtpu: 0.0.44.dev20260713+nightly
codegen_flags: <defaults>
</compile_context>

<pallas_src>
import dataclasses

import jax
import jax.numpy as jnp
from jax import lax
from jax.experimental import pallas as pl
from jax.experimental.pallas import tpu as pltpu
from jax.experimental.pallas import tpu_sc as plsc

_NC = 2
_NS = 16
_NW = _NC * _NS
_LANES = 16


def _sc_compiler_params():
    cp = pltpu.CompilerParams()
    if "needs_layout_passes" in pltpu.CompilerParams.__dataclass_fields__:
        cp = dataclasses.replace(cp, needs_layout_passes=False)
    return cp



def _lse_scan_kernel(tab_ref, lse_ref):
    blk = tab_ref[...]
    m = jnp.max(blk, axis=1, keepdims=True)
    s = jnp.sum(jnp.exp(blk - m), axis=1)
    lse = m[:, 0] + jnp.log(s)
    lse_ref[...] = lse.reshape(1, 1, -1)


def _table_lse(table, row_block=256):
    V, C = table.shape
    out = pl.pallas_call(
        _lse_scan_kernel,
        grid=(V // row_block,),
        in_specs=[pl.BlockSpec((row_block, C), lambda i: (i, 0))],
        out_specs=pl.BlockSpec((1, 1, row_block), lambda i: (i, 0, 0)),
        out_shape=jax.ShapeDtypeStruct((V // row_block, 1, row_block),
                                       jnp.float32),
        compiler_params=pltpu.CompilerParams(
            dimension_semantics=("parallel",)),
    )(table)
    return out.reshape(V)



def _sc_gather_ce(table, x3, ym, yh):
    V, C = table.shape
    H = C // 2
    n_tr, nch, ch = x3.shape
    bpt = nch * ch
    nbuf = 3
    body = nch - 4
    assert body % (2 * nbuf) == 0 and nch % 2 == 0

    mesh = plsc.VectorSubcoreMesh(core_axis_name="c", subcore_axis_name="s")

    @pl.kernel(
        out_type=(
            jax.ShapeDtypeStruct((n_tr * bpt, C), jnp.float32),
            jax.ShapeDtypeStruct((_NW, _LANES), jnp.float32),
        ),
        mesh=mesh,
        compiler_params=_sc_compiler_params(),
        scratch_types=[
            pltpu.VMEM((nch, ch), jnp.int32),
            pltpu.VMEM((ch, H), jnp.float32),
            pltpu.VMEM((ch, H), jnp.float32),
            pltpu.VMEM((ch, H), jnp.float32),
            pltpu.VMEM((bpt,), jnp.int32),
            pltpu.VMEM((bpt,), jnp.int32),
            pltpu.VMEM((_LANES,), jnp.float32),
            [pltpu.SemaphoreType.DMA] * 3,
            [pltpu.SemaphoreType.DMA] * 3,
        ],
    )
    def k(tab_hbm, idx_hbm, ym_hbm, yh_hbm, out_hbm, ppick_hbm,
          idx_v, rows0, rows1, rows2, ym_v, yh_v, acc_v, gsems, wsems):
        tr = lax.axis_index("s")
        hh = lax.axis_index("c")
        wid = tr * _NC + hh
        tokbase = tr * bpt
        pltpu.sync_copy(idx_hbm.at[tr], idx_v)
        pltpu.sync_copy(ym_hbm.at[pl.ds(tokbase, bpt)], ym_v)
        pltpu.sync_copy(yh_hbm.at[pl.ds(tokbase, bpt)], yh_v)
        acc_v[...] = jnp.zeros((_LANES,), jnp.float32)

        bufs = (rows0, rows1, rows2)
        lane = lax.broadcasted_iota(jnp.int32, (_LANES,), 0)

        def run(h):
            src = tab_hbm.at[:, pl.ds(h * H, H)]

            def gst(c, b):
                pltpu.async_copy(src.at[idx_v.at[c]], bufs[b], gsems[b])

            def gwt(c, b):
                pltpu.make_async_copy(
                    src.at[idx_v.at[c]], bufs[b], gsems[b]).wait()

            def dst(c):
                return out_hbm.at[pl.ds(tokbase + c * ch, ch),
                                  pl.ds(h * H, H)]

            def wst(c, b):
                pltpu.async_copy(bufs[b], dst(c), wsems[b])

            def wwt(c, b):
                pltpu.make_async_copy(bufs[b], dst(c), wsems[b]).wait()

            def extract(c, b, jpar, ymr, yhr):
                if jpar == 0:
                    m = (lane < ch) & (yhr == h)
                    rowi = jnp.minimum(lane, ch - 1)
                else:
                    m = (lane >= ch) & (yhr == h)
                    rowi = jnp.maximum(lane - ch, 0)
                pk = plsc.load_gather(bufs[b], [rowi, ymr], mask=m)
                acc_v[...] = acc_v[...] + jnp.where(m, pk, 0.0)

            def chunk_step(c, j, ymr, yhr, first, last_issued):
                b = j % nbuf
                nb = (j + 2) % nbuf
                gwt(c, b)
                extract(c, b, j % 2, ymr, yhr)
                wst(c, b)
                if not first:
                    wwt(c - 1, nb)
                if not last_issued:
                    gst(c + 2, nb)

            gst(0, 0)
            gst(1, 1)

            @pl.loop(0, body, step=2 * nbuf)
            def _(g):
                for j in range(2 * nbuf):
                    c = g + j
                    if j % 2 == 0:
                        ymr = ym_v[pl.ds(c * ch, _LANES)]
                        yhr = yh_v[pl.ds(c * ch, _LANES)]
                    if j == 0:
                        @pl.when(g > 0)
                        def _():
                            wwt(c - 1, (j + 2) % nbuf)
                        gst(c + 2, (j + 2) % nbuf)
                        gwt(c, j % nbuf)
                        extract(c, j % nbuf, 0, ymr, yhr)
                        wst(c, j % nbuf)
                    else:
                        chunk_step(c, j, ymr, yhr, first=False,
                                   last_issued=False)

            for c in range(body, nch):
                j = c % (2 * nbuf)
                if c % 2 == 0:
                    ymr_e = ym_v[pl.ds(c * ch, _LANES)]
                    yhr_e = yh_v[pl.ds(c * ch, _LANES)]
                chunk_step(c, j, ymr_e, yhr_e, first=False,
                           last_issued=(c + 2 >= nch))
            wwt(nch - 1, (nch - 1) % (2 * nbuf) % nbuf)

        @pl.when(hh == 0)
        def _():
            run(0)

        @pl.when(hh == 1)
        def _():
            run(1)

        pltpu.sync_copy(acc_v, ppick_hbm.at[wid])

    return k(table, x3, ym, yh)



def _sc_lse_pick(lse_all, xf):
    N = xf.shape[0]
    V = lse_all.shape[0]
    bpw = N // _NW
    ngrp = bpw // _LANES

    mesh = plsc.VectorSubcoreMesh(core_axis_name="c", subcore_axis_name="s")

    @pl.kernel(
        out_type=jax.ShapeDtypeStruct((_NW, _LANES), jnp.float32),
        mesh=mesh,
        compiler_params=_sc_compiler_params(),
        scratch_types=[
            pltpu.VMEM((V,), jnp.float32),
            pltpu.VMEM((bpw,), jnp.int32),
            pltpu.VMEM((_LANES,), jnp.float32),
        ],
    )
    def k(lse_hbm, x_hbm, part_hbm, lse_v, x_v, acc_v):
        wid = lax.axis_index("s") * _NC + lax.axis_index("c")
        base = wid * bpw
        pltpu.sync_copy(lse_hbm, lse_v)
        pltpu.sync_copy(x_hbm.at[pl.ds(base, bpw)], x_v)
        acc_v[...] = jnp.zeros((_LANES,), jnp.float32)

        @pl.loop(0, ngrp)
        def _(t):
            xr = x_v[pl.ds(t * _LANES, _LANES)]
            acc_v[...] = acc_v[...] + plsc.load_gather(lse_v, [xr])

        pltpu.sync_copy(acc_v, part_hbm.at[wid])

    return k(lse_all, xf)



def _final_reduce(p_lse, p_pick, n_tokens):
    def body(pl_ref, pp_ref, loss_ref):
        loss_ref[0, 0] = ((jnp.sum(pl_ref[...]) - jnp.sum(pp_ref[...]))
                          / n_tokens)

    return pl.pallas_call(
        body,
        in_specs=[pl.BlockSpec(p_lse.shape, lambda: (0, 0)),
                  pl.BlockSpec(p_pick.shape, lambda: (0, 0))],
        out_specs=pl.BlockSpec(memory_space=pltpu.SMEM),
        out_shape=jax.ShapeDtypeStruct((1, 1), jnp.float32),
    )(p_lse, p_pick)


def kernel(x, y, table):
    B, T = x.shape
    V, C = table.shape
    N = B * T

    xf = x.reshape(N).astype(jnp.int32)
    yf = y.reshape(N).astype(jnp.int32)

    lse_all = _table_lse(table)

    x3 = xf.reshape(16, N // (16 * 8), 8)
    ym = yf & (C // 2 - 1)
    yh = yf >> (C // 2).bit_length() - 1
    logits_flat, p_pick = _sc_gather_ce(table, x3, ym, yh)

    p_lse = _sc_lse_pick(lse_all, xf)
    loss = _final_reduce(p_lse, p_pick, N)
    return (logits_flat.reshape(B, T, C), loss.reshape(()))

# --- scband reference (transcript-rebuilt; emitter-appended) ---
"""Pipeline reference for scband-model-80934363726265 (READ-ONLY COPY).

The authoritative reference and input builder live on the scoring server;
editing this copy changes nothing except your own understanding.
"""

import jax, jax.numpy as jnp
import numpy as np

VOCAB = 8192
B, T = 4, 2048

def setup_inputs(seed: int = 0) -> dict:
    key = jax.random.key(seed)
    k1, k2, k3 = jax.random.split(key, 3)
    x = jax.random.randint(k1, (B, T), 0, VOCAB)
    y = jax.random.randint(k2, (B, T), 0, VOCAB)
    # nn.Embedding default init: N(0, 1)
    table = jax.random.normal(k3, (VOCAB, VOCAB), dtype=jnp.float32)
    return {"x": x, "y": y, "table": table}

def reference(x, y, table):
    # logits = token_embedding_table(x)
    logits = jnp.take(table, x, axis=0)  # [B, T, VOCAB]
    Bv, Tv, C = logits.shape
    flat = logits.reshape(Bv * Tv, C)
    labels = y.reshape(Bv * Tv)
    # F.cross_entropy with mean reduction
    lse = jax.nn.logsumexp(flat, axis=-1)
    picked = jnp.take_along_axis(flat, labels[:, None], axis=1)[:, 0]
    loss = jnp.mean(lse - picked)
    return (logits, loss)

if __name__ == "__main__":
    import jax
    _d = setup_inputs()
    print(jax.jit(kernel)(*tuple(_d.values())))

</pallas_src>

<mosaic_0001>
#map = affine_map<(d0, d1) -> (0, 0)>
#map1 = affine_map<(d0, d1) -> (0, 0, 0)>
#map2 = affine_map<(d0, d1) -> (0)>
module attributes {stable_mosaic.version = 14 : i64} {
  func.func @k(%arg0: i32, %arg1: i32, %arg2: memref<8192x8192xf32, #tpu.memory_space<hbm>>, %arg3: memref<16x64x8xi32, #tpu.memory_space<hbm>>, %arg4: memref<8192xi32, #tpu.memory_space<hbm>>, %arg5: memref<8192xi32, #tpu.memory_space<hbm>>, %arg6: memref<8192x8192xf32, #tpu.memory_space<hbm>>, %arg7: memref<32x16xf32, #tpu.memory_space<hbm>>, %arg8: memref<64x8xi32, #tpu.memory_space<vmem>>, %arg9: memref<8x4096xf32, #tpu.memory_space<vmem>>, %arg10: memref<8x4096xf32, #tpu.memory_space<vmem>>, %arg11: memref<8x4096xf32, #tpu.memory_space<vmem>>, %arg12: memref<512xi32, #tpu.memory_space<vmem>>, %arg13: memref<512xi32, #tpu.memory_space<vmem>>, %arg14: memref<16xf32, #tpu.memory_space<vmem>>, %arg15: memref<!tpu.dma_semaphore, #tpu.memory_space<semaphore_mem>>, %arg16: memref<!tpu.dma_semaphore, #tpu.memory_space<semaphore_mem>>, %arg17: memref<!tpu.dma_semaphore, #tpu.memory_space<semaphore_mem>>, %arg18: memref<!tpu.dma_semaphore, #tpu.memory_space<semaphore_mem>>, %arg19: memref<!tpu.dma_semaphore, #tpu.memory_space<semaphore_mem>>, %arg20: memref<!tpu.dma_semaphore, #tpu.memory_space<semaphore_mem>>) attributes {dimension_semantics = [#tpu.dimension_semantics<core_parallel>, #tpu.dimension_semantics<subcore_parallel>], iteration_bounds = array<i64: 2, 16>, scalar_prefetch = 0 : i64, scratch_operands = 13 : i64, tpu.core_type = #tpu.core_type<sc_vector_subcore>, window_params = [{transform_indices = #map}, {transform_indices = #map1}, {transform_indices = #map2}, {transform_indices = #map2}, {transform_indices = #map}, {transform_indices = #map}]} {
    %mul3A = arith.constant 2 : i32
    %mul3A_0 = arith.muli %arg1, %mul3A : i32
    %add3A = arith.addi %mul3A_0, %arg0 : i32
    %mul3A_1 = arith.constant 512 : i32
    %mul3A_2 = arith.muli %arg1, %mul3A_1 : i32
    "tpu.region"() ({
      %run_scoped3A = tpu.sem_alloc : memref<!tpu.dma_semaphore, #tpu.memory_space<semaphore_mem>>
      %dma_start3A = arith.constant 0 : i32
      %dma_start3A_12 = arith.constant 0 : i32
      %dma_start3A_13 = tpu.memref_slice %arg3[%arg1, %dma_start3A, %dma_start3A_12] : memref<16x64x8xi32, #tpu.memory_space<hbm>> -> memref<1x64x8xi32, #tpu.memory_space<hbm>>
      %dma_start3A_14 = tpu.memref_squeeze %dma_start3A_13 : memref<1x64x8xi32, #tpu.memory_space<hbm>> -> memref<64x8xi32, #tpu.memory_space<hbm>>
      %dma_start3A_15 = arith.constant 0 : i32
      %dma_start3A_16 = arith.constant 0 : i32
      %dma_start3A_17 = tpu.memref_slice %arg3[%arg1, %dma_start3A_15, %dma_start3A_16] : memref<16x64x8xi32, #tpu.memory_space<hbm>> -> memref<1x64x8xi32, #tpu.memory_space<hbm>>
      %dma_start3A_18 = tpu.memref_squeeze %dma_start3A_17 : memref<1x64x8xi32, #tpu.memory_space<hbm>> -> memref<64x8xi32, #tpu.memory_space<hbm>>
      tpu.enqueue_dma source(%dma_start3A_18 : memref<64x8xi32, #tpu.memory_space<hbm>>) target(%arg8 : memref<64x8xi32, #tpu.memory_space<vmem>>) target_semaphore(%run_scoped3A : memref<!tpu.dma_semaphore, #tpu.memory_space<semaphore_mem>>)
      %dma_wait3A = arith.constant 0 : i32
      %dma_wait3A_19 = arith.constant 0 : i32
      %dma_wait3A_20 = tpu.memref_slice %arg3[%arg1, %dma_wait3A, %dma_wait3A_19] : memref<16x64x8xi32, #tpu.memory_space<hbm>> -> memref<1x64x8xi32, #tpu.memory_space<hbm>>
      %dma_wait3A_21 = tpu.memref_squeeze %dma_wait3A_20 : memref<1x64x8xi32, #tpu.memory_space<hbm>> -> memref<64x8xi32, #tpu.memory_space<hbm>>
      %dma_wait3A_22 = arith.constant 0 : i32
      %dma_wait3A_23 = arith.constant 0 : i32
      %dma_wait3A_24 = tpu.memref_slice %arg3[%arg1, %dma_wait3A_22, %dma_wait3A_23] : memref<16x64x8xi32, #tpu.memory_space<hbm>> -> memref<1x64x8xi32, #tpu.memory_space<hbm>>
      %dma_wait3A_25 = tpu.memref_squeeze %dma_wait3A_24 : memref<1x64x8xi32, #tpu.memory_space<hbm>> -> memref<64x8xi32, #tpu.memory_space<hbm>>
      tpu.wait_dma2 semaphore(%run_scoped3A : memref<!tpu.dma_semaphore, #tpu.memory_space<semaphore_mem>>) src(%dma_wait3A_25 : memref<64x8xi32, #tpu.memory_space<hbm>>) dst(%arg8 : memref<64x8xi32, #tpu.memory_space<vmem>>)
      tpu.yield
    }) : () -> ()
    "tpu.region"() ({
      %run_scoped3A = tpu.sem_alloc : memref<!tpu.dma_semaphore, #tpu.memory_space<semaphore_mem>>
      %dma_start3A = tpu.memref_slice %arg4[%mul3A_2] : memref<8192xi32, #tpu.memory_space<hbm>> -> memref<512xi32, #tpu.memory_space<hbm>>
      %dma_start3A_12 = tpu.memref_slice %arg4[%mul3A_2] : memref<8192xi32, #tpu.memory_space<hbm>> -> memref<512xi32, #tpu.memory_space<hbm>>
      tpu.enqueue_dma source(%dma_start3A_12 : memref<512xi32, #tpu.memory_space<hbm>>) target(%arg12 : memref<512xi32, #tpu.memory_space<vmem>>) target_semaphore(%run_scoped3A : memref<!tpu.dma_semaphore, #tpu.memory_space<semaphore_mem>>)
      %dma_wait3A = tpu.memref_slice %arg4[%mul3A_2] : memref<8192xi32, #tpu.memory_space<hbm>> -> memref<512xi32, #tpu.memory_space<hbm>>
      %dma_wait3A_13 = tpu.memref_slice %arg4[%mul3A_2] : memref<8192xi32, #tpu.memory_space<hbm>> -> memref<512xi32, #tpu.memory_space<hbm>>
      tpu.wait_dma2 semaphore(%run_scoped3A : memref<!tpu.dma_semaphore, #tpu.memory_space<semaphore_mem>>) src(%dma_wait3A_13 : memref<512xi32, #tpu.memory_space<hbm>>) dst(%arg12 : memref<512xi32, #tpu.memory_space<vmem>>)
      tpu.yield
    }) : () -> ()
    "tpu.region"() ({
      %run_scoped3A = tpu.sem_alloc : memref<!tpu.dma_semaphore, #tpu.memory_space<semaphore_mem>>
      %dma_start3A = tpu.memref_slice %arg5[%mul3A_2] : memref<8192xi32, #tpu.memory_space<hbm>> -> memref<512xi32, #tpu.memory_space<hbm>>
      %dma_start3A_12 = tpu.memref_slice %arg5[%mul3A_2] : memref<8192xi32, #tpu.memory_space<hbm>> -> memref<512xi32, #tpu.memory_space<hbm>>
      tpu.enqueue_dma source(%dma_start3A_12 : memref<512xi32, #tpu.memory_space<hbm>>) target(%arg13 : memref<512xi32, #tpu.memory_space<vmem>>) target_semaphore(%run_scoped3A : memref<!tpu.dma_semaphore, #tpu.memory_space<semaphore_mem>>)
      %dma_wait3A = tpu.memref_slice %arg5[%mul3A_2] : memref<8192xi32, #tpu.memory_space<hbm>> -> memref<512xi32, #tpu.memory_space<hbm>>
      %dma_wait3A_13 = tpu.memref_slice %arg5[%mul3A_2] : memref<8192xi32, #tpu.memory_space<hbm>> -> memref<512xi32, #tpu.memory_space<hbm>>
      tpu.wait_dma2 semaphore(%run_scoped3A : memref<!tpu.dma_semaphore, #tpu.memory_space<semaphore_mem>>) src(%dma_wait3A_13 : memref<512xi32, #tpu.memory_space<hbm>>) dst(%arg13 : memref<512xi32, #tpu.memory_space<vmem>>)
      tpu.yield
    }) : () -> ()
    %broadcast_in_dim3A = arith.constant 0.000000e+00 : f32
    %broadcast_in_dim3A_3 = vector.broadcast %broadcast_in_dim3A : f32 to vector<16xf32>
    %swap3A = arith.constant 0 : index
    %swap3A_4 = tpu.vector_load %arg14[%swap3A] {strides = array<i32>} : memref<16xf32, #tpu.memory_space<vmem>>, vector<16xf32>,
    tpu.vector_store %arg14[%swap3A], %broadcast_in_dim3A_3 {strides = array<i32>} : memref<16xf32, #tpu.memory_space<vmem>>, vector<16xf32>,
    %iota3A = tpu.iota {dimensions = array<i32: 0>} : vector<16xi32>
    %eq3A = arith.constant 0 : i32
    %eq3A_5 = arith.cmpi eq, %arg0, %eq3A : i32
    %convert_element_type3A = arith.extui %eq3A_5 : i1 to i32
    %cond3A = arith.constant 0 : i32
    %cond3A_6 = arith.cmpi ne, %convert_element_type3A, %cond3A : i32
    scf.if %cond3A_6 {
      %dma_start3A = arith.constant 0 : i32
      %dma_start3A_12 = arith.constant 0 : i32
      %dma_start3A_13 = tpu.memref_slice %arg8[%dma_start3A, %dma_start3A_12] : memref<64x8xi32, #tpu.memory_space<vmem>> -> memref<1x8xi32, #tpu.memory_space<vmem>>
      %dma_start3A_14 = tpu.memref_squeeze %dma_start3A_13 : memref<1x8xi32, #tpu.memory_space<vmem>> -> memref<8xi32, #tpu.memory_space<vmem>>
      %dma_start3A_15 = arith.constant 0 : i32
      %dma_start3A_16 = arith.constant 0 : i32
      %dma_start3A_17 = tpu.memref_slice %arg2[%dma_start3A_15, %dma_start3A_16] : memref<8192x8192xf32, #tpu.memory_space<hbm>> -> memref<8192x4096xf32, #tpu.memory_space<hbm>>
      %dma_start3A_18 = arith.constant 0 : i32
      %dma_start3A_19 = arith.constant 0 : i32
      %dma_start3A_20 = tpu.memref_slice %dma_start3A_17[%dma_start3A_18, %dma_start3A_19] : memref<8192x4096xf32, #tpu.memory_space<hbm>> -> memref<8192x4096xf32, #tpu.memory_space<hbm>>
      tpu.enqueue_indirect_dma source(%dma_start3A_20 : memref<8192x4096xf32, #tpu.memory_space<hbm>>) target(%arg9 : memref<8x4096xf32, #tpu.memory_space<vmem>>) offsets(%dma_start3A_14 : memref<8xi32, #tpu.memory_space<vmem>>) semaphore(%arg15 : memref<!tpu.dma_semaphore, #tpu.memory_space<semaphore_mem>>)
      %dma_start3A_21 = arith.constant 1 : i32
      %dma_start3A_22 = arith.constant 0 : i32
      %dma_start3A_23 = tpu.memref_slice %arg8[%dma_start3A_21, %dma_start3A_22] : memref<64x8xi32, #tpu.memory_space<vmem>> -> memref<1x8xi32, #tpu.memory_space<vmem>>
      %dma_start3A_24 = tpu.memref_squeeze %dma_start3A_23 : memref<1x8xi32, #tpu.memory_space<vmem>> -> memref<8xi32, #tpu.memory_space<vmem>>
      %dma_start3A_25 = arith.constant 0 : i32
      %dma_start3A_26 = arith.constant 0 : i32
      %dma_start3A_27 = tpu.memref_slice %arg2[%dma_start3A_25, %dma_start3A_26] : memref<8192x8192xf32, #tpu.memory_space<hbm>> -> memref<8192x4096xf32, #tpu.memory_space<hbm>>
      %dma_start3A_28 = arith.constant 0 : i32
      %dma_start3A_29 = arith.constant 0 : i32
      %dma_start3A_30 = tpu.memref_slice %dma_start3A_27[%dma_start3A_28, %dma_start3A_29] : memref<8192x4096xf32, #tpu.memory_space<hbm>> -> memref<8192x4096xf32, #tpu.memory_space<hbm>>
      tpu.enqueue_indirect_dma source(%dma_start3A_30 : memref<8192x4096xf32, #tpu.memory_space<hbm>>) target(%arg10 : memref<8x4096xf32, #tpu.memory_space<vmem>>) offsets(%dma_start3A_24 : memref<8xi32, #tpu.memory_space<vmem>>) semaphore(%arg16 : memref<!tpu.dma_semaphore, #tpu.memory_space<semaphore_mem>>)
      %scan3A = arith.constant 0 : i32
      %scan3A_31 = arith.constant 10 : i32
      %scan3A_32 = arith.addi %scan3A, %scan3A_31 : i32
      %scan3A_33 = arith.constant 1 : i32
      scf.for %scan3A_228 = %scan3A to %scan3A_32 step %scan3A_33  : i32 {
        %mul3A_229 = arith.constant 6 : i32
        %mul3A_230 = arith.muli %scan3A_228, %mul3A_229 : i32
        %add3A_231 = arith.constant 0 : i32
        %add3A_232 = arith.addi %add3A_231, %mul3A_230 : i32
        %add3A_233 = arith.constant 0 : i32
        %add3A_234 = arith.addi %add3A_232, %add3A_233 : i32
        %mul3A_235 = arith.constant 8 : i32
        %mul3A_236 = arith.muli %add3A_234, %mul3A_235 : i32
        %get3A_237 = arith.index_cast %mul3A_236 : i32 to index
        %get3A_238 = tpu.vector_load %arg12[%get3A_237] {strides = array<i32>} : memref<512xi32, #tpu.memory_space<vmem>>, vector<16xi32>,
        %mul3A_239 = arith.constant 8 : i32
        %mul3A_240 = arith.muli %add3A_234, %mul3A_239 : i32
        %get3A_241 = arith.index_cast %mul3A_240 : i32 to index
        %get3A_242 = tpu.vector_load %arg13[%get3A_241] {strides = array<i32>} : memref<512xi32, #tpu.memory_space<vmem>>, vector<16xi32>,
        %gt3A = arith.constant 0 : i32
        %gt3A_243 = arith.cmpi sgt, %add3A_232, %gt3A : i32
        %convert_element_type3A_244 = arith.extui %gt3A_243 : i1 to i32
        %cond3A_245 = arith.constant 0 : i32
        %cond3A_246 = arith.cmpi ne, %convert_element_type3A_244, %cond3A_245 : i32
        scf.if %cond3A_246 {
          %sub3A_603 = arith.constant 1 : i32
          %sub3A_604 = arith.subi %add3A_234, %sub3A_603 : i32
          %mul3A_605 = arith.constant 8 : i32
          %mul3A_606 = arith.muli %sub3A_604, %mul3A_605 : i32
          %add3A_607 = arith.addi %mul3A_2, %mul3A_606 : i32
          %dma_wait3A_608 = arith.constant 0 : i32
          %dma_wait3A_609 = tpu.memref_slice %arg6[%add3A_607, %dma_wait3A_608] : memref<8192x8192xf32, #tpu.memory_space<hbm>> -> memref<8x4096xf32, #tpu.memory_space<hbm>>
          %dma_wait3A_610 = arith.constant 0 : i32
          %dma_wait3A_611 = tpu.memref_slice %arg6[%add3A_607, %dma_wait3A_610] : memref<8192x8192xf32, #tpu.memory_space<hbm>> -> memref<8x4096xf32, #tpu.memory_space<hbm>>
          tpu.wait_dma2 semaphore(%arg20 : memref<!tpu.dma_semaphore, #tpu.memory_space<semaphore_mem>>) src(%arg11 : memref<8x4096xf32, #tpu.memory_space<vmem>>) dst(%dma_wait3A_611 : memref<8x4096xf32, #tpu.memory_space<hbm>>)
        } else {
        }
        %add3A_247 = arith.constant 2 : i32
        %add3A_248 = arith.addi %add3A_234, %add3A_247 : i32
        %dma_start3A_249 = arith.constant 0 : i32
        %dma_start3A_250 = tpu.memref_slice %arg8[%add3A_248, %dma_start3A_249] : memref<64x8xi32, #tpu.memory_space<vmem>> -> memref<1x8xi32, #tpu.memory_space<vmem>>
        %dma_start3A_251 = tpu.memref_squeeze %dma_start3A_250 : memref<1x8xi32, #tpu.memory_space<vmem>> -> memref<8xi32, #tpu.memory_space<vmem>>
        %dma_start3A_252 = arith.constant 0 : i32
        %dma_start3A_253 = arith.constant 0 : i32
        %dma_start3A_254 = tpu.memref_slice %arg2[%dma_start3A_252, %dma_start3A_253] : memref<8192x8192xf32, #tpu.memory_space<hbm>> -> memref<8192x4096xf32, #tpu.memory_space<hbm>>
        %dma_start3A_255 = arith.constant 0 : i32
        %dma_start3A_256 = arith.constant 0 : i32
        %dma_start3A_257 = tpu.memref_slice %dma_start3A_254[%dma_start3A_255, %dma_start3A_256] : memref<8192x4096xf32, #tpu.memory_space<hbm>> -> memref<8192x4096xf32, #tpu.memory_space<hbm>>
        tpu.enqueue_indirect_dma source(%dma_start3A_257 : memref<8192x4096xf32, #tpu.memory_space<hbm>>) target(%arg11 : memref<8x4096xf32, #tpu.memory_space<vmem>>) offsets(%dma_start3A_251 : memref<8xi32, #tpu.memory_space<vmem>>) semaphore(%arg17 : memref<!tpu.dma_semaphore, #tpu.memory_space<semaphore_mem>>)
        %dma_wait3A_258 = arith.constant 0 : i32
        %dma_wait3A_259 = tpu.memref_slice %arg8[%add3A_234, %dma_wait3A_258] : memref<64x8xi32, #tpu.memory_space<vmem>> -> memref<1x8xi32, #tpu.memory_space<vmem>>
        %dma_wait3A_260 = tpu.memref_squeeze %dma_wait3A_259 : memref<1x8xi32, #tpu.memory_space<vmem>> -> memref<8xi32, #tpu.memory_space<vmem>>
        %dma_wait3A_261 = arith.constant 0 : i32
        %dma_wait3A_262 = arith.constant 0 : i32
        %dma_wait3A_263 = tpu.memref_slice %arg2[%dma_wait3A_261, %dma_wait3A_262] : memref<8192x8192xf32, #tpu.memory_space<hbm>> -> memref<8192x4096xf32, #tpu.memory_space<hbm>>
        %dma_wait3A_264 = arith.constant 0 : i32
        %dma_wait3A_265 = arith.constant 0 : i32
        %dma_wait3A_266 = tpu.memref_slice %dma_wait3A_263[%dma_wait3A_264, %dma_wait3A_265] : memref<8192x4096xf32, #tpu.memory_space<hbm>> -> memref<8192x4096xf32, #tpu.memory_space<hbm>>
        tpu.wait_indirect_dma semaphore(%arg15 : memref<!tpu.dma_semaphore, #tpu.memory_space<semaphore_mem>>) src(%dma_wait3A_266 : memref<8192x4096xf32, #tpu.memory_space<hbm>>) dst(%arg9 : memref<8x4096xf32, #tpu.memory_space<vmem>>)
        %lt3A_267 = arith.constant 8 : i32
        %lt3A_268 = vector.broadcast %lt3A_267 : i32 to vector<16xi32>
        %lt3A_269 = arith.cmpi slt, %iota3A, %lt3A_268 : vector<16xi32>
        %eq3A_270 = arith.constant 0 : i32
        %eq3A_271 = vector.broadcast %eq3A_270 : i32 to vector<16xi32>
        %eq3A_272 = arith.cmpi eq, %get3A_242, %eq3A_271 : vector<16xi32>
        %and3A_273 = arith.andi %lt3A_269, %eq3A_272 : vector<16xi1>
        %min3A_274 = arith.constant 7 : i32
        %min3A_275 = vector.broadcast %min3A_274 : i32 to vector<16xi32>
        %min3A_276 = arith.minsi %iota3A, %min3A_275 : vector<16xi32>
        %gather3A_277 = tpu.vector_load_idx %arg9[%min3A_276, %get3A_238] masked %and3A_273 : memref<8x4096xf32, #tpu.memory_space<vmem>>[vector<16xi32>, vector<16xi32>], vector<16xf32>, vector<16xi1>
        %get3A_278 = arith.constant 0 : index
        %get3A_279 = tpu.vector_load %arg14[%get3A_278] {strides = array<i32>} : memref<16xf32, #tpu.memory_space<vmem>>, vector<16xf32>,
        %jit3A_280 = arith.constant 0.000000e+00 : f32
        %broadcast_in_dim3A_281 = vector.broadcast %jit3A_280 : f32 to vector<16xf32>
        %select_n3A_282 = arith.select %and3A_273, %gather3A_277, %broadcast_in_dim3A_281 : vector<16xi1>, vector<16xf32>
        %add3A_283 = arith.addf %get3A_279, %select_n3A_282 : vector<16xf32>
        %swap3A_284 = arith.constant 0 : index
        %swap3A_285 = tpu.vector_load %arg14[%swap3A_284] {strides = array<i32>} : memref<16xf32, #tpu.memory_space<vmem>>, vector<16xf32>,
        tpu.vector_store %arg14[%swap3A_284], %add3A_283 {strides = array<i32>} : memref<16xf32, #tpu.memory_space<vmem>>, vector<16xf32>,
        %mul3A_286 = arith.constant 8 : i32
        %mul3A_287 = arith.muli %add3A_234, %mul3A_286 : i32
        %add3A_288 = arith.addi %mul3A_2, %mul3A_287 : i32
        %dma_start3A_289 = arith.constant 0 : i32
        %dma_start3A_290 = tpu.memref_slice %arg6[%add3A_288, %dma_start3A_289] : memref<8192x8192xf32, #tpu.memory_space<hbm>> -> memref<8x4096xf32, #tpu.memory_space<hbm>>
        %dma_start3A_291 = arith.constant 0 : i32
        %dma_start3A_292 = tpu.memref_slice %arg6[%add3A_288, %dma_start3A_291] : memref<8192x8192xf32, #tpu.memory_space<hbm>> -> memref<8x4096xf32, #tpu.memory_space<hbm>>
        tpu.enqueue_dma source(%arg9 : memref<8x4096xf32, #tpu.memory_space<vmem>>) target(%dma_start3A_292 : memref<8x4096xf32, #tpu.memory_space<hbm>>) target_semaphore(%arg18 : memref<!tpu.dma_semaphore, #tpu.memory_space<semaphore_mem>>)
        %add3A_293 = arith.constant 1 : i32
        %add3A_294 = arith.addi %add3A_232, %add3A_293 : i32
        %dma_wait3A_295 = arith.constant 0 : i32
        %dma_wait3A_296 = tpu.memref_slice %arg8[%add3A_294, %dma_wait3A_295] : memref<64x8xi32, #tpu.memory_space<vmem>> -> memref<1x8xi32, #tpu.memory_space<vmem>>
        %dma_wait3A_297 = tpu.memref_squeeze %dma_wait3A_296 : memref<1x8xi32, #tpu.memory_space<vmem>> -> memref<8xi32, #tpu.memory_space<vmem>>
        %dma_wait3A_298 = arith.constant 0 : i32
        %dma_wait3A_299 = arith.constant 0 : i32
        %dma_wait3A_300 = tpu.memref_slice %arg2[%dma_wait3A_298, %dma_wait3A_299] : memref<8192x8192xf32, #tpu.memory_space<hbm>> -> memref<8192x4096xf32, #tpu.memory_space<hbm>>
        %dma_wait3A_301 = arith.constant 0 : i32
        %dma_wait3A_302 = arith.constant 0 : i32
        %dma_wait3A_303 = tpu.memref_slice %dma_wait3A_300[%dma_wait3A_301, %dma_wait3A_302] : memref<8192x4096xf32, #tpu.memory_space<hbm>> -> memref<8192x4096xf32, #tpu.memory_space<hbm>>
        tpu.wait_indirect_dma semaphore(%arg16 : memref<!tpu.dma_semaphore, #tpu.memory_space<semaphore_mem>>) src(%dma_wait3A_303 : memref<8192x4096xf32, #tpu.memory_space<hbm>>) dst(%arg10 : memref<8x4096xf32, #tpu.memory_space<vmem>>)
        %ge3A_304 = arith.constant 8 : i32
        %ge3A_305 = vector.broadcast %ge3A_304 : i32 to vector<16xi32>
        %ge3A_306 = arith.cmpi sge, %iota3A, %ge3A_305 : vector<16xi32>
        %eq3A_307 = arith.constant 0 : i32
        %eq3A_308 = vector.broadcast %eq3A_307 : i32 to vector<16xi32>
        %eq3A_309 = arith.cmpi eq, %get3A_242, %eq3A_308 : vector<16xi32>
        %and3A_310 = arith.andi %ge3A_306, %eq3A_309 : vector<16xi1>
        %sub3A_311 = arith.constant 8 : i32
        %sub3A_312 = vector.broadcast %sub3A_311 : i32 to vector<16xi32>
        %sub3A_313 = arith.subi %iota3A, %sub3A_312 : vector<16xi32>
        %max3A_314 = arith.constant 0 : i32
        %max3A_315 = vector.broadcast %max3A_314 : i32 to vector<16xi32>
        %max3A_316 = arith.maxsi %sub3A_313, %max3A_315 : vector<16xi32>
        %gather3A_317 = tpu.vector_load_idx %arg10[%max3A_316, %get3A_238] masked %and3A_310 : memref<8x4096xf32, #tpu.memory_space<vmem>>[vector<16xi32>, vector<16xi32>], vector<16xf32>, vector<16xi1>
        %get3A_318 = arith.constant 0 : index
        %get3A_319 = tpu.vector_load %arg14[%get3A_318] {strides = array<i32>} : memref<16xf32, #tpu.memory_space<vmem>>, vector<16xf32>,
        %jit3A_320 = arith.constant 0.000000e+00 : f32
        %broadcast_in_dim3A_321 = vector.broadcast %jit3A_320 : f32 to vector<16xf32>
        %select_n3A_322 = arith.select %and3A_310, %gather3A_317, %broadcast_in_dim3A_321 : vector<16xi1>, vector<16xf32>
        %add3A_323 = arith.addf %get3A_319, %select_n3A_322 : vector<16xf32>
        %swap3A_324 = arith.constant 0 : index
        %swap3A_325 = tpu.vector_load %arg14[%swap3A_324] {strides = array<i32>} : memref<16xf32, #tpu.memory_space<vmem>>, vector<16xf32>,
        tpu.vector_store %arg14[%swap3A_324], %add3A_323 {strides = array<i32>} : memref<16xf32, #tpu.memory_space<vmem>>, vector<16xf32>,
        %mul3A_326 = arith.constant 8 : i32
        %mul3A_327 = arith.muli %add3A_294, %mul3A_326 : i32
        %add3A_328 = arith.addi %mul3A_2, %mul3A_327 : i32
        %dma_start3A_329 = arith.constant 0 : i32
        %dma_start3A_330 = tpu.memref_slice %arg6[%add3A_328, %dma_start3A_329] : memref<8192x8192xf32, #tpu.memory_space<hbm>> -> memref<8x4096xf32, #tpu.memory_space<hbm>>
        %dma_start3A_331 = arith.constant 0 : i32
        %dma_start3A_332 = tpu.memref_slice %arg6[%add3A_328, %dma_start3A_331] : memref<8192x8192xf32, #tpu.memory_space<hbm>> -> memref<8x4096xf32, #tpu.memory_space<hbm>>
        tpu.enqueue_dma source(%arg10 : memref<8x4096xf32, #tpu.memory_space<vmem>>) target(%dma_start3A_332 : memref<8x4096xf32, #tpu.memory_space<hbm>>) target_semaphore(%arg19 : memref<!tpu.dma_semaphore, #tpu.memory_space<semaphore_mem>>)
        %sub3A_333 = arith.constant 1 : i32
        %sub3A_334 = arith.subi %add3A_294, %sub3A_333 : i32
        %mul3A_335 = arith.constant 8 : i32
        %mul3A_336 = arith.muli %sub3A_334, %mul3A_335 : i32
        %add3A_337 = arith.addi %mul3A_2, %mul3A_336 : i32
        %dma_wait3A_338 = arith.constant 0 : i32
        %dma_wait3A_339 = tpu.memref_slice %arg6[%add3A_337, %dma_wait3A_338] : memref<8192x8192xf32, #tpu.memory_space<hbm>> -> memref<8x4096xf32, #tpu.memory_space<hbm>>
        %dma_wait3A_340 = arith.constant 0 : i32
        %dma_wait3A_341 = tpu.memref_slice %arg6[%add3A_337, %dma_wait3A_340] : memref<8192x8192xf32, #tpu.memory_space<hbm>> -> memref<8x4096xf32, #tpu.memory_space<hbm>>
        tpu.wait_dma2 semaphore(%arg18 : memref<!tpu.dma_semaphore, #tpu.memory_space<semaphore_mem>>) src(%arg9 : memref<8x4096xf32, #tpu.memory_space<vmem>>) dst(%dma_wait3A_341 : memref<8x4096xf32, #tpu.memory_space<hbm>>)
        %add3A_342 = arith.constant 2 : i32
        %add3A_343 = arith.addi %add3A_294, %add3A_342 : i32
        %dma_start3A_344 = arith.constant 0 : i32
        %dma_start3A_345 = tpu.memref_slice %arg8[%add3A_343, %dma_start3A_344] : memref<64x8xi32, #tpu.memory_space<vmem>> -> memref<1x8xi32, #tpu.memory_space<vmem>>
        %dma_start3A_346 = tpu.memref_squeeze %dma_start3A_345 : memref<1x8xi32, #tpu.memory_space<vmem>> -> memref<8xi32, #tpu.memory_space<vmem>>
        %dma_start3A_347 = arith.constant 0 : i32
        %dma_start3A_348 = arith.constant 0 : i32
        %dma_start3A_349 = tpu.memref_slice %arg2[%dma_start3A_347, %dma_start3A_348] : memref<8192x8192xf32, #tpu.memory_space<hbm>> -> memref<8192x4096xf32, #tpu.memory_space<hbm>>
        %dma_start3A_350 = arith.constant 0 : i32
        %dma_start3A_351 = arith.constant 0 : i32
        %dma_start3A_352 = tpu.memref_slice %dma_start3A_349[%dma_start3A_350, %dma_start3A_351] : memref<8192x4096xf32, #tpu.memory_space<hbm>> -> memref<8192x4096xf32, #tpu.memory_space<hbm>>
        tpu.enqueue_indirect_dma source(%dma_start3A_352 : memref<8192x4096xf32, #tpu.memory_space<hbm>>) target(%arg9 : memref<8x4096xf32, #tpu.memory_space<vmem>>) offsets(%dma_start3A_346 : memref<8xi32, #tpu.memory_space<vmem>>) semaphore(%arg15 : memref<!tpu.dma_semaphore, #tpu.memory_space<semaphore_mem>>)
        %add3A_353 = arith.constant 2 : i32
        %add3A_354 = arith.addi %add3A_232, %add3A_353 : i32
        %mul3A_355 = arith.constant 8 : i32
        %mul3A_356 = arith.muli %add3A_354, %mul3A_355 : i32
        %get3A_357 = arith.index_cast %mul3A_356 : i32 to index
        %get3A_358 = tpu.vector_load %arg12[%get3A_357] {strides = array<i32>} : memref<512xi32, #tpu.memory_space<vmem>>, vector<16xi32>,
        %mul3A_359 = arith.constant 8 : i32
        %mul3A_360 = arith.muli %add3A_354, %mul3A_359 : i32
        %get3A_361 = arith.index_cast %mul3A_360 : i32 to index
        %get3A_362 = tpu.vector_load %arg13[%get3A_361] {strides = array<i32>} : memref<512xi32, #tpu.memory_space<vmem>>, vector<16xi32>,
        %dma_wait3A_363 = arith.constant 0 : i32
        %dma_wait3A_364 = tpu.memref_slice %arg8[%add3A_354, %dma_wait3A_363] : memref<64x8xi32, #tpu.memory_space<vmem>> -> memref<1x8xi32, #tpu.memory_space<vmem>>
        %dma_wait3A_365 = tpu.memref_squeeze %dma_wait3A_364 : memref<1x8xi32, #tpu.memory_space<vmem>> -> memref<8xi32, #tpu.memory_space<vmem>>
        %dma_wait3A_366 = arith.constant 0 : i32
        %dma_wait3A_367 = arith.constant 0 : i32
        %dma_wait3A_368 = tpu.memref_slice %arg2[%dma_wait3A_366, %dma_wait3A_367] : memref<8192x8192xf32, #tpu.memory_space<hbm>> -> memref<8192x4096xf32, #tpu.memory_space<hbm>>
        %dma_wait3A_369 = arith.constant 0 : i32
        %dma_wait3A_370 = arith.constant 0 : i32
        %dma_wait3A_371 = tpu.memref_slice %dma_wait3A_368[%dma_wait3A_369, %dma_wait3A_370] : memref<8192x4096xf32, #tpu.memory_space<hbm>> -> memref<8192x4096xf32, #tpu.memory_space<hbm>>
        tpu.wait_indirect_dma semaphore(%arg17 : memref<!tpu.dma_semaphore, #tpu.memory_space<semaphore_mem>>) src(%dma_wait3A_371 : memref<8192x4096xf32, #tpu.memory_space<hbm>>) dst(%arg11 : memref<8x4096xf32, #tpu.memory_space<vmem>>)
        %lt3A_372 = arith.constant 8 : i32
        %lt3A_373 = vector.broadcast %lt3A_372 : i32 to vector<16xi32>
        %lt3A_374 = arith.cmpi slt, %iota3A, %lt3A_373 : vector<16xi32>
        %eq3A_375 = arith.constant 0 : i32
        %eq3A_376 = vector.broadcast %eq3A_375 : i32 to vector<16xi32>
        %eq3A_377 = arith.cmpi eq, %get3A_362, %eq3A_376 : vector<16xi32>
        %and3A_378 = arith.andi %lt3A_374, %eq3A_377 : vector<16xi1>
        %min3A_379 = arith.constant 7 : i32
        %min3A_380 = vector.broadcast %min3A_379 : i32 to vector<16xi32>
        %min3A_381 = arith.minsi %iota3A, %min3A_380 : vector<16xi32>
        %gather3A_382 = tpu.vector_load_idx %arg11[%min3A_381, %get3A_358] masked %and3A_378 : memref<8x4096xf32, #tpu.memory_space<vmem>>[vector<16xi32>, vector<16xi32>], vector<16xf32>, vector<16xi1>
        %get3A_383 = arith.constant 0 : index
        %get3A_384 = tpu.vector_load %arg14[%get3A_383] {strides = array<i32>} : memref<16xf32, #tpu.memory_space<vmem>>, vector<16xf32>,
        %jit3A_385 = arith.constant 0.000000e+00 : f32
        %broadcast_in_dim3A_386 = vector.broadcast %jit3A_385 : f32 to vector<16xf32>
        %select_n3A_387 = arith.select %and3A_378, %gather3A_382, %broadcast_in_dim3A_386 : vector<16xi1>, vector<16xf32>
        %add3A_388 = arith.addf %get3A_384, %select_n3A_387 : vector<16xf32>
        %swap3A_389 = arith.constant 0 : index
        %swap3A_390 = tpu.vector_load %arg14[%swap3A_389] {strides = array<i32>} : memref<16xf32, #tpu.memory_space<vmem>>, vector<16xf32>,
        tpu.vector_store %arg14[%swap3A_389], %add3A_388 {strides = array<i32>} : memref<16xf32, #tpu.memory_space<vmem>>, vector<16xf32>,
        %mul3A_391 = arith.constant 8 : i32
        %mul3A_392 = arith.muli %add3A_354, %mul3A_391 : i32
        %add3A_393 = arith.addi %mul3A_2, %mul3A_392 : i32
        %dma_start3A_394 = arith.constant 0 : i32
        %dma_start3A_395 = tpu.memref_slice %arg6[%add3A_393, %dma_start3A_394] : memref<8192x8192xf32, #tpu.memory_space<hbm>> -> memref<8x4096xf32, #tpu.memory_space<hbm>>
        %dma_start3A_396 = arith.constant 0 : i32
        %dma_start3A_397 = tpu.memref_slice %arg6[%add3A_393, %dma_start3A_396] : memref<8192x8192xf32, #tpu.memory_space<hbm>> -> memref<8x4096xf32, #tpu.memory_space<hbm>>
        tpu.enqueue_dma source(%arg11 : memref<8x4096xf32, #tpu.memory_space<vmem>>) target(%dma_start3A_397 : memref<8x4096xf32, #tpu.memory_space<hbm>>) target_semaphore(%arg20 : memref<!tpu.dma_semaphore, #tpu.memory_space<semaphore_mem>>)
        %sub3A_398 = arith.constant 1 : i32
        %sub3A_399 = arith.subi %add3A_354, %sub3A_398 : i32
        %mul3A_400 = arith.constant 8 : i32
        %mul3A_401 = arith.muli %sub3A_399, %mul3A_400 : i32
        %add3A_402 = arith.addi %mul3A_2, %mul3A_401 : i32
        %dma_wait3A_403 = arith.constant 0 : i32
        %dma_wait3A_404 = tpu.memref_slice %arg6[%add3A_402, %dma_wait3A_403] : memref<8192x8192xf32, #tpu.memory_space<hbm>> -> memref<8x4096xf32, #tpu.memory_space<hbm>>
        %dma_wait3A_405 = arith.constant 0 : i32
        %dma_wait3A_406 = tpu.memref_slice %arg6[%add3A_402, %dma_wait3A_405] : memref<8192x8192xf32, #tpu.memory_space<hbm>> -> memref<8x4096xf32, #tpu.memory_space<hbm>>
        tpu.wait_dma2 semaphore(%arg19 : memref<!tpu.dma_semaphore, #tpu.memory_space<semaphore_mem>>) src(%arg10 : memref<8x4096xf32, #tpu.memory_space<vmem>>) dst(%dma_wait3A_406 : memref<8x4096xf32, #tpu.memory_space<hbm>>)
        %add3A_407 = arith.constant 2 : i32
        %add3A_408 = arith.addi %add3A_354, %add3A_407 : i32
        %dma_start3A_409 = arith.constant 0 : i32
        %dma_start3A_410 = tpu.memref_slice %arg8[%add3A_408, %dma_start3A_409] : memref<64x8xi32, #tpu.memory_space<vmem>> -> memref<1x8xi32, #tpu.memory_space<vmem>>
        %dma_start3A_411 = tpu.memref_squeeze %dma_start3A_410 : memref<1x8xi32, #tpu.memory_space<vmem>> -> memref<8xi32, #tpu.memory_space<vmem>>
        %dma_start3A_412 = arith.constant 0 : i32
        %dma_start3A_413 = arith.constant 0 : i32
        %dma_start3A_414 = tpu.memref_slice %arg2[%dma_start3A_412, %dma_start3A_413] : memref<8192x8192xf32, #tpu.memory_space<hbm>> -> memref<8192x4096xf32, #tpu.memory_space<hbm>>
        %dma_start3A_415 = arith.constant 0 : i32
        %dma_start3A_416 = arith.constant 0 : i32
        %dma_start3A_417 = tpu.memref_slice %dma_start3A_414[%dma_start3A_415, %dma_start3A_416] : memref<8192x4096xf32, #tpu.memory_space<hbm>> -> memref<8192x4096xf32, #tpu.memory_space<hbm>>
        tpu.enqueue_indirect_dma source(%dma_start3A_417 : memref<8192x4096xf32, #tpu.memory_space<hbm>>) target(%arg10 : memref<8x4096xf32, #tpu.memory_space<vmem>>) offsets(%dma_start3A_411 : memref<8xi32, #tpu.memory_space<vmem>>) semaphore(%arg16 : memref<!tpu.dma_semaphore, #tpu.memory_space<semaphore_mem>>)
        %add3A_418 = arith.constant 3 : i32
        %add3A_419 = arith.addi %add3A_232, %add3A_418 : i32
        %dma_wait3A_420 = arith.constant 0 : i32
        %dma_wait3A_421 = tpu.memref_slice %arg8[%add3A_419, %dma_wait3A_420] : memref<64x8xi32, #tpu.memory_space<vmem>> -> memref<1x8xi32, #tpu.memory_space<vmem>>
        %dma_wait3A_422 = tpu.memref_squeeze %dma_wait3A_421 : memref<1x8xi32, #tpu.memory_space<vmem>> -> memref<8xi32, #tpu.memory_space<vmem>>
        %dma_wait3A_423 = arith.constant 0 : i32
        %dma_wait3A_424 = arith.constant 0 : i32
        %dma_wait3A_425 = tpu.memref_slice %arg2[%dma_wait3A_423, %dma_wait3A_424] : memref<8192x8192xf32, #tpu.memory_space<hbm>> -> memref<8192x4096xf32, #tpu.memory_space<hbm>>
        %dma_wait3A_426 = arith.constant 0 : i32
        %dma_wait3A_427 = arith.constant 0 : i32
        %dma_wait3A_428 = tpu.memref_slice %dma_wait3A_425[%dma_wait3A_426, %dma_wait3A_427] : memref<8192x4096xf32, #tpu.memory_space<hbm>> -> memref<8192x4096xf32, #tpu.memory_space<hbm>>
        tpu.wait_indirect_dma semaphore(%arg15 : memref<!tpu.dma_semaphore, #tpu.memory_space<semaphore_mem>>) src(%dma_wait3A_428 : memref<8192x4096xf32, #tpu.memory_space<hbm>>) dst(%arg9 : memref<8x4096xf32, #tpu.memory_space<vmem>>)
        %ge3A_429 = arith.constant 8 : i32
        %ge3A_430 = vector.broadcast %ge3A_429 : i32 to vector<16xi32>
        %ge3A_431 = arith.cmpi sge, %iota3A, %ge3A_430 : vector<16xi32>
        %eq3A_432 = arith.constant 0 : i32
        %eq3A_433 = vector.broadcast %eq3A_432 : i32 to vector<16xi32>
        %eq3A_434 = arith.cmpi eq, %get3A_362, %eq3A_433 : vector<16xi32>
        %and3A_435 = arith.andi %ge3A_431, %eq3A_434 : vector<16xi1>
        %sub3A_436 = arith.constant 8 : i32
        %sub3A_437 = vector.broadcast %sub3A_436 : i32 to vector<16xi32>
        %sub3A_438 = arith.subi %iota3A, %sub3A_437 : vector<16xi32>
        %max3A_439 = arith.constant 0 : i32
        %max3A_440 = vector.broadcast %max3A_439 : i32 to vector<16xi32>
        %max3A_441 = arith.maxsi %sub3A_438, %max3A_440 : vector<16xi32>
        %gather3A_442 = tpu.vector_load_idx %arg9[%max3A_441, %get3A_358] masked %and3A_435 : memref<8x4096xf32, #tpu.memory_space<vmem>>[vector<16xi32>, vector<16xi32>], vector<16xf32>, vector<16xi1>
        %get3A_443 = arith.constant 0 : index
        %get3A_444 = tpu.vector_load %arg14[%get3A_443] {strides = array<i32>} : memref<16xf32, #tpu.memory_space<vmem>>, vector<16xf32>,
        %jit3A_445 = arith.constant 0.000000e+00 : f32
        %broadcast_in_dim3A_446 = vector.broadcast %jit3A_445 : f32 to vector<16xf32>
        %select_n3A_447 = arith.select %and3A_435, %gather3A_442, %broadcast_in_dim3A_446 : vector<16xi1>, vector<16xf32>
        %add3A_448 = arith.addf %get3A_444, %select_n3A_447 : vector<16xf32>
        %swap3A_449 = arith.constant 0 : index
        %swap3A_450 = tpu.vector_load %arg14[%swap3A_449] {strides = array<i32>} : memref<16xf32, #tpu.memory_space<vmem>>, vector<16xf32>,
        tpu.vector_store %arg14[%swap3A_449], %add3A_448 {strides = array<i32>} : memref<16xf32, #tpu.memory_space<vmem>>, vector<16xf32>,
        %mul3A_451 = arith.constant 8 : i32
        %mul3A_452 = arith.muli %add3A_419, %mul3A_451 : i32
        %add3A_453 = arith.addi %mul3A_2, %mul3A_452 : i32
        %dma_start3A_454 = arith.constant 0 : i32
        %dma_start3A_455 = tpu.memref_slice %arg6[%add3A_453, %dma_start3A_454] : memref<8192x8192xf32, #tpu.memory_space<hbm>> -> memref<8x4096xf32, #tpu.memory_space<hbm>>
        %dma_start3A_456 = arith.constant 0 : i32
        %dma_start3A_457 = tpu.memref_slice %arg6[%add3A_453, %dma_start3A_456] : memref<8192x8192xf32, #tpu.memory_space<hbm>> -> memref<8x4096xf32, #tpu.memory_space<hbm>>
        tpu.enqueue_dma source(%arg9 : memref<8x4096xf32, #tpu.memory_space<vmem>>) target(%dma_start3A_457 : memref<8x4096xf32, #tpu.memory_space<hbm>>) target_semaphore(%arg18 : memref<!tpu.dma_semaphore, #tpu.memory_space<semaphore_mem>>)
        %sub3A_458 = arith.constant 1 : i32
        %sub3A_459 = arith.subi %add3A_419, %sub3A_458 : i32
        %mul3A_460 = arith.constant 8 : i32
        %mul3A_461 = arith.muli %sub3A_459, %mul3A_460 : i32
        %add3A_462 = arith.addi %mul3A_2, %mul3A_461 : i32
        %dma_wait3A_463 = arith.constant 0 : i32
        %dma_wait3A_464 = tpu.memref_slice %arg6[%add3A_462, %dma_wait3A_463] : memref<8192x8192xf32, #tpu.memory_space<hbm>> -> memref<8x4096xf32, #tpu.memory_space<hbm>>
        %dma_wait3A_465 = arith.constant 0 : i32
        %dma_wait3A_466 = tpu.memref_slice %arg6[%add3A_462, %dma_wait3A_465] : memref<8192x8192xf32, #tpu.memory_space<hbm>> -> memref<8x4096xf32, #tpu.memory_space<hbm>>
        tpu.wait_dma2 semaphore(%arg20 : memref<!tpu.dma_semaphore, #tpu.memory_space<semaphore_mem>>) src(%arg11 : memref<8x4096xf32, #tpu.memory_space<vmem>>) dst(%dma_wait3A_466 : memref<8x4096xf32, #tpu.memory_space<hbm>>)
        %add3A_467 = arith.constant 2 : i32
        %add3A_468 = arith.addi %add3A_419, %add3A_467 : i32
        %dma_start3A_469 = arith.constant 0 : i32
        %dma_start3A_470 = tpu.memref_slice %arg8[%add3A_468, %dma_start3A_469] : memref<64x8xi32, #tpu.memory_space<vmem>> -> memref<1x8xi32, #tpu.memory_space<vmem>>
        %dma_start3A_471 = tpu.memref_squeeze %dma_start3A_470 : memref<1x8xi32, #tpu.memory_space<vmem>> -> memref<8xi32, #tpu.memory_space<vmem>>
        %dma_start3A_472 = arith.constant 0 : i32
        %dma_start3A_473 = arith.constant 0 : i32
        %dma_start3A_474 = tpu.memref_slice %arg2[%dma_start3A_472, %dma_start3A_473] : memref<8192x8192xf32, #tpu.memory_space<hbm>> -> memref<8192x4096xf32, #tpu.memory_space<hbm>>
        %dma_start3A_475 = arith.constant 0 : i32
        %dma_start3A_476 = arith.constant 0 : i32
        %dma_start3A_477 = tpu.memref_slice %dma_start3A_474[%dma_start3A_475, %dma_start3A_476] : memref<8192x4096xf32, #tpu.memory_space<hbm>> -> memref<8192x4096xf32, #tpu.memory_space<hbm>>
        tpu.enqueue_indirect_dma source(%dma_start3A_477 : memref<8192x4096xf32, #tpu.memory_space<hbm>>) target(%arg11 : memref<8x4096xf32, #tpu.memory_space<vmem>>) offsets(%dma_start3A_471 : memref<8xi32, #tpu.memory_space<vmem>>) semaphore(%arg17 : memref<!tpu.dma_semaphore, #tpu.memory_space<semaphore_mem>>)
        %add3A_478 = arith.constant 4 : i32
        %add3A_479 = arith.addi %add3A_232, %add3A_478 : i32
        %mul3A_480 = arith.constant 8 : i32
        %mul3A_481 = arith.muli %add3A_479, %mul3A_480 : i32
        %get3A_482 = arith.index_cast %mul3A_481 : i32 to index
        %get3A_483 = tpu.vector_load %arg12[%get3A_482] {strides = array<i32>} : memref<512xi32, #tpu.memory_space<vmem>>, vector<16xi32>,
        %mul3A_484 = arith.constant 8 : i32
        %mul3A_485 = arith.muli %add3A_479, %mul3A_484 : i32
        %get3A_486 = arith.index_cast %mul3A_485 : i32 to index
        %get3A_487 = tpu.vector_load %arg13[%get3A_486] {strides = array<i32>} : memref<512xi32, #tpu.memory_space<vmem>>, vector<16xi32>,
        %dma_wait3A_488 = arith.constant 0 : i32
        %dma_wait3A_489 = tpu.memref_slice %arg8[%add3A_479, %dma_wait3A_488] : memref<64x8xi32, #tpu.memory_space<vmem>> -> memref<1x8xi32, #tpu.memory_space<vmem>>
        %dma_wait3A_490 = tpu.memref_squeeze %dma_wait3A_489 : memref<1x8xi32, #tpu.memory_space<vmem>> -> memref<8xi32, #tpu.memory_space<vmem>>
        %dma_wait3A_491 = arith.constant 0 : i32
        %dma_wait3A_492 = arith.constant 0 : i32
        %dma_wait3A_493 = tpu.memref_slice %arg2[%dma_wait3A_491, %dma_wait3A_492] : memref<8192x8192xf32, #tpu.memory_space<hbm>> -> memref<8192x4096xf32, #tpu.memory_space<hbm>>
        %dma_wait3A_494 = arith.constant 0 : i32
        %dma_wait3A_495 = arith.constant 0 : i32
        %dma_wait3A_496 = tpu.memref_slice %dma_wait3A_493[%dma_wait3A_494, %dma_wait3A_495] : memref<8192x4096xf32, #tpu.memory_space<hbm>> -> memref<8192x4096xf32, #tpu.memory_space<hbm>>
        tpu.wait_indirect_dma semaphore(%arg16 : memref<!tpu.dma_semaphore, #tpu.memory_space<semaphore_mem>>) src(%dma_wait3A_496 : memref<8192x4096xf32, #tpu.memory_space<hbm>>) dst(%arg10 : memref<8x4096xf32, #tpu.memory_space<vmem>>)
        %lt3A_497 = arith.constant 8 : i32
        %lt3A_498 = vector.broadcast %lt3A_497 : i32 to vector<16xi32>
        %lt3A_499 = arith.cmpi slt, %iota3A, %lt3A_498 : vector<16xi32>
        %eq3A_500 = arith.constant 0 : i32
        %eq3A_501 = vector.broadcast %eq3A_500 : i32 to vector<16xi32>
        %eq3A_502 = arith.cmpi eq, %get3A_487, %eq3A_501 : vector<16xi32>
        %and3A_503 = arith.andi %lt3A_499, %eq3A_502 : vector<16xi1>
        %min3A_504 = arith.constant 7 : i32
        %min3A_505 = vector.broadcast %min3A_504 : i32 to vector<16xi32>
        %min3A_506 = arith.minsi %iota3A, %min3A_505 : vector<16xi32>
        %gather3A_507 = tpu.vector_load_idx %arg10[%min3A_506, %get3A_483] masked %and3A_503 : memref<8x4096xf32, #tpu.memory_space<vmem>>[vector<16xi32>, vector<16xi32>], vector<16xf32>, vector<16xi1>
        %get3A_508 = arith.constant 0 : index
        %get3A_509 = tpu.vector_load %arg14[%get3A_508] {strides = array<i32>} : memref<16xf32, #tpu.memory_space<vmem>>, vector<16xf32>,
        %jit3A_510 = arith.constant 0.000000e+00 : f32
        %broadcast_in_dim3A_511 = vector.broadcast %jit3A_510 : f32 to vector<16xf32>
        %select_n3A_512 = arith.select %and3A_503, %gather3A_507, %broadcast_in_dim3A_511 : vector<16xi1>, vector<16xf32>
        %add3A_513 = arith.addf %get3A_509, %select_n3A_512 : vector<16xf32>
        %swap3A_514 = arith.constant 0 : index
        %swap3A_515 = tpu.vector_load %arg14[%swap3A_514] {strides = array<i32>} : memref<16xf32, #tpu.memory_space<vmem>>, vector<16xf32>,
        tpu.vector_store %arg14[%swap3A_514], %add3A_513 {strides = array<i32>} : memref<16xf32, #tpu.memory_space<vmem>>, vector<16xf32>,
        %mul3A_516 = arith.constant 8 : i32
        %mul3A_517 = arith.muli %add3A_479, %mul3A_516 : i32
        %add3A_518 = arith.addi %mul3A_2, %mul3A_517 : i32
        %dma_start3A_519 = arith.constant 0 : i32
        %dma_start3A_520 = tpu.memref_slice %arg6[%add3A_518, %dma_start3A_519] : memref<8192x8192xf32, #tpu.memory_space<hbm>> -> memref<8x4096xf32, #tpu.memory_space<hbm>>
        %dma_start3A_521 = arith.constant 0 : i32
        %dma_start3A_522 = tpu.memref_slice %arg6[%add3A_518, %dma_start3A_521] : memref<8192x8192xf32, #tpu.memory_space<hbm>> -> memref<8x4096xf32, #tpu.memory_space<hbm>>
        tpu.enqueue_dma source(%arg10 : memref<8x4096xf32, #tpu.memory_space<vmem>>) target(%dma_start3A_522 : memref<8x4096xf32, #tpu.memory_space<hbm>>) target_semaphore(%arg19 : memref<!tpu.dma_semaphore, #tpu.memory_space<semaphore_mem>>)
        %sub3A_523 = arith.constant 1 : i32
        %sub3A_524 = arith.subi %add3A_479, %sub3A_523 : i32
        %mul3A_525 = arith.constant 8 : i32
        %mul3A_526 = arith.muli %sub3A_524, %mul3A_525 : i32
        %add3A_527 = arith.addi %mul3A_2, %mul3A_526 : i32
        %dma_wait3A_528 = arith.constant 0 : i32
        %dma_wait3A_529 = tpu.memref_slice %arg6[%add3A_527, %dma_wait3A_528] : memref<8192x8192xf32, #tpu.memory_space<hbm>> -> memref<8x4096xf32, #tpu.memory_space<hbm>>
        %dma_wait3A_530 = arith.constant 0 : i32
        %dma_wait3A_531 = tpu.memref_slice %arg6[%add3A_527, %dma_wait3A_530] : memref<8192x8192xf32, #tpu.memory_space<hbm>> -> memref<8x4096xf32, #tpu.memory_space<hbm>>
        tpu.wait_dma2 semaphore(%arg18 : memref<!tpu.dma_semaphore, #tpu.memory_space<semaphore_mem>>) src(%arg9 : memref<8x4096xf32, #tpu.memory_space<vmem>>) dst(%dma_wait3A_531 : memref<8x4096xf32, #tpu.memory_space<hbm>>)
        %add3A_532 = arith.constant 2 : i32
        %add3A_533 = arith.addi %add3A_479, %add3A_532 : i32
        %dma_start3A_534 = arith.constant 0 : i32
        %dma_start3A_535 = tpu.memref_slice %arg8[%add3A_533, %dma_start3A_534] : memref<64x8xi32, #tpu.memory_space<vmem>> -> memref<1x8xi32, #tpu.memory_space<vmem>>
        %dma_start3A_536 = tpu.memref_squeeze %dma_start3A_535 : memref<1x8xi32, #tpu.memory_space<vmem>> -> memref<8xi32, #tpu.memory_space<vmem>>
        %dma_start3A_537 = arith.constant 0 : i32
        %dma_start3A_538 = arith.constant 0 : i32
        %dma_start3A_539 = tpu.memref_slice %arg2[%dma_start3A_537, %dma_start3A_538] : memref<8192x8192xf32, #tpu.memory_space<hbm>> -> memref<8192x4096xf32, #tpu.memory_space<hbm>>
        %dma_start3A_540 = arith.constant 0 : i32
        %dma_start3A_541 = arith.constant 0 : i32
        %dma_start3A_542 = tpu.memref_slice %dma_start3A_539[%dma_start3A_540, %dma_start3A_541] : memref<8192x4096xf32, #tpu.memory_space<hbm>> -> memref<8192x4096xf32, #tpu.memory_space<hbm>>
        tpu.enqueue_indirect_dma source(%dma_start3A_542 : memref<8192x4096xf32, #tpu.memory_space<hbm>>) target(%arg9 : memref<8x4096xf32, #tpu.memory_space<vmem>>) offsets(%dma_start3A_536 : memref<8xi32, #tpu.memory_space<vmem>>) semaphore(%arg15 : memref<!tpu.dma_semaphore, #tpu.memory_space<semaphore_mem>>)
        %add3A_543 = arith.constant 5 : i32
        %add3A_544 = arith.addi %add3A_232, %add3A_543 : i32
        %dma_wait3A_545 = arith.constant 0 : i32
        %dma_wait3A_546 = tpu.memref_slice %arg8[%add3A_544, %dma_wait3A_545] : memref<64x8xi32, #tpu.memory_space<vmem>> -> memref<1x8xi32, #tpu.memory_space<vmem>>
        %dma_wait3A_547 = tpu.memref_squeeze %dma_wait3A_546 : memref<1x8xi32, #tpu.memory_space<vmem>> -> memref<8xi32, #tpu.memory_space<vmem>>
        %dma_wait3A_548 = arith.constant 0 : i32
        %dma_wait3A_549 = arith.constant 0 : i32
        %dma_wait3A_550 = tpu.memref_slice %arg2[%dma_wait3A_548, %dma_wait3A_549] : memref<8192x8192xf32, #tpu.memory_space<hbm>> -> memref<8192x4096xf32, #tpu.memory_space<hbm>>
        %dma_wait3A_551 = arith.constant 0 : i32
        %dma_wait3A_552 = arith.constant 0 : i32
        %dma_wait3A_553 = tpu.memref_slice %dma_wait3A_550[%dma_wait3A_551, %dma_wait3A_552] : memref<8192x4096xf32, #tpu.memory_space<hbm>> -> memref<8192x4096xf32, #tpu.memory_space<hbm>>
        tpu.wait_indirect_dma semaphore(%arg17 : memref<!tpu.dma_semaphore, #tpu.memory_space<semaphore_mem>>) src(%dma_wait3A_553 : memref<8192x4096xf32, #tpu.memory_space<hbm>>) dst(%arg11 : memref<8x4096xf32, #tpu.memory_space<vmem>>)
        %ge3A_554 = arith.constant 8 : i32
        %ge3A_555 = vector.broadcast %ge3A_554 : i32 to vector<16xi32>
        %ge3A_556 = arith.cmpi sge, %iota3A, %ge3A_555 : vector<16xi32>
        %eq3A_557 = arith.constant 0 : i32
        %eq3A_558 = vector.broadcast %eq3A_557 : i32 to vector<16xi32>
        %eq3A_559 = arith.cmpi eq, %get3A_487, %eq3A_558 : vector<16xi32>
        %and3A_560 = arith.andi %ge3A_556, %eq3A_559 : vector<16xi1>
        %sub3A_561 = arith.constant 8 : i32
        %sub3A_562 = vector.broadcast %sub3A_561 : i32 to vector<16xi32>
        %sub3A_563 = arith.subi %iota3A, %sub3A_562 : vector<16xi32>
        %max3A_564 = arith.constant 0 : i32
        %max3A_565 = vector.broadcast %max3A_564 : i32 to vector<16xi32>
        %max3A_566 = arith.maxsi %sub3A_563, %max3A_565 : vector<16xi32>
        %gather3A_567 = tpu.vector_load_idx %arg11[%max3A_566, %get3A_483] masked %and3A_560 : memref<8x4096xf32, #tpu.memory_space<vmem>>[vector<16xi32>, vector<16xi32>], vector<16xf32>, vector<16xi1>
        %get3A_568 = arith.constant 0 : index
        %get3A_569 = tpu.vector_load %arg14[%get3A_568] {strides = array<i32>} : memref<16xf32, #tpu.memory_space<vmem>>, vector<16xf32>,
        %jit3A_570 = arith.constant 0.000000e+00 : f32
        %broadcast_in_dim3A_571 = vector.broadcast %jit3A_570 : f32 to vector<16xf32>
        %select_n3A_572 = arith.select %and3A_560, %gather3A_567, %broadcast_in_dim3A_571 : vector<16xi1>, vector<16xf32>
        %add3A_573 = arith.addf %get3A_569, %select_n3A_572 : vector<16xf32>
        %swap3A_574 = arith.constant 0 : index
        %swap3A_575 = tpu.vector_load %arg14[%swap3A_574] {strides = array<i32>} : memref<16xf32, #tpu.memory_space<vmem>>, vector<16xf32>,
        tpu.vector_store %arg14[%swap3A_574], %add3A_573 {strides = array<i32>} : memref<16xf32, #tpu.memory_space<vmem>>, vector<16xf32>,
        %mul3A_576 = arith.constant 8 : i32
        %mul3A_577 = arith.muli %add3A_544, %mul3A_576 : i32
        %add3A_578 = arith.addi %mul3A_2, %mul3A_577 : i32
        %dma_start3A_579 = arith.constant 0 : i32
        %dma_start3A_580 = tpu.memref_slice %arg6[%add3A_578, %dma_start3A_579] : memref<8192x8192xf32, #tpu.memory_space<hbm>> -> memref<8x4096xf32, #tpu.memory_space<hbm>>
        %dma_start3A_581 = arith.constant 0 : i32
        %dma_start3A_582 = tpu.memref_slice %arg6[%add3A_578, %dma_start3A_581] : memref<8192x8192xf32, #tpu.memory_space<hbm>> -> memref<8x4096xf32, #tpu.memory_space<hbm>>
        tpu.enqueue_dma source(%arg11 : memref<8x4096xf32, #tpu.memory_space<vmem>>) target(%dma_start3A_582 : memref<8x4096xf32, #tpu.memory_space<hbm>>) target_semaphore(%arg20 : memref<!tpu.dma_semaphore, #tpu.memory_space<semaphore_mem>>)
        %sub3A_583 = arith.constant 1 : i32
        %sub3A_584 = arith.subi %add3A_544, %sub3A_583 : i32
        %mul3A_585 = arith.constant 8 : i32
        %mul3A_586 = arith.muli %sub3A_584, %mul3A_585 : i32
        %add3A_587 = arith.addi %mul3A_2, %mul3A_586 : i32
        %dma_wait3A_588 = arith.constant 0 : i32
        %dma_wait3A_589 = tpu.memref_slice %arg6[%add3A_587, %dma_wait3A_588] : memref<8192x8192xf32, #tpu.memory_space<hbm>> -> memref<8x4096xf32, #tpu.memory_space<hbm>>
        %dma_wait3A_590 = arith.constant 0 : i32
        %dma_wait3A_591 = tpu.memref_slice %arg6[%add3A_587, %dma_wait3A_590] : memref<8192x8192xf32, #tpu.memory_space<hbm>> -> memref<8x4096xf32, #tpu.memory_space<hbm>>
        tpu.wait_dma2 semaphore(%arg19 : memref<!tpu.dma_semaphore, #tpu.memory_space<semaphore_mem>>) src(%arg10 : memref<8x4096xf32, #tpu.memory_space<vmem>>) dst(%dma_wait3A_591 : memref<8x4096xf32, #tpu.memory_space<hbm>>)
        %add3A_592 = arith.constant 2 : i32
        %add3A_593 = arith.addi %add3A_544, %add3A_592 : i32
        %dma_start3A_594 = arith.constant 0 : i32
        %dma_start3A_595 = tpu.memref_slice %arg8[%add3A_593, %dma_start3A_594] : memref<64x8xi32, #tpu.memory_space<vmem>> -> memref<1x8xi32, #tpu.memory_space<vmem>>
        %dma_start3A_596 = tpu.memref_squeeze %dma_start3A_595 : memref<1x8xi32, #tpu.memory_space<vmem>> -> memref<8xi32, #tpu.memory_space<vmem>>
        %dma_start3A_597 = arith.constant 0 : i32
        %dma_start3A_598 = arith.constant 0 : i32
        %dma_start3A_599 = tpu.memref_slice %arg2[%dma_start3A_597, %dma_start3A_598] : memref<8192x8192xf32, #tpu.memory_space<hbm>> -> memref<8192x4096xf32, #tpu.memory_space<hbm>>
        %dma_start3A_600 = arith.constant 0 : i32
        %dma_start3A_601 = arith.constant 0 : i32
        %dma_start3A_602 = tpu.memref_slice %dma_start3A_599[%dma_start3A_600, %dma_start3A_601] : memref<8192x4096xf32, #tpu.memory_space<hbm>> -> memref<8192x4096xf32, #tpu.memory_space<hbm>>
        tpu.enqueue_indirect_dma source(%dma_start3A_602 : memref<8192x4096xf32, #tpu.memory_space<hbm>>) target(%arg10 : memref<8x4096xf32, #tpu.memory_space<vmem>>) offsets(%dma_start3A_596 : memref<8xi32, #tpu.memory_space<vmem>>) semaphore(%arg16 : memref<!tpu.dma_semaphore, #tpu.memory_space<semaphore_mem>>)
      }
      %scan3A_34 = arith.constant 10 : i32
      %get3A = arith.constant 480 : index
      %get3A_35 = tpu.vector_load %arg12[%get3A] {strides = array<i32>} : memref<512xi32, #tpu.memory_space<vmem>>, vector<16xi32>,
      %get3A_36 = arith.constant 480 : index
      %get3A_37 = tpu.vector_load %arg13[%get3A_36] {strides = array<i32>} : memref<512xi32, #tpu.memory_space<vmem>>, vector<16xi32>,
      %dma_wait3A = arith.constant 60 : i32
      %dma_wait3A_38 = arith.constant 0 : i32
      %dma_wait3A_39 = tpu.memref_slice %arg8[%dma_wait3A, %dma_wait3A_38] : memref<64x8xi32, #tpu.memory_space<vmem>> -> memref<1x8xi32, #tpu.memory_space<vmem>>
      %dma_wait3A_40 = tpu.memref_squeeze %dma_wait3A_39 : memref<1x8xi32, #tpu.memory_space<vmem>> -> memref<8xi32, #tpu.memory_space<vmem>>
      %dma_wait3A_41 = arith.constant 0 : i32
      %dma_wait3A_42 = arith.constant 0 : i32
      %dma_wait3A_43 = tpu.memref_slice %arg2[%dma_wait3A_41, %dma_wait3A_42] : memref<8192x8192xf32, #tpu.memory_space<hbm>> -> memref<8192x4096xf32, #tpu.memory_space<hbm>>
      %dma_wait3A_44 = arith.constant 0 : i32
      %dma_wait3A_45 = arith.constant 0 : i32
      %dma_wait3A_46 = tpu.memref_slice %dma_wait3A_43[%dma_wait3A_44, %dma_wait3A_45] : memref<8192x4096xf32, #tpu.memory_space<hbm>> -> memref<8192x4096xf32, #tpu.memory_space<hbm>>
      tpu.wait_indirect_dma semaphore(%arg15 : memref<!tpu.dma_semaphore, #tpu.memory_space<semaphore_mem>>) src(%dma_wait3A_46 : memref<8192x4096xf32, #tpu.memory_space<hbm>>) dst(%arg9 : memref<8x4096xf32, #tpu.memory_space<vmem>>)
      %lt3A = arith.constant 8 : i32
      %lt3A_47 = vector.broadcast %lt3A : i32 to vector<16xi32>
      %lt3A_48 = arith.cmpi slt, %iota3A, %lt3A_47 : vector<16xi32>
      %eq3A_49 = arith.constant 0 : i32
      %eq3A_50 = vector.broadcast %eq3A_49 : i32 to vector<16xi32>
      %eq3A_51 = arith.cmpi eq, %get3A_37, %eq3A_50 : vector<16xi32>
      %and3A = arith.andi %lt3A_48, %eq3A_51 : vector<16xi1>
      %min3A = arith.constant 7 : i32
      %min3A_52 = vector.broadcast %min3A : i32 to vector<16xi32>
      %min3A_53 = arith.minsi %iota3A, %min3A_52 : vector<16xi32>
      %gather3A = tpu.vector_load_idx %arg9[%min3A_53, %get3A_35] masked %and3A : memref<8x4096xf32, #tpu.memory_space<vmem>>[vector<16xi32>, vector<16xi32>], vector<16xf32>, vector<16xi1>
      %get3A_54 = arith.constant 0 : index
      %get3A_55 = tpu.vector_load %arg14[%get3A_54] {strides = array<i32>} : memref<16xf32, #tpu.memory_space<vmem>>, vector<16xf32>,
      %jit3A = arith.constant 0.000000e+00 : f32
      %broadcast_in_dim3A_56 = vector.broadcast %jit3A : f32 to vector<16xf32>
      %select_n3A = arith.select %and3A, %gather3A, %broadcast_in_dim3A_56 : vector<16xi1>, vector<16xf32>
      %add3A_57 = arith.addf %get3A_55, %select_n3A : vector<16xf32>
      %swap3A_58 = arith.constant 0 : index
      %swap3A_59 = tpu.vector_load %arg14[%swap3A_58] {strides = array<i32>} : memref<16xf32, #tpu.memory_space<vmem>>, vector<16xf32>,
      tpu.vector_store %arg14[%swap3A_58], %add3A_57 {strides = array<i32>} : memref<16xf32, #tpu.memory_space<vmem>>, vector<16xf32>,
      %add3A_60 = arith.constant 480 : i32
      %add3A_61 = arith.addi %mul3A_2, %add3A_60 : i32
      %dma_start3A_62 = arith.constant 0 : i32
      %dma_start3A_63 = tpu.memref_slice %arg6[%add3A_61, %dma_start3A_62] : memref<8192x8192xf32, #tpu.memory_space<hbm>> -> memref<8x4096xf32, #tpu.memory_space<hbm>>
      %dma_start3A_64 = arith.constant 0 : i32
      %dma_start3A_65 = tpu.memref_slice %arg6[%add3A_61, %dma_start3A_64] : memref<8192x8192xf32, #tpu.memory_space<hbm>> -> memref<8x4096xf32, #tpu.memory_space<hbm>>
      tpu.enqueue_dma source(%arg9 : memref<8x4096xf32, #tpu.memory_space<vmem>>) target(%dma_start3A_65 : memref<8x4096xf32, #tpu.memory_space<hbm>>) target_semaphore(%arg18 : memref<!tpu.dma_semaphore, #tpu.memory_space<semaphore_mem>>)
      %add3A_66 = arith.constant 472 : i32
      %add3A_67 = arith.addi %mul3A_2, %add3A_66 : i32
      %dma_wait3A_68 = arith.constant 0 : i32
      %dma_wait3A_69 = tpu.memref_slice %arg6[%add3A_67, %dma_wait3A_68] : memref<8192x8192xf32, #tpu.memory_space<hbm>> -> memref<8x4096xf32, #tpu.memory_space<hbm>>
      %dma_wait3A_70 = arith.constant 0 : i32
      %dma_wait3A_71 = tpu.memref_slice %arg6[%add3A_67, %dma_wait3A_70] : memref<8192x8192xf32, #tpu.memory_space<hbm>> -> memref<8x4096xf32, #tpu.memory_space<hbm>>
      tpu.wait_dma2 semaphore(%arg20 : memref<!tpu.dma_semaphore, #tpu.memory_space<semaphore_mem>>) src(%arg11 : memref<8x4096xf32, #tpu.memory_space<vmem>>) dst(%dma_wait3A_71 : memref<8x4096xf32, #tpu.memory_space<hbm>>)
      %dma_start3A_72 = arith.constant 62 : i32
      %dma_start3A_73 = arith.constant 0 : i32
      %dma_start3A_74 = tpu.memref_slice %arg8[%dma_start3A_72, %dma_start3A_73] : memref<64x8xi32, #tpu.memory_space<vmem>> -> memref<1x8xi32, #tpu.memory_space<vmem>>
      %dma_start3A_75 = tpu.memref_squeeze %dma_start3A_74 : memref<1x8xi32, #tpu.memory_space<vmem>> -> memref<8xi32, #tpu.memory_space<vmem>>
      %dma_start3A_76 = arith.constant 0 : i32
      %dma_start3A_77 = arith.constant 0 : i32
      %dma_start3A_78 = tpu.memref_slice %arg2[%dma_start3A_76, %dma_start3A_77] : memref<8192x8192xf32, #tpu.memory_space<hbm>> -> memref<8192x4096xf32, #tpu.memory_space<hbm>>
      %dma_start3A_79 = arith.constant 0 : i32
      %dma_start3A_80 = arith.constant 0 : i32
      %dma_start3A_81 = tpu.memref_slice %dma_start3A_78[%dma_start3A_79, %dma_start3A_80] : memref<8192x4096xf32, #tpu.memory_space<hbm>> -> memref<8192x4096xf32, #tpu.memory_space<hbm>>
      tpu.enqueue_indirect_dma source(%dma_start3A_81 : memref<8192x4096xf32, #tpu.memory_space<hbm>>) target(%arg11 : memref<8x4096xf32, #tpu.memory_space<vmem>>) offsets(%dma_start3A_75 : memref<8xi32, #tpu.memory_space<vmem>>) semaphore(%arg17 : memref<!tpu.dma_semaphore, #tpu.memory_space<semaphore_mem>>)
      %dma_wait3A_82 = arith.constant 61 : i32
      %dma_wait3A_83 = arith.constant 0 : i32
      %dma_wait3A_84 = tpu.memref_slice %arg8[%dma_wait3A_82, %dma_wait3A_83] : memref<64x8xi32, #tpu.memory_space<vmem>> -> memref<1x8xi32, #tpu.memory_space<vmem>>
      %dma_wait3A_85 = tpu.memref_squeeze %dma_wait3A_84 : memref<1x8xi32, #tpu.memory_space<vmem>> -> memref<8xi32, #tpu.memory_space<vmem>>
      %dma_wait3A_86 = arith.constant 0 : i32
      %dma_wait3A_87 = arith.constant 0 : i32
      %dma_wait3A_88 = tpu.memref_slice %arg2[%dma_wait3A_86, %dma_wait3A_87] : memref<8192x8192xf32, #tpu.memory_space<hbm>> -> memref<8192x4096xf32, #tpu.memory_space<hbm>>
      %dma_wait3A_89 = arith.constant 0 : i32
      %dma_wait3A_90 = arith.constant 0 : i32
      %dma_wait3A_91 = tpu.memref_slice %dma_wait3A_88[%dma_wait3A_89, %dma_wait3A_90] : memref<8192x4096xf32, #tpu.memory_space<hbm>> -> memref<8192x4096xf32, #tpu.memory_space<hbm>>
      tpu.wait_indirect_dma semaphore(%arg16 : memref<!tpu.dma_semaphore, #tpu.memory_space<semaphore_mem>>) src(%dma_wait3A_91 : memref<8192x4096xf32, #tpu.memory_space<hbm>>) dst(%arg10 : memref<8x4096xf32, #tpu.memory_space<vmem>>)
      %ge3A = arith.constant 8 : i32
      %ge3A_92 = vector.broadcast %ge3A : i32 to vector<16xi32>
      %ge3A_93 = arith.cmpi sge, %iota3A, %ge3A_92 : vector<16xi32>
      %eq3A_94 = arith.constant 0 : i32
      %eq3A_95 = vector.broadcast %eq3A_94 : i32 to vector<16xi32>
      %eq3A_96 = arith.cmpi eq, %get3A_37, %eq3A_95 : vector<16xi32>
      %and3A_97 = arith.andi %ge3A_93, %eq3A_96 : vector<16xi1>
      %sub3A = arith.constant 8 : i32
      %sub3A_98 = vector.broadcast %sub3A : i32 to vector<16xi32>
      %sub3A_99 = arith.subi %iota3A, %sub3A_98 : vector<16xi32>
      %max3A = arith.constant 0 : i32
      %max3A_100 = vector.broadcast %max3A : i32 to vector<16xi32>
      %max3A_101 = arith.maxsi %sub3A_99, %max3A_100 : vector<16xi32>
      %gather3A_102 = tpu.vector_load_idx %arg10[%max3A_101, %get3A_35] masked %and3A_97 : memref<8x4096xf32, #tpu.memory_space<vmem>>[vector<16xi32>, vector<16xi32>], vector<16xf32>, vector<16xi1>
      %get3A_103 = arith.constant 0 : index
      %get3A_104 = tpu.vector_load %arg14[%get3A_103] {strides = array<i32>} : memref<16xf32, #tpu.memory_space<vmem>>, vector<16xf32>,
      %jit3A_105 = arith.constant 0.000000e+00 : f32
      %broadcast_in_dim3A_106 = vector.broadcast %jit3A_105 : f32 to vector<16xf32>
      %select_n3A_107 = arith.select %and3A_97, %gather3A_102, %broadcast_in_dim3A_106 : vector<16xi1>, vector<16xf32>
      %add3A_108 = arith.addf %get3A_104, %select_n3A_107 : vector<16xf32>
      %swap3A_109 = arith.constant 0 : index
      %swap3A_110 = tpu.vector_load %arg14[%swap3A_109] {strides = array<i32>} : memref<16xf32, #tpu.memory_space<vmem>>, vector<16xf32>,
      tpu.vector_store %arg14[%swap3A_109], %add3A_108 {strides = array<i32>} : memref<16xf32, #tpu.memory_space<vmem>>, vector<16xf32>,
      %add3A_111 = arith.constant 488 : i32
      %add3A_112 = arith.addi %mul3A_2, %add3A_111 : i32
      %dma_start3A_113 = arith.constant 0 : i32
      %dma_start3A_114 = tpu.memref_slice %arg6[%add3A_112, %dma_start3A_113] : memref<8192x8192xf32, #tpu.memory_space<hbm>> -> memref<8x4096xf32, #tpu.memory_space<hbm>>
      %dma_start3A_115 = arith.constant 0 : i32
      %dma_start3A_116 = tpu.memref_slice %arg6[%add3A_112, %dma_start3A_115] : memref<8192x8192xf32, #tpu.memory_space<hbm>> -> memref<8x4096xf32, #tpu.memory_space<hbm>>
      tpu.enqueue_dma source(%arg10 : memref<8x4096xf32, #tpu.memory_space<vmem>>) target(%dma_start3A_116 : memref<8x4096xf32, #tpu.memory_space<hbm>>) target_semaphore(%arg19 : memref<!tpu.dma_semaphore, #tpu.memory_space<semaphore_mem>>)
      %add3A_117 = arith.constant 480 : i32
      %add3A_118 = arith.addi %mul3A_2, %add3A_117 : i32
      %dma_wait3A_119 = arith.constant 0 : i32
      %dma_wait3A_120 = tpu.memref_slice %arg6[%add3A_118, %dma_wait3A_119] : memref<8192x8192xf32, #tpu.memory_space<hbm>> -> memref<8x4096xf32, #tpu.memory_space<hbm>>
      %dma_wait3A_121 = arith.constant 0 : i32
      %dma_wait3A_122 = tpu.memref_slice %arg6[%add3A_118, %dma_wait3A_121] : memref<8192x8192xf32, #tpu.memory_space<hbm>> -> memref<8x4096xf32, #tpu.memory_space<hbm>>
      tpu.wait_dma2 semaphore(%arg18 : memref<!tpu.dma_semaphore, #tpu.memory_space<semaphore_mem>>) src(%arg9 : memref<8x4096xf32, #tpu.memory_space<vmem>>) dst(%dma_wait3A_122 : memref<8x4096xf32, #tpu.memory_space<hbm>>)
      %dma_start3A_123 = arith.constant 63 : i32
      %dma_start3A_124 = arith.constant 0 : i32
      %dma_start3A_125 = tpu.memref_slice %arg8[%dma_start3A_123, %dma_start3A_124] : memref<64x8xi32, #tpu.memory_space<vmem>> -> memref<1x8xi32, #tpu.memory_space<vmem>>
      %dma_start3A_126 = tpu.memref_squeeze %dma_start3A_125 : memref<1x8xi32, #tpu.memory_space<vmem>> -> memref<8xi32, #tpu.memory_space<vmem>>
      %dma_start3A_127 = arith.constant 0 : i32
      %dma_start3A_128 = arith.constant 0 : i32
      %dma_start3A_129 = tpu.memref_slice %arg2[%dma_start3A_127, %dma_start3A_128] : memref<8192x8192xf32, #tpu.memory_space<hbm>> -> memref<8192x4096xf32, #tpu.memory_space<hbm>>
      %dma_start3A_130 = arith.constant 0 : i32
      %dma_start3A_131 = arith.constant 0 : i32
      %dma_start3A_132 = tpu.memref_slice %dma_start3A_129[%dma_start3A_130, %dma_start3A_131] : memref<8192x4096xf32, #tpu.memory_space<hbm>> -> memref<8192x4096xf32, #tpu.memory_space<hbm>>
      tpu.enqueue_indirect_dma source(%dma_start3A_132 : memref<8192x4096xf32, #tpu.memory_space<hbm>>) target(%arg9 : memref<8x4096xf32, #tpu.memory_space<vmem>>) offsets(%dma_start3A_126 : memref<8xi32, #tpu.memory_space<vmem>>) semaphore(%arg15 : memref<!tpu.dma_semaphore, #tpu.memory_space<semaphore_mem>>)
      %get3A_133 = arith.constant 496 : index
      %get3A_134 = tpu.vector_load %arg12[%get3A_133] {strides = array<i32>} : memref<512xi32, #tpu.memory_space<vmem>>, vector<16xi32>,
      %get3A_135 = arith.constant 496 : index
      %get3A_136 = tpu.vector_load %arg13[%get3A_135] {strides = array<i32>} : memref<512xi32, #tpu.memory_space<vmem>>, vector<16xi32>,
      %dma_wait3A_137 = arith.constant 62 : i32
      %dma_wait3A_138 = arith.constant 0 : i32
      %dma_wait3A_139 = tpu.memref_slice %arg8[%dma_wait3A_137, %dma_wait3A_138] : memref<64x8xi32, #tpu.memory_space<vmem>> -> memref<1x8xi32, #tpu.memory_space<vmem>>
      %dma_wait3A_140 = tpu.memref_squeeze %dma_wait3A_139 : memref<1x8xi32, #tpu.memory_space<vmem>> -> memref<8xi32, #tpu.memory_space<vmem>>
      %dma_wait3A_141 = arith.constant 0 : i32
      %dma_wait3A_142 = arith.constant 0 : i32
      %dma_wait3A_143 = tpu.memref_slice %arg2[%dma_wait3A_141, %dma_wait3A_142] : memref<8192x8192xf32, #tpu.memory_space<hbm>> -> memref<8192x4096xf32, #tpu.memory_space<hbm>>
      %dma_wait3A_144 = arith.constant 0 : i32
      %dma_wait3A_145 = arith.constant 0 : i32
      %dma_wait3A_146 = tpu.memref_slice %dma_wait3A_143[%dma_wait3A_144, %dma_wait3A_145] : memref<8192x4096xf32, #tpu.memory_space<hbm>> -> memref<8192x4096xf32, #tpu.memory_space<hbm>>
      tpu.wait_indirect_dma semaphore(%arg17 : memref<!tpu.dma_semaphore, #tpu.memory_space<semaphore_mem>>) src(%dma_wait3A_146 : memref<8192x4096xf32, #tpu.memory_space<hbm>>) dst(%arg11 : memref<8x4096xf32, #tpu.memory_space<vmem>>)
      %lt3A_147 = arith.constant 8 : i32
      %lt3A_148 = vector.broadcast %lt3A_147 : i32 to vector<16xi32>
      %lt3A_149 = arith.cmpi slt, %iota3A, %lt3A_148 : vector<16xi32>
      %eq3A_150 = arith.constant 0 : i32
      %eq3A_151 = vector.broadcast %eq3A_150 : i32 to vector<16xi32>
      %eq3A_152 = arith.cmpi eq, %get3A_136, %eq3A_151 : vector<16xi32>
      %and3A_153 = arith.andi %lt3A_149, %eq3A_152 : vector<16xi1>
      %min3A_154 = arith.constant 7 : i32
      %min3A_155 = vector.broadcast %min3A_154 : i32 to vector<16xi32>
      %min3A_156 = arith.minsi %iota3A, %min3A_155 : vector<16xi32>
      %gather3A_157 = tpu.vector_load_idx %arg11[%min3A_156, %get3A_134] masked %and3A_153 : memref<8x4096xf32, #tpu.memory_space<vmem>>[vector<16xi32>, vector<16xi32>], vector<16xf32>, vector<16xi1>
      %get3A_158 = arith.constant 0 : index
      %get3A_159 = tpu.vector_load %arg14[%get3A_158] {strides = array<i32>} : memref<16xf32, #tpu.memory_space<vmem>>, vector<16xf32>,
      %jit3A_160 = arith.constant 0.000000e+00 : f32
      %broadcast_in_dim3A_161 = vector.broadcast %jit3A_160 : f32 to vector<16xf32>
      %select_n3A_162 = arith.select %and3A_153, %gather3A_157, %broadcast_in_dim3A_161 : vector<16xi1>, vector<16xf32>
      %add3A_163 = arith.addf %get3A_159, %select_n3A_162 : vector<16xf32>
      %swap3A_164 = arith.constant 0 : index
      %swap3A_165 = tpu.vector_load %arg14[%swap3A_164] {strides = array<i32>} : memref<16xf32, #tpu.memory_space<vmem>>, vector<16xf32>,
      tpu.vector_store %arg14[%swap3A_164], %add3A_163 {strides = array<i32>} : memref<16xf32, #tpu.memory_space<vmem>>, vector<16xf32>,
      %add3A_166 = arith.constant 496 : i32
      %add3A_167 = arith.addi %mul3A_2, %add3A_166 : i32
      %dma_start3A_168 = arith.constant 0 : i32
      %dma_start3A_169 = tpu.memref_slice %arg6[%add3A_167, %dma_start3A_168] : memref<8192x8192xf32, #tpu.memory_space<hbm>> -> memref<8x4096xf32, #tpu.memory_space<hbm>>
      %dma_start3A_170 = arith.constant 0 : i32
      %dma_start3A_171 = tpu.memref_slice %arg6[%add3A_167, %dma_start3A_170] : memref<8192x8192xf32, #tpu.memory_space<hbm>> -> memref<8x4096xf32, #tpu.memory_space<hbm>>
      tpu.enqueue_dma source(%arg11 : memref<8x4096xf32, #tpu.memory_space<vmem>>) target(%dma_start3A_171 : memref<8x4096xf32, #tpu.memory_space<hbm>>) target_semaphore(%arg20 : memref<!tpu.dma_semaphore, #tpu.memory_space<semaphore_mem>>)
      %add3A_172 = arith.constant 488 : i32
      %add3A_173 = arith.addi %mul3A_2, %add3A_172 : i32
      %dma_wait3A_174 = arith.constant 0 : i32
      %dma_wait3A_175 = tpu.memref_slice %arg6[%add3A_173, %dma_wait3A_174] : memref<8192x8192xf32, #tpu.memory_space<hbm>> -> memref<8x4096xf32, #tpu.memory_space<hbm>>
      %dma_wait3A_176 = arith.constant 0 : i32
      %dma_wait3A_177 = tpu.memref_slice %arg6[%add3A_173, %dma_wait3A_176] : memref<8192x8192xf32, #tpu.memory_space<hbm>> -> memref<8x4096xf32, #tpu.memory_space<hbm>>
      tpu.wait_dma2 semaphore(%arg19 : memref<!tpu.dma_semaphore, #tpu.memory_space<semaphore_mem>>) src(%arg10 : memref<8x4096xf32, #tpu.memory_space<vmem>>) dst(%dma_wait3A_177 : memref<8x4096xf32, #tpu.memory_space<hbm>>)
      %dma_wait3A_178 = arith.constant 63 : i32
      %dma_wait3A_179 = arith.constant 0 : i32
      %dma_wait3A_180 = tpu.memref_slice %arg8[%dma_wait3A_178, %dma_wait3A_179] : memref<64x8xi32, #tpu.memory_space<vmem>> -> memref<1x8xi32, #tpu.memory_space<vmem>>
      %dma_wait3A_181 = tpu.memref_squeeze %dma_wait3A_180 : memref<1x8xi32, #tpu.memory_space<vmem>> -> memref<8xi32, #tpu.memory_space<vmem>>
      %dma_wait3A_182 = arith.constant 0 : i32
      %dma_wait3A_183 = arith.constant 0 : i32
      %dma_wait3A_184 = tpu.memref_slice %arg2[%dma_wait3A_182, %dma_wait3A_183] : memref<8192x8192xf32, #tpu.memory_space<hbm>> -> memref<8192x4096xf32, #tpu.memory_space<hbm>>
      %dma_wait3A_185 = arith.constant 0 : i32
      %dma_wait3A_186 = arith.constant 0 : i32
      %dma_wait3A_187 = tpu.memref_slice %dma_wait3A_184[%dma_wait3A_185, %dma_wait3A_186] : memref<8192x4096xf32, #tpu.memory_space<hbm>> -> memref<8192x4096xf32, #tpu.memory_space<hbm>>
      tpu.wait_indirect_dma semaphore(%arg15 : memref<!tpu.dma_semaphore, #tpu.memory_space<semaphore_mem>>) src(%dma_wait3A_187 : memref<8192x4096xf32, #tpu.memory_space<hbm>>) dst(%arg9 : memref<8x4096xf32, #tpu.memory_space<vmem>>)
      %ge3A_188 = arith.constant 8 : i32
      %ge3A_189 = vector.broadcast %ge3A_188 : i32 to vector<16xi32>
      %ge3A_190 = arith.cmpi sge, %iota3A, %ge3A_189 : vector<16xi32>
      %eq3A_191 = arith.constant 0 : i32
      %eq3A_192 = vector.broadcast %eq3A_191 : i32 to vector<16xi32>
      %eq3A_193 = arith.cmpi eq, %get3A_136, %eq3A_192 : vector<16xi32>
      %and3A_194 = arith.andi %ge3A_190, %eq3A_193 : vector<16xi1>
      %sub3A_195 = arith.constant 8 : i32
      %sub3A_196 = vector.broadcast %sub3A_195 : i32 to vector<16xi32>
      %sub3A_197 = arith.subi %iota3A, %sub3A_196 : vector<16xi32>
      %max3A_198 = arith.constant 0 : i32
      %max3A_199 = vector.broadcast %max3A_198 : i32 to vector<16xi32>
      %max3A_200 = arith.maxsi %sub3A_197, %max3A_199 : vector<16xi32>
      %gather3A_201 = tpu.vector_load_idx %arg9[%max3A_200, %get3A_134] masked %and3A_194 : memref<8x4096xf32, #tpu.memory_space<vmem>>[vector<16xi32>, vector<16xi32>], vector<16xf32>, vector<16xi1>
      %get3A_202 = arith.constant 0 : index
      %get3A_203 = tpu.vector_load %arg14[%get3A_202] {strides = array<i32>} : memref<16xf32, #tpu.memory_space<vmem>>, vector<16xf32>,
      %jit3A_204 = arith.constant 0.000000e+00 : f32
      %broadcast_in_dim3A_205 = vector.broadcast %jit3A_204 : f32 to vector<16xf32>
      %select_n3A_206 = arith.select %and3A_194, %gather3A_201, %broadcast_in_dim3A_205 : vector<16xi1>, vector<16xf32>
      %add3A_207 = arith.addf %get3A_203, %select_n3A_206 : vector<16xf32>
      %swap3A_208 = arith.constant 0 : index
      %swap3A_209 = tpu.vector_load %arg14[%swap3A_208] {strides = array<i32>} : memref<16xf32, #tpu.memory_space<vmem>>, vector<16xf32>,
      tpu.vector_store %arg14[%swap3A_208], %add3A_207 {strides = array<i32>} : memref<16xf32, #tpu.memory_space<vmem>>, vector<16xf32>,
      %add3A_210 = arith.constant 504 : i32
      %add3A_211 = arith.addi %mul3A_2, %add3A_210 : i32
      %dma_start3A_212 = arith.constant 0 : i32
      %dma_start3A_213 = tpu.memref_slice %arg6[%add3A_211, %dma_start3A_212] : memref<8192x8192xf32, #tpu.memory_space<hbm>> -> memref<8x4096xf32, #tpu.memory_space<hbm>>
      %dma_start3A_214 = arith.constant 0 : i32
      %dma_start3A_215 = tpu.memref_slice %arg6[%add3A_211, %dma_start3A_214] : memref<8192x8192xf32, #tpu.memory_space<hbm>> -> memref<8x4096xf32, #tpu.memory_space<hbm>>
      tpu.enqueue_dma source(%arg9 : memref<8x4096xf32, #tpu.memory_space<vmem>>) target(%dma_start3A_215 : memref<8x4096xf32, #tpu.memory_space<hbm>>) target_semaphore(%arg18 : memref<!tpu.dma_semaphore, #tpu.memory_space<semaphore_mem>>)
      %add3A_216 = arith.constant 496 : i32
      %add3A_217 = arith.addi %mul3A_2, %add3A_216 : i32
      %dma_wait3A_218 = arith.constant 0 : i32
      %dma_wait3A_219 = tpu.memref_slice %arg6[%add3A_217, %dma_wait3A_218] : memref<8192x8192xf32, #tpu.memory_space<hbm>> -> memref<8x4096xf32, #tpu.memory_space<hbm>>
      %dma_wait3A_220 = arith.constant 0 : i32
      %dma_wait3A_221 = tpu.memref_slice %arg6[%add3A_217, %dma_wait3A_220] : memref<8192x8192xf32, #tpu.memory_space<hbm>> -> memref<8x4096xf32, #tpu.memory_space<hbm>>
      tpu.wait_dma2 semaphore(%arg20 : memref<!tpu.dma_semaphore, #tpu.memory_space<semaphore_mem>>) src(%arg11 : memref<8x4096xf32, #tpu.memory_space<vmem>>) dst(%dma_wait3A_221 : memref<8x4096xf32, #tpu.memory_space<hbm>>)
      %add3A_222 = arith.constant 504 : i32
      %add3A_223 = arith.addi %mul3A_2, %add3A_222 : i32
      %dma_wait3A_224 = arith.constant 0 : i32
      %dma_wait3A_225 = tpu.memref_slice %arg6[%add3A_223, %dma_wait3A_224] : memref<8192x8192xf32, #tpu.memory_space<hbm>> -> memref<8x4096xf32, #tpu.memory_space<hbm>>
      %dma_wait3A_226 = arith.constant 0 : i32
      %dma_wait3A_227 = tpu.memref_slice %arg6[%add3A_223, %dma_wait3A_226] : memref<8192x8192xf32, #tpu.memory_space<hbm>> -> memref<8x4096xf32, #tpu.memory_space<hbm>>
      tpu.wait_dma2 semaphore(%arg18 : memref<!tpu.dma_semaphore, #tpu.memory_space<semaphore_mem>>) src(%arg9 : memref<8x4096xf32, #tpu.memory_space<vmem>>) dst(%dma_wait3A_227 : memref<8x4096xf32, #tpu.memory_space<hbm>>)
    } else {
    }
    %eq3A_7 = arith.constant 1 : i32
    %eq3A_8 = arith.cmpi eq, %arg0, %eq3A_7 : i32
    %convert_element_type3A_9 = arith.extui %eq3A_8 : i1 to i32
    %cond3A_10 = arith.constant 0 : i32
    %cond3A_11 = arith.cmpi ne, %convert_element_type3A_9, %cond3A_10 : i32
    scf.if %cond3A_11 {
      %dma_start3A = arith.constant 0 : i32
      %dma_start3A_12 = arith.constant 0 : i32
      %dma_start3A_13 = tpu.memref_slice %arg8[%dma_start3A, %dma_start3A_12] : memref<64x8xi32, #tpu.memory_space<vmem>> -> memref<1x8xi32, #tpu.memory_space<vmem>>
      %dma_start3A_14 = tpu.memref_squeeze %dma_start3A_13 : memref<1x8xi32, #tpu.memory_space<vmem>> -> memref<8xi32, #tpu.memory_space<vmem>>
      %dma_start3A_15 = arith.constant 0 : i32
      %dma_start3A_16 = arith.constant 4096 : i32
      %dma_start3A_17 = tpu.memref_slice %arg2[%dma_start3A_15, %dma_start3A_16] : memref<8192x8192xf32, #tpu.memory_space<hbm>> -> memref<8192x4096xf32, #tpu.memory_space<hbm>>
      %dma_start3A_18 = arith.constant 0 : i32
      %dma_start3A_19 = arith.constant 0 : i32
      %dma_start3A_20 = tpu.memref_slice %dma_start3A_17[%dma_start3A_18, %dma_start3A_19] : memref<8192x4096xf32, #tpu.memory_space<hbm>> -> memref<8192x4096xf32, #tpu.memory_space<hbm>>
      tpu.enqueue_indirect_dma source(%dma_start3A_20 : memref<8192x4096xf32, #tpu.memory_space<hbm>>) target(%arg9 : memref<8x4096xf32, #tpu.memory_space<vmem>>) offsets(%dma_start3A_14 : memref<8xi32, #tpu.memory_space<vmem>>) semaphore(%arg15 : memref<!tpu.dma_semaphore, #tpu.memory_space<semaphore_mem>>)
      %dma_start3A_21 = arith.constant 1 : i32
      %dma_start3A_22 = arith.constant 0 : i32
      %dma_start3A_23 = tpu.memref_slice %arg8[%dma_start3A_21, %dma_start3A_22] : memref<64x8xi32, #tpu.memory_space<vmem>> -> memref<1x8xi32, #tpu.memory_space<vmem>>
      %dma_start3A_24 = tpu.memref_squeeze %dma_start3A_23 : memref<1x8xi32, #tpu.memory_space<vmem>> -> memref<8xi32, #tpu.memory_space<vmem>>
      %dma_start3A_25 = arith.constant 0 : i32
      %dma_start3A_26 = arith.constant 4096 : i32
      %dma_start3A_27 = tpu.memref_slice %arg2[%dma_start3A_25, %dma_start3A_26] : memref<8192x8192xf32, #tpu.memory_space<hbm>> -> memref<8192x4096xf32, #tpu.memory_space<hbm>>
      %dma_start3A_28 = arith.constant 0 : i32
      %dma_start3A_29 = arith.constant 0 : i32
      %dma_start3A_30 = tpu.memref_slice %dma_start3A_27[%dma_start3A_28, %dma_start3A_29] : memref<8192x4096xf32, #tpu.memory_space<hbm>> -> memref<8192x4096xf32, #tpu.memory_space<hbm>>
      tpu.enqueue_indirect_dma source(%dma_start3A_30 : memref<8192x4096xf32, #tpu.memory_space<hbm>>) target(%arg10 : memref<8x4096xf32, #tpu.memory_space<vmem>>) offsets(%dma_start3A_24 : memref<8xi32, #tpu.memory_space<vmem>>) semaphore(%arg16 : memref<!tpu.dma_semaphore, #tpu.memory_space<semaphore_mem>>)
      %scan3A = arith.constant 0 : i32
      %scan3A_31 = arith.constant 10 : i32
      %scan3A_32 = arith.addi %scan3A, %scan3A_31 : i32
      %scan3A_33 = arith.constant 1 : i32
      scf.for %scan3A_228 = %scan3A to %scan3A_32 step %scan3A_33  : i32 {
        %mul3A_229 = arith.constant 6 : i32
        %mul3A_230 = arith.muli %scan3A_228, %mul3A_229 : i32
        %add3A_231 = arith.constant 0 : i32
        %add3A_232 = arith.addi %add3A_231, %mul3A_230 : i32
        %add3A_233 = arith.constant 0 : i32
        %add3A_234 = arith.addi %add3A_232, %add3A_233 : i32
        %mul3A_235 = arith.constant 8 : i32
        %mul3A_236 = arith.muli %add3A_234, %mul3A_235 : i32
        %get3A_237 = arith.index_cast %mul3A_236 : i32 to index
        %get3A_238 = tpu.vector_load %arg12[%get3A_237] {strides = array<i32>} : memref<512xi32, #tpu.memory_space<vmem>>, vector<16xi32>,
        %mul3A_239 = arith.constant 8 : i32
        %mul3A_240 = arith.muli %add3A_234, %mul3A_239 : i32
        %get3A_241 = arith.index_cast %mul3A_240 : i32 to index
        %get3A_242 = tpu.vector_load %arg13[%get3A_241] {strides = array<i32>} : memref<512xi32, #tpu.memory_space<vmem>>, vector<16xi32>,
        %gt3A = arith.constant 0 : i32
        %gt3A_243 = arith.cmpi sgt, %add3A_232, %gt3A : i32
        %convert_element_type3A_244 = arith.extui %gt3A_243 : i1 to i32
        %cond3A_245 = arith.constant 0 : i32
        %cond3A_246 = arith.cmpi ne, %convert_element_type3A_244, %cond3A_245 : i32
        scf.if %cond3A_246 {
          %sub3A_603 = arith.constant 1 : i32
          %sub3A_604 = arith.subi %add3A_234, %sub3A_603 : i32
          %mul3A_605 = arith.constant 8 : i32
          %mul3A_606 = arith.muli %sub3A_604, %mul3A_605 : i32
          %add3A_607 = arith.addi %mul3A_2, %mul3A_606 : i32
          %dma_wait3A_608 = arith.constant 4096 : i32
          %dma_wait3A_609 = tpu.memref_slice %arg6[%add3A_607, %dma_wait3A_608] : memref<8192x8192xf32, #tpu.memory_space<hbm>> -> memref<8x4096xf32, #tpu.memory_space<hbm>>
          %dma_wait3A_610 = arith.constant 4096 : i32
          %dma_wait3A_611 = tpu.memref_slice %arg6[%add3A_607, %dma_wait3A_610] : memref<8192x8192xf32, #tpu.memory_space<hbm>> -> memref<8x4096xf32, #tpu.memory_space<hbm>>
          tpu.wait_dma2 semaphore(%arg20 : memref<!tpu.dma_semaphore, #tpu.memory_space<semaphore_mem>>) src(%arg11 : memref<8x4096xf32, #tpu.memory_space<vmem>>) dst(%dma_wait3A_611 : memref<8x4096xf32, #tpu.memory_space<hbm>>)
        } else {
        }
        %add3A_247 = arith.constant 2 : i32
        %add3A_248 = arith.addi %add3A_234, %add3A_247 : i32
        %dma_start3A_249 = arith.constant 0 : i32
        %dma_start3A_250 = tpu.memref_slice %arg8[%add3A_248, %dma_start3A_249] : memref<64x8xi32, #tpu.memory_space<vmem>> -> memref<1x8xi32, #tpu.memory_space<vmem>>
        %dma_start3A_251 = tpu.memref_squeeze %dma_start3A_250 : memref<1x8xi32, #tpu.memory_space<vmem>> -> memref<8xi32, #tpu.memory_space<vmem>>
        %dma_start3A_252 = arith.constant 0 : i32
        %dma_start3A_253 = arith.constant 4096 : i32
        %dma_start3A_254 = tpu.memref_slice %arg2[%dma_start3A_252, %dma_start3A_253] : memref<8192x8192xf32, #tpu.memory_space<hbm>> -> memref<8192x4096xf32, #tpu.memory_space<hbm>>
        %dma_start3A_255 = arith.constant 0 : i32
        %dma_start3A_256 = arith.constant 0 : i32
        %dma_start3A_257 = tpu.memref_slice %dma_start3A_254[%dma_start3A_255, %dma_start3A_256] : memref<8192x4096xf32, #tpu.memory_space<hbm>> -> memref<8192x4096xf32, #tpu.memory_space<hbm>>
        tpu.enqueue_indirect_dma source(%dma_start3A_257 : memref<8192x4096xf32, #tpu.memory_space<hbm>>) target(%arg11 : memref<8x4096xf32, #tpu.memory_space<vmem>>) offsets(%dma_start3A_251 : memref<8xi32, #tpu.memory_space<vmem>>) semaphore(%arg17 : memref<!tpu.dma_semaphore, #tpu.memory_space<semaphore_mem>>)
        %dma_wait3A_258 = arith.constant 0 : i32
        %dma_wait3A_259 = tpu.memref_slice %arg8[%add3A_234, %dma_wait3A_258] : memref<64x8xi32, #tpu.memory_space<vmem>> -> memref<1x8xi32, #tpu.memory_space<vmem>>
        %dma_wait3A_260 = tpu.memref_squeeze %dma_wait3A_259 : memref<1x8xi32, #tpu.memory_space<vmem>> -> memref<8xi32, #tpu.memory_space<vmem>>
        %dma_wait3A_261 = arith.constant 0 : i32
        %dma_wait3A_262 = arith.constant 4096 : i32
        %dma_wait3A_263 = tpu.memref_slice %arg2[%dma_wait3A_261, %dma_wait3A_262] : memref<8192x8192xf32, #tpu.memory_space<hbm>> -> memref<8192x4096xf32, #tpu.memory_space<hbm>>
        %dma_wait3A_264 = arith.constant 0 : i32
        %dma_wait3A_265 = arith.constant 0 : i32
        %dma_wait3A_266 = tpu.memref_slice %dma_wait3A_263[%dma_wait3A_264, %dma_wait3A_265] : memref<8192x4096xf32, #tpu.memory_space<hbm>> -> memref<8192x4096xf32, #tpu.memory_space<hbm>>
        tpu.wait_indirect_dma semaphore(%arg15 : memref<!tpu.dma_semaphore, #tpu.memory_space<semaphore_mem>>) src(%dma_wait3A_266 : memref<8192x4096xf32, #tpu.memory_space<hbm>>) dst(%arg9 : memref<8x4096xf32, #tpu.memory_space<vmem>>)
        %lt3A_267 = arith.constant 8 : i32
        %lt3A_268 = vector.broadcast %lt3A_267 : i32 to vector<16xi32>
        %lt3A_269 = arith.cmpi slt, %iota3A, %lt3A_268 : vector<16xi32>
        %eq3A_270 = arith.constant 1 : i32
        %eq3A_271 = vector.broadcast %eq3A_270 : i32 to vector<16xi32>
        %eq3A_272 = arith.cmpi eq, %get3A_242, %eq3A_271 : vector<16xi32>
        %and3A_273 = arith.andi %lt3A_269, %eq3A_272 : vector<16xi1>
        %min3A_274 = arith.constant 7 : i32
        %min3A_275 = vector.broadcast %min3A_274 : i32 to vector<16xi32>
        %min3A_276 = arith.minsi %iota3A, %min3A_275 : vector<16xi32>
        %gather3A_277 = tpu.vector_load_idx %arg9[%min3A_276, %get3A_238] masked %and3A_273 : memref<8x4096xf32, #tpu.memory_space<vmem>>[vector<16xi32>, vector<16xi32>], vector<16xf32>, vector<16xi1>
        %get3A_278 = arith.constant 0 : index
        %get3A_279 = tpu.vector_load %arg14[%get3A_278] {strides = array<i32>} : memref<16xf32, #tpu.memory_space<vmem>>, vector<16xf32>,
        %jit3A_280 = arith.constant 0.000000e+00 : f32
        %broadcast_in_dim3A_281 = vector.broadcast %jit3A_280 : f32 to vector<16xf32>
        %select_n3A_282 = arith.select %and3A_273, %gather3A_277, %broadcast_in_dim3A_281 : vector<16xi1>, vector<16xf32>
        %add3A_283 = arith.addf %get3A_279, %select_n3A_282 : vector<16xf32>
        %swap3A_284 = arith.constant 0 : index
        %swap3A_285 = tpu.vector_load %arg14[%swap3A_284] {strides = array<i32>} : memref<16xf32, #tpu.memory_space<vmem>>, vector<16xf32>,
        tpu.vector_store %arg14[%swap3A_284], %add3A_283 {strides = array<i32>} : memref<16xf32, #tpu.memory_space<vmem>>, vector<16xf32>,
        %mul3A_286 = arith.constant 8 : i32
        %mul3A_287 = arith.muli %add3A_234, %mul3A_286 : i32
        %add3A_288 = arith.addi %mul3A_2, %mul3A_287 : i32
        %dma_start3A_289 = arith.constant 4096 : i32
        %dma_start3A_290 = tpu.memref_slice %arg6[%add3A_288, %dma_start3A_289] : memref<8192x8192xf32, #tpu.memory_space<hbm>> -> memref<8x4096xf32, #tpu.memory_space<hbm>>
        %dma_start3A_291 = arith.constant 4096 : i32
        %dma_start3A_292 = tpu.memref_slice %arg6[%add3A_288, %dma_start3A_291] : memref<8192x8192xf32, #tpu.memory_space<hbm>> -> memref<8x4096xf32, #tpu.memory_space<hbm>>
        tpu.enqueue_dma source(%arg9 : memref<8x4096xf32, #tpu.memory_space<vmem>>) target(%dma_start3A_292 : memref<8x4096xf32, #tpu.memory_space<hbm>>) target_semaphore(%arg18 : memref<!tpu.dma_semaphore, #tpu.memory_space<semaphore_mem>>)
        %add3A_293 = arith.constant 1 : i32
        %add3A_294 = arith.addi %add3A_232, %add3A_293 : i32
        %dma_wait3A_295 = arith.constant 0 : i32
        %dma_wait3A_296 = tpu.memref_slice %arg8[%add3A_294, %dma_wait3A_295] : memref<64x8xi32, #tpu.memory_space<vmem>> -> memref<1x8xi32, #tpu.memory_space<vmem>>
        %dma_wait3A_297 = tpu.memref_squeeze %dma_wait3A_296 : memref<1x8xi32, #tpu.memory_space<vmem>> -> memref<8xi32, #tpu.memory_space<vmem>>
        %dma_wait3A_298 = arith.constant 0 : i32
        %dma_wait3A_299 = arith.constant 4096 : i32
        %dma_wait3A_300 = tpu.memref_slice %arg2[%dma_wait3A_298, %dma_wait3A_299] : memref<8192x8192xf32, #tpu.memory_space<hbm>> -> memref<8192x4096xf32, #tpu.memory_space<hbm>>
        %dma_wait3A_301 = arith.constant 0 : i32
        %dma_wait3A_302 = arith.constant 0 : i32
        %dma_wait3A_303 = tpu.memref_slice %dma_wait3A_300[%dma_wait3A_301, %dma_wait3A_302] : memref<8192x4096xf32, #tpu.memory_space<hbm>> -> memref<8192x4096xf32, #tpu.memory_space<hbm>>
        tpu.wait_indirect_dma semaphore(%arg16 : memref<!tpu.dma_semaphore, #tpu.memory_space<semaphore_mem>>) src(%dma_wait3A_303 : memref<8192x4096xf32, #tpu.memory_space<hbm>>) dst(%arg10 : memref<8x4096xf32, #tpu.memory_space<vmem>>)
        %ge3A_304 = arith.constant 8 : i32
        %ge3A_305 = vector.broadcast %ge3A_304 : i32 to vector<16xi32>
        %ge3A_306 = arith.cmpi sge, %iota3A, %ge3A_305 : vector<16xi32>
        %eq3A_307 = arith.constant 1 : i32
        %eq3A_308 = vector.broadcast %eq3A_307 : i32 to vector<16xi32>
        %eq3A_309 = arith.cmpi eq, %get3A_242, %eq3A_308 : vector<16xi32>
        %and3A_310 = arith.andi %ge3A_306, %eq3A_309 : vector<16xi1>
        %sub3A_311 = arith.constant 8 : i32
        %sub3A_312 = vector.broadcast %sub3A_311 : i32 to vector<16xi32>
        %sub3A_313 = arith.subi %iota3A, %sub3A_312 : vector<16xi32>
        %max3A_314 = arith.constant 0 : i32
        %max3A_315 = vector.broadcast %max3A_314 : i32 to vector<16xi32>
        %max3A_316 = arith.maxsi %sub3A_313, %max3A_315 : vector<16xi32>
        %gather3A_317 = tpu.vector_load_idx %arg10[%max3A_316, %get3A_238] masked %and3A_310 : memref<8x4096xf32, #tpu.memory_space<vmem>>[vector<16xi32>, vector<16xi32>], vector<16xf32>, vector<16xi1>
        %get3A_318 = arith.constant 0 : index
        %get3A_319 = tpu.vector_load %arg14[%get3A_318] {strides = array<i32>} : memref<16xf32, #tpu.memory_space<vmem>>, vector<16xf32>,
        %jit3A_320 = arith.constant 0.000000e+00 : f32
        %broadcast_in_dim3A_321 = vector.broadcast %jit3A_320 : f32 to vector<16xf32>
        %select_n3A_322 = arith.select %and3A_310, %gather3A_317, %broadcast_in_dim3A_321 : vector<16xi1>, vector<16xf32>
        %add3A_323 = arith.addf %get3A_319, %select_n3A_322 : vector<16xf32>
        %swap3A_324 = arith.constant 0 : index
        %swap3A_325 = tpu.vector_load %arg14[%swap3A_324] {strides = array<i32>} : memref<16xf32, #tpu.memory_space<vmem>>, vector<16xf32>,
        tpu.vector_store %arg14[%swap3A_324], %add3A_323 {strides = array<i32>} : memref<16xf32, #tpu.memory_space<vmem>>, vector<16xf32>,
        %mul3A_326 = arith.constant 8 : i32
        %mul3A_327 = arith.muli %add3A_294, %mul3A_326 : i32
        %add3A_328 = arith.addi %mul3A_2, %mul3A_327 : i32
        %dma_start3A_329 = arith.constant 4096 : i32
        %dma_start3A_330 = tpu.memref_slice %arg6[%add3A_328, %dma_start3A_329] : memref<8192x8192xf32, #tpu.memory_space<hbm>> -> memref<8x4096xf32, #tpu.memory_space<hbm>>
        %dma_start3A_331 = arith.constant 4096 : i32
        %dma_start3A_332 = tpu.memref_slice %arg6[%add3A_328, %dma_start3A_331] : memref<8192x8192xf32, #tpu.memory_space<hbm>> -> memref<8x4096xf32, #tpu.memory_space<hbm>>
        tpu.enqueue_dma source(%arg10 : memref<8x4096xf32, #tpu.memory_space<vmem>>) target(%dma_start3A_332 : memref<8x4096xf32, #tpu.memory_space<hbm>>) target_semaphore(%arg19 : memref<!tpu.dma_semaphore, #tpu.memory_space<semaphore_mem>>)
        %sub3A_333 = arith.constant 1 : i32
        %sub3A_334 = arith.subi %add3A_294, %sub3A_333 : i32
        %mul3A_335 = arith.constant 8 : i32
        %mul3A_336 = arith.muli %sub3A_334, %mul3A_335 : i32
        %add3A_337 = arith.addi %mul3A_2, %mul3A_336 : i32
        %dma_wait3A_338 = arith.constant 4096 : i32
        %dma_wait3A_339 = tpu.memref_slice %arg6[%add3A_337, %dma_wait3A_338] : memref<8192x8192xf32, #tpu.memory_space<hbm>> -> memref<8x4096xf32, #tpu.memory_space<hbm>>
        %dma_wait3A_340 = arith.constant 4096 : i32
        %dma_wait3A_341 = tpu.memref_slice %arg6[%add3A_337, %dma_wait3A_340] : memref<8192x8192xf32, #tpu.memory_space<hbm>> -> memref<8x4096xf32, #tpu.memory_space<hbm>>
        tpu.wait_dma2 semaphore(%arg18 : memref<!tpu.dma_semaphore, #tpu.memory_space<semaphore_mem>>) src(%arg9 : memref<8x4096xf32, #tpu.memory_space<vmem>>) dst(%dma_wait3A_341 : memref<8x4096xf32, #tpu.memory_space<hbm>>)
        %add3A_342 = arith.constant 2 : i32
        %add3A_343 = arith.addi %add3A_294, %add3A_342 : i32
        %dma_start3A_344 = arith.constant 0 : i32
        %dma_start3A_345 = tpu.memref_slice %arg8[%add3A_343, %dma_start3A_344] : memref<64x8xi32, #tpu.memory_space<vmem>> -> memref<1x8xi32, #tpu.memory_space<vmem>>
        %dma_start3A_346 = tpu.memref_squeeze %dma_start3A_345 : memref<1x8xi32, #tpu.memory_space<vmem>> -> memref<8xi32, #tpu.memory_space<vmem>>
        %dma_start3A_347 = arith.constant 0 : i32
        %dma_start3A_348 = arith.constant 4096 : i32
        %dma_start3A_349 = tpu.memref_slice %arg2[%dma_start3A_347, %dma_start3A_348] : memref<8192x8192xf32, #tpu.memory_space<hbm>> -> memref<8192x4096xf32, #tpu.memory_space<hbm>>
        %dma_start3A_350 = arith.constant 0 : i32
        %dma_start3A_351 = arith.constant 0 : i32
        %dma_start3A_352 = tpu.memref_slice %dma_start3A_349[%dma_start3A_350, %dma_start3A_351] : memref<8192x4096xf32, #tpu.memory_space<hbm>> -> memref<8192x4096xf32, #tpu.memory_space<hbm>>
        tpu.enqueue_indirect_dma source(%dma_start3A_352 : memref<8192x4096xf32, #tpu.memory_space<hbm>>) target(%arg9 : memref<8x4096xf32, #tpu.memory_space<vmem>>) offsets(%dma_start3A_346 : memref<8xi32, #tpu.memory_space<vmem>>) semaphore(%arg15 : memref<!tpu.dma_semaphore, #tpu.memory_space<semaphore_mem>>)
        %add3A_353 = arith.constant 2 : i32
        %add3A_354 = arith.addi %add3A_232, %add3A_353 : i32
        %mul3A_355 = arith.constant 8 : i32
        %mul3A_356 = arith.muli %add3A_354, %mul3A_355 : i32
        %get3A_357 = arith.index_cast %mul3A_356 : i32 to index
        %get3A_358 = tpu.vector_load %arg12[%get3A_357] {strides = array<i32>} : memref<512xi32, #tpu.memory_space<vmem>>, vector<16xi32>,
        %mul3A_359 = arith.constant 8 : i32
        %mul3A_360 = arith.muli %add3A_354, %mul3A_359 : i32
        %get3A_361 = arith.index_cast %mul3A_360 : i32 to index
        %get3A_362 = tpu.vector_load %arg13[%get3A_361] {strides = array<i32>} : memref<512xi32, #tpu.memory_space<vmem>>, vector<16xi32>,
        %dma_wait3A_363 = arith.constant 0 : i32
        %dma_wait3A_364 = tpu.memref_slice %arg8[%add3A_354, %dma_wait3A_363] : memref<64x8xi32, #tpu.memory_space<vmem>> -> memref<1x8xi32, #tpu.memory_space<vmem>>
        %dma_wait3A_365 = tpu.memref_squeeze %dma_wait3A_364 : memref<1x8xi32, #tpu.memory_space<vmem>> -> memref<8xi32, #tpu.memory_space<vmem>>
        %dma_wait3A_366 = arith.constant 0 : i32
        %dma_wait3A_367 = arith.constant 4096 : i32
        %dma_wait3A_368 = tpu.memref_slice %arg2[%dma_wait3A_366, %dma_wait3A_367] : memref<8192x8192xf32, #tpu.memory_space<hbm>> -> memref<8192x4096xf32, #tpu.memory_space<hbm>>
        %dma_wait3A_369 = arith.constant 0 : i32
        %dma_wait3A_370 = arith.constant 0 : i32
        %dma_wait3A_371 = tpu.memref_slice %dma_wait3A_368[%dma_wait3A_369, %dma_wait3A_370] : memref<8192x4096xf32, #tpu.memory_space<hbm>> -> memref<8192x4096xf32, #tpu.memory_space<hbm>>
        tpu.wait_indirect_dma semaphore(%arg17 : memref<!tpu.dma_semaphore, #tpu.memory_space<semaphore_mem>>) src(%dma_wait3A_371 : memref<8192x4096xf32, #tpu.memory_space<hbm>>) dst(%arg11 : memref<8x4096xf32, #tpu.memory_space<vmem>>)
        %lt3A_372 = arith.constant 8 : i32
        %lt3A_373 = vector.broadcast %lt3A_372 : i32 to vector<16xi32>
        %lt3A_374 = arith.cmpi slt, %iota3A, %lt3A_373 : vector<16xi32>
        %eq3A_375 = arith.constant 1 : i32
        %eq3A_376 = vector.broadcast %eq3A_375 : i32 to vector<16xi32>
        %eq3A_377 = arith.cmpi eq, %get3A_362, %eq3A_376 : vector<16xi32>
        %and3A_378 = arith.andi %lt3A_374, %eq3A_377 : vector<16xi1>
        %min3A_379 = arith.constant 7 : i32
        %min3A_380 = vector.broadcast %min3A_379 : i32 to vector<16xi32>
        %min3A_381 = arith.minsi %iota3A, %min3A_380 : vector<16xi32>
        %gather3A_382 = tpu.vector_load_idx %arg11[%min3A_381, %get3A_358] masked %and3A_378 : memref<8x4096xf32, #tpu.memory_space<vmem>>[vector<16xi32>, vector<16xi32>], vector<16xf32>, vector<16xi1>
        %get3A_383 = arith.constant 0 : index
        %get3A_384 = tpu.vector_load %arg14[%get3A_383] {strides = array<i32>} : memref<16xf32, #tpu.memory_space<vmem>>, vector<16xf32>,
        %jit3A_385 = arith.constant 0.000000e+00 : f32
        %broadcast_in_dim3A_386 = vector.broadcast %jit3A_385 : f32 to vector<16xf32>
        %select_n3A_387 = arith.select %and3A_378, %gather3A_382, %broadcast_in_dim3A_386 : vector<16xi1>, vector<16xf32>
        %add3A_388 = arith.addf %get3A_384, %select_n3A_387 : vector<16xf32>
        %swap3A_389 = arith.constant 0 : index
        %swap3A_390 = tpu.vector_load %arg14[%swap3A_389] {strides = array<i32>} : memref<16xf32, #tpu.memory_space<vmem>>, vector<16xf32>,
        tpu.vector_store %arg14[%swap3A_389], %add3A_388 {strides = array<i32>} : memref<16xf32, #tpu.memory_space<vmem>>, vector<16xf32>,
        %mul3A_391 = arith.constant 8 : i32
        %mul3A_392 = arith.muli %add3A_354, %mul3A_391 : i32
        %add3A_393 = arith.addi %mul3A_2, %mul3A_392 : i32
        %dma_start3A_394 = arith.constant 4096 : i32
        %dma_start3A_395 = tpu.memref_slice %arg6[%add3A_393, %dma_start3A_394] : memref<8192x8192xf32, #tpu.memory_space<hbm>> -> memref<8x4096xf32, #tpu.memory_space<hbm>>
        %dma_start3A_396 = arith.constant 4096 : i32
        %dma_start3A_397 = tpu.memref_slice %arg6[%add3A_393, %dma_start3A_396] : memref<8192x8192xf32, #tpu.memory_space<hbm>> -> memref<8x4096xf32, #tpu.memory_space<hbm>>
        tpu.enqueue_dma source(%arg11 : memref<8x4096xf32, #tpu.memory_space<vmem>>) target(%dma_start3A_397 : memref<8x4096xf32, #tpu.memory_space<hbm>>) target_semaphore(%arg20 : memref<!tpu.dma_semaphore, #tpu.memory_space<semaphore_mem>>)
        %sub3A_398 = arith.constant 1 : i32
        %sub3A_399 = arith.subi %add3A_354, %sub3A_398 : i32
        %mul3A_400 = arith.constant 8 : i32
        %mul3A_401 = arith.muli %sub3A_399, %mul3A_400 : i32
        %add3A_402 = arith.addi %mul3A_2, %mul3A_401 : i32
        %dma_wait3A_403 = arith.constant 4096 : i32
        %dma_wait3A_404 = tpu.memref_slice %arg6[%add3A_402, %dma_wait3A_403] : memref<8192x8192xf32, #tpu.memory_space<hbm>> -> memref<8x4096xf32, #tpu.memory_space<hbm>>
        %dma_wait3A_405 = arith.constant 4096 : i32
        %dma_wait3A_406 = tpu.memref_slice %arg6[%add3A_402, %dma_wait3A_405] : memref<8192x8192xf32, #tpu.memory_space<hbm>> -> memref<8x4096xf32, #tpu.memory_space<hbm>>
        tpu.wait_dma2 semaphore(%arg19 : memref<!tpu.dma_semaphore, #tpu.memory_space<semaphore_mem>>) src(%arg10 : memref<8x4096xf32, #tpu.memory_space<vmem>>) dst(%dma_wait3A_406 : memref<8x4096xf32, #tpu.memory_space<hbm>>)
        %add3A_407 = arith.constant 2 : i32
        %add3A_408 = arith.addi %add3A_354, %add3A_407 : i32
        %dma_start3A_409 = arith.constant 0 : i32
        %dma_start3A_410 = tpu.memref_slice %arg8[%add3A_408, %dma_start3A_409] : memref<64x8xi32, #tpu.memory_space<vmem>> -> memref<1x8xi32, #tpu.memory_space<vmem>>
        %dma_start3A_411 = tpu.memref_squeeze %dma_start3A_410 : memref<1x8xi32, #tpu.memory_space<vmem>> -> memref<8xi32, #tpu.memory_space<vmem>>
        %dma_start3A_412 = arith.constant 0 : i32
        %dma_start3A_413 = arith.constant 4096 : i32
        %dma_start3A_414 = tpu.memref_slice %arg2[%dma_start3A_412, %dma_start3A_413] : memref<8192x8192xf32, #tpu.memory_space<hbm>> -> memref<8192x4096xf32, #tpu.memory_space<hbm>>
        %dma_start3A_415 = arith.constant 0 : i32
        %dma_start3A_416 = arith.constant 0 : i32
        %dma_start3A_417 = tpu.memref_slice %dma_start3A_414[%dma_start3A_415, %dma_start3A_416] : memref<8192x4096xf32, #tpu.memory_space<hbm>> -> memref<8192x4096xf32, #tpu.memory_space<hbm>>
        tpu.enqueue_indirect_dma source(%dma_start3A_417 : memref<8192x4096xf32, #tpu.memory_space<hbm>>) target(%arg10 : memref<8x4096xf32, #tpu.memory_space<vmem>>) offsets(%dma_start3A_411 : memref<8xi32, #tpu.memory_space<vmem>>) semaphore(%arg16 : memref<!tpu.dma_semaphore, #tpu.memory_space<semaphore_mem>>)
        %add3A_418 = arith.constant 3 : i32
        %add3A_419 = arith.addi %add3A_232, %add3A_418 : i32
        %dma_wait3A_420 = arith.constant 0 : i32
        %dma_wait3A_421 = tpu.memref_slice %arg8[%add3A_419, %dma_wait3A_420] : memref<64x8xi32, #tpu.memory_space<vmem>> -> memref<1x8xi32, #tpu.memory_space<vmem>>
        %dma_wait3A_422 = tpu.memref_squeeze %dma_wait3A_421 : memref<1x8xi32, #tpu.memory_space<vmem>> -> memref<8xi32, #tpu.memory_space<vmem>>
        %dma_wait3A_423 = arith.constant 0 : i32
        %dma_wait3A_424 = arith.constant 4096 : i32
        %dma_wait3A_425 = tpu.memref_slice %arg2[%dma_wait3A_423, %dma_wait3A_424] : memref<8192x8192xf32, #tpu.memory_space<hbm>> -> memref<8192x4096xf32, #tpu.memory_space<hbm>>
        %dma_wait3A_426 = arith.constant 0 : i32
        %dma_wait3A_427 = arith.constant 0 : i32
        %dma_wait3A_428 = tpu.memref_slice %dma_wait3A_425[%dma_wait3A_426, %dma_wait3A_427] : memref<8192x4096xf32, #tpu.memory_space<hbm>> -> memref<8192x4096xf32, #tpu.memory_space<hbm>>
        tpu.wait_indirect_dma semaphore(%arg15 : memref<!tpu.dma_semaphore, #tpu.memory_space<semaphore_mem>>) src(%dma_wait3A_428 : memref<8192x4096xf32, #tpu.memory_space<hbm>>) dst(%arg9 : memref<8x4096xf32, #tpu.memory_space<vmem>>)
        %ge3A_429 = arith.constant 8 : i32
        %ge3A_430 = vector.broadcast %ge3A_429 : i32 to vector<16xi32>
        %ge3A_431 = arith.cmpi sge, %iota3A, %ge3A_430 : vector<16xi32>
        %eq3A_432 = arith.constant 1 : i32
        %eq3A_433 = vector.broadcast %eq3A_432 : i32 to vector<16xi32>
        %eq3A_434 = arith.cmpi eq, %get3A_362, %eq3A_433 : vector<16xi32>
        %and3A_435 = arith.andi %ge3A_431, %eq3A_434 : vector<16xi1>
        %sub3A_436 = arith.constant 8 : i32
        %sub3A_437 = vector.broadcast %sub3A_436 : i32 to vector<16xi32>
        %sub3A_438 = arith.subi %iota3A, %sub3A_437 : vector<16xi32>
        %max3A_439 = arith.constant 0 : i32
        %max3A_440 = vector.broadcast %max3A_439 : i32 to vector<16xi32>
        %max3A_441 = arith.maxsi %sub3A_438, %max3A_440 : vector<16xi32>
        %gather3A_442 = tpu.vector_load_idx %arg9[%max3A_441, %get3A_358] masked %and3A_435 : memref<8x4096xf32, #tpu.memory_space<vmem>>[vector<16xi32>, vector<16xi32>], vector<16xf32>, vector<16xi1>
        %get3A_443 = arith.constant 0 : index
        %get3A_444 = tpu.vector_load %arg14[%get3A_443] {strides = array<i32>} : memref<16xf32, #tpu.memory_space<vmem>>, vector<16xf32>,
        %jit3A_445 = arith.constant 0.000000e+00 : f32
        %broadcast_in_dim3A_446 = vector.broadcast %jit3A_445 : f32 to vector<16xf32>
        %select_n3A_447 = arith.select %and3A_435, %gather3A_442, %broadcast_in_dim3A_446 : vector<16xi1>, vector<16xf32>
        %add3A_448 = arith.addf %get3A_444, %select_n3A_447 : vector<16xf32>
        %swap3A_449 = arith.constant 0 : index
        %swap3A_450 = tpu.vector_load %arg14[%swap3A_449] {strides = array<i32>} : memref<16xf32, #tpu.memory_space<vmem>>, vector<16xf32>,
        tpu.vector_store %arg14[%swap3A_449], %add3A_448 {strides = array<i32>} : memref<16xf32, #tpu.memory_space<vmem>>, vector<16xf32>,
        %mul3A_451 = arith.constant 8 : i32
        %mul3A_452 = arith.muli %add3A_419, %mul3A_451 : i32
        %add3A_453 = arith.addi %mul3A_2, %mul3A_452 : i32
        %dma_start3A_454 = arith.constant 4096 : i32
        %dma_start3A_455 = tpu.memref_slice %arg6[%add3A_453, %dma_start3A_454] : memref<8192x8192xf32, #tpu.memory_space<hbm>> -> memref<8x4096xf32, #tpu.memory_space<hbm>>
        %dma_start3A_456 = arith.constant 4096 : i32
        %dma_start3A_457 = tpu.memref_slice %arg6[%add3A_453, %dma_start3A_456] : memref<8192x8192xf32, #tpu.memory_space<hbm>> -> memref<8x4096xf32, #tpu.memory_space<hbm>>
        tpu.enqueue_dma source(%arg9 : memref<8x4096xf32, #tpu.memory_space<vmem>>) target(%dma_start3A_457 : memref<8x4096xf32, #tpu.memory_space<hbm>>) target_semaphore(%arg18 : memref<!tpu.dma_semaphore, #tpu.memory_space<semaphore_mem>>)
        %sub3A_458 = arith.constant 1 : i32
        %sub3A_459 = arith.subi %add3A_419, %sub3A_458 : i32
        %mul3A_460 = arith.constant 8 : i32
        %mul3A_461 = arith.muli %sub3A_459, %mul3A_460 : i32
        %add3A_462 = arith.addi %mul3A_2, %mul3A_461 : i32
        %dma_wait3A_463 = arith.constant 4096 : i32
        %dma_wait3A_464 = tpu.memref_slice %arg6[%add3A_462, %dma_wait3A_463] : memref<8192x8192xf32, #tpu.memory_space<hbm>> -> memref<8x4096xf32, #tpu.memory_space<hbm>>
        %dma_wait3A_465 = arith.constant 4096 : i32
        %dma_wait3A_466 = tpu.memref_slice %arg6[%add3A_462, %dma_wait3A_465] : memref<8192x8192xf32, #tpu.memory_space<hbm>> -> memref<8x4096xf32, #tpu.memory_space<hbm>>
        tpu.wait_dma2 semaphore(%arg20 : memref<!tpu.dma_semaphore, #tpu.memory_space<semaphore_mem>>) src(%arg11 : memref<8x4096xf32, #tpu.memory_space<vmem>>) dst(%dma_wait3A_466 : memref<8x4096xf32, #tpu.memory_space<hbm>>)
        %add3A_467 = arith.constant 2 : i32
        %add3A_468 = arith.addi %add3A_419, %add3A_467 : i32
        %dma_start3A_469 = arith.constant 0 : i32
        %dma_start3A_470 = tpu.memref_slice %arg8[%add3A_468, %dma_start3A_469] : memref<64x8xi32, #tpu.memory_space<vmem>> -> memref<1x8xi32, #tpu.memory_space<vmem>>
        %dma_start3A_471 = tpu.memref_squeeze %dma_start3A_470 : memref<1x8xi32, #tpu.memory_space<vmem>> -> memref<8xi32, #tpu.memory_space<vmem>>
        %dma_start3A_472 = arith.constant 0 : i32
        %dma_start3A_473 = arith.constant 4096 : i32
        %dma_start3A_474 = tpu.memref_slice %arg2[%dma_start3A_472, %dma_start3A_473] : memref<8192x8192xf32, #tpu.memory_space<hbm>> -> memref<8192x4096xf32, #tpu.memory_space<hbm>>
        %dma_start3A_475 = arith.constant 0 : i32
        %dma_start3A_476 = arith.constant 0 : i32
        %dma_start3A_477 = tpu.memref_slice %dma_start3A_474[%dma_start3A_475, %dma_start3A_476] : memref<8192x4096xf32, #tpu.memory_space<hbm>> -> memref<8192x4096xf32, #tpu.memory_space<hbm>>
        tpu.enqueue_indirect_dma source(%dma_start3A_477 : memref<8192x4096xf32, #tpu.memory_space<hbm>>) target(%arg11 : memref<8x4096xf32, #tpu.memory_space<vmem>>) offsets(%dma_start3A_471 : memref<8xi32, #tpu.memory_space<vmem>>) semaphore(%arg17 : memref<!tpu.dma_semaphore, #tpu.memory_space<semaphore_mem>>)
        %add3A_478 = arith.constant 4 : i32
        %add3A_479 = arith.addi %add3A_232, %add3A_478 : i32
        %mul3A_480 = arith.constant 8 : i32
        %mul3A_481 = arith.muli %add3A_479, %mul3A_480 : i32
        %get3A_482 = arith.index_cast %mul3A_481 : i32 to index
        %get3A_483 = tpu.vector_load %arg12[%get3A_482] {strides = array<i32>} : memref<512xi32, #tpu.memory_space<vmem>>, vector<16xi32>,
        %mul3A_484 = arith.constant 8 : i32
        %mul3A_485 = arith.muli %add3A_479, %mul3A_484 : i32
        %get3A_486 = arith.index_cast %mul3A_485 : i32 to index
        %get3A_487 = tpu.vector_load %arg13[%get3A_486] {strides = array<i32>} : memref<512xi32, #tpu.memory_space<vmem>>, vector<16xi32>,
        %dma_wait3A_488 = arith.constant 0 : i32
        %dma_wait3A_489 = tpu.memref_slice %arg8[%add3A_479, %dma_wait3A_488] : memref<64x8xi32, #tpu.memory_space<vmem>> -> memref<1x8xi32, #tpu.memory_space<vmem>>
        %dma_wait3A_490 = tpu.memref_squeeze %dma_wait3A_489 : memref<1x8xi32, #tpu.memory_space<vmem>> -> memref<8xi32, #tpu.memory_space<vmem>>
        %dma_wait3A_491 = arith.constant 0 : i32
        %dma_wait3A_492 = arith.constant 4096 : i32
        %dma_wait3A_493 = tpu.memref_slice %arg2[%dma_wait3A_491, %dma_wait3A_492] : memref<8192x8192xf32, #tpu.memory_space<hbm>> -> memref<8192x4096xf32, #tpu.memory_space<hbm>>
        %dma_wait3A_494 = arith.constant 0 : i32
        %dma_wait3A_495 = arith.constant 0 : i32
        %dma_wait3A_496 = tpu.memref_slice %dma_wait3A_493[%dma_wait3A_494, %dma_wait3A_495] : memref<8192x4096xf32, #tpu.memory_space<hbm>> -> memref<8192x4096xf32, #tpu.memory_space<hbm>>
        tpu.wait_indirect_dma semaphore(%arg16 : memref<!tpu.dma_semaphore, #tpu.memory_space<semaphore_mem>>) src(%dma_wait3A_496 : memref<8192x4096xf32, #tpu.memory_space<hbm>>) dst(%arg10 : memref<8x4096xf32, #tpu.memory_space<vmem>>)
        %lt3A_497 = arith.constant 8 : i32
        %lt3A_498 = vector.broadcast %lt3A_497 : i32 to vector<16xi32>
        %lt3A_499 = arith.cmpi slt, %iota3A, %lt3A_498 : vector<16xi32>
        %eq3A_500 = arith.constant 1 : i32
        %eq3A_501 = vector.broadcast %eq3A_500 : i32 to vector<16xi32>
        %eq3A_502 = arith.cmpi eq, %get3A_487, %eq3A_501 : vector<16xi32>
        %and3A_503 = arith.andi %lt3A_499, %eq3A_502 : vector<16xi1>
        %min3A_504 = arith.constant 7 : i32
        %min3A_505 = vector.broadcast %min3A_504 : i32 to vector<16xi32>
        %min3A_506 = arith.minsi %iota3A, %min3A_505 : vector<16xi32>
        %gather3A_507 = tpu.vector_load_idx %arg10[%min3A_506, %get3A_483] masked %and3A_503 : memref<8x4096xf32, #tpu.memory_space<vmem>>[vector<16xi32>, vector<16xi32>], vector<16xf32>, vector<16xi1>
        %get3A_508 = arith.constant 0 : index
        %get3A_509 = tpu.vector_load %arg14[%get3A_508] {strides = array<i32>} : memref<16xf32, #tpu.memory_space<vmem>>, vector<16xf32>,
        %jit3A_510 = arith.constant 0.000000e+00 : f32
        %broadcast_in_dim3A_511 = vector.broadcast %jit3A_510 : f32 to vector<16xf32>
        %select_n3A_512 = arith.select %and3A_503, %gather3A_507, %broadcast_in_dim3A_511 : vector<16xi1>, vector<16xf32>
        %add3A_513 = arith.addf %get3A_509, %select_n3A_512 : vector<16xf32>
        %swap3A_514 = arith.constant 0 : index
        %swap3A_515 = tpu.vector_load %arg14[%swap3A_514] {strides = array<i32>} : memref<16xf32, #tpu.memory_space<vmem>>, vector<16xf32>,
        tpu.vector_store %arg14[%swap3A_514], %add3A_513 {strides = array<i32>} : memref<16xf32, #tpu.memory_space<vmem>>, vector<16xf32>,
        %mul3A_516 = arith.constant 8 : i32
        %mul3A_517 = arith.muli %add3A_479, %mul3A_516 : i32
        %add3A_518 = arith.addi %mul3A_2, %mul3A_517 : i32
        %dma_start3A_519 = arith.constant 4096 : i32
        %dma_start3A_520 = tpu.memref_slice %arg6[%add3A_518, %dma_start3A_519] : memref<8192x8192xf32, #tpu.memory_space<hbm>> -> memref<8x4096xf32, #tpu.memory_space<hbm>>
        %dma_start3A_521 = arith.constant 4096 : i32
        %dma_start3A_522 = tpu.memref_slice %arg6[%add3A_518, %dma_start3A_521] : memref<8192x8192xf32, #tpu.memory_space<hbm>> -> memref<8x4096xf32, #tpu.memory_space<hbm>>
        tpu.enqueue_dma source(%arg10 : memref<8x4096xf32, #tpu.memory_space<vmem>>) target(%dma_start3A_522 : memref<8x4096xf32, #tpu.memory_space<hbm>>) target_semaphore(%arg19 : memref<!tpu.dma_semaphore, #tpu.memory_space<semaphore_mem>>)
        %sub3A_523 = arith.constant 1 : i32
        %sub3A_524 = arith.subi %add3A_479, %sub3A_523 : i32
        %mul3A_525 = arith.constant 8 : i32
        %mul3A_526 = arith.muli %sub3A_524, %mul3A_525 : i32
        %add3A_527 = arith.addi %mul3A_2, %mul3A_526 : i32
        %dma_wait3A_528 = arith.constant 4096 : i32
        %dma_wait3A_529 = tpu.memref_slice %arg6[%add3A_527, %dma_wait3A_528] : memref<8192x8192xf32, #tpu.memory_space<hbm>> -> memref<8x4096xf32, #tpu.memory_space<hbm>>
        %dma_wait3A_530 = arith.constant 4096 : i32
        %dma_wait3A_531 = tpu.memref_slice %arg6[%add3A_527, %dma_wait3A_530] : memref<8192x8192xf32, #tpu.memory_space<hbm>> -> memref<8x4096xf32, #tpu.memory_space<hbm>>
        tpu.wait_dma2 semaphore(%arg18 : memref<!tpu.dma_semaphore, #tpu.memory_space<semaphore_mem>>) src(%arg9 : memref<8x4096xf32, #tpu.memory_space<vmem>>) dst(%dma_wait3A_531 : memref<8x4096xf32, #tpu.memory_space<hbm>>)
        %add3A_532 = arith.constant 2 : i32
        %add3A_533 = arith.addi %add3A_479, %add3A_532 : i32
        %dma_start3A_534 = arith.constant 0 : i32
        %dma_start3A_535 = tpu.memref_slice %arg8[%add3A_533, %dma_start3A_534] : memref<64x8xi32, #tpu.memory_space<vmem>> -> memref<1x8xi32, #tpu.memory_space<vmem>>
        %dma_start3A_536 = tpu.memref_squeeze %dma_start3A_535 : memref<1x8xi32, #tpu.memory_space<vmem>> -> memref<8xi32, #tpu.memory_space<vmem>>
        %dma_start3A_537 = arith.constant 0 : i32
        %dma_start3A_538 = arith.constant 4096 : i32
        %dma_start3A_539 = tpu.memref_slice %arg2[%dma_start3A_537, %dma_start3A_538] : memref<8192x8192xf32, #tpu.memory_space<hbm>> -> memref<8192x4096xf32, #tpu.memory_space<hbm>>
        %dma_start3A_540 = arith.constant 0 : i32
        %dma_start3A_541 = arith.constant 0 : i32
        %dma_start3A_542 = tpu.memref_slice %dma_start3A_539[%dma_start3A_540, %dma_start3A_541] : memref<8192x4096xf32, #tpu.memory_space<hbm>> -> memref<8192x4096xf32, #tpu.memory_space<hbm>>
        tpu.enqueue_indirect_dma source(%dma_start3A_542 : memref<8192x4096xf32, #tpu.memory_space<hbm>>) target(%arg9 : memref<8x4096xf32, #tpu.memory_space<vmem>>) offsets(%dma_start3A_536 : memref<8xi32, #tpu.memory_space<vmem>>) semaphore(%arg15 : memref<!tpu.dma_semaphore, #tpu.memory_space<semaphore_mem>>)
        %add3A_543 = arith.constant 5 : i32
        %add3A_544 = arith.addi %add3A_232, %add3A_543 : i32
        %dma_wait3A_545 = arith.constant 0 : i32
        %dma_wait3A_546 = tpu.memref_slice %arg8[%add3A_544, %dma_wait3A_545] : memref<64x8xi32, #tpu.memory_space<vmem>> -> memref<1x8xi32, #tpu.memory_space<vmem>>
        %dma_wait3A_547 = tpu.memref_squeeze %dma_wait3A_546 : memref<1x8xi32, #tpu.memory_space<vmem>> -> memref<8xi32, #tpu.memory_space<vmem>>
        %dma_wait3A_548 = arith.constant 0 : i32
        %dma_wait3A_549 = arith.constant 4096 : i32
        %dma_wait3A_550 = tpu.memref_slice %arg2[%dma_wait3A_548, %dma_wait3A_549] : memref<8192x8192xf32, #tpu.memory_space<hbm>> -> memref<8192x4096xf32, #tpu.memory_space<hbm>>
        %dma_wait3A_551 = arith.constant 0 : i32
        %dma_wait3A_552 = arith.constant 0 : i32
        %dma_wait3A_553 = tpu.memref_slice %dma_wait3A_550[%dma_wait3A_551, %dma_wait3A_552] : memref<8192x4096xf32, #tpu.memory_space<hbm>> -> memref<8192x4096xf32, #tpu.memory_space<hbm>>
        tpu.wait_indirect_dma semaphore(%arg17 : memref<!tpu.dma_semaphore, #tpu.memory_space<semaphore_mem>>) src(%dma_wait3A_553 : memref<8192x4096xf32, #tpu.memory_space<hbm>>) dst(%arg11 : memref<8x4096xf32, #tpu.memory_space<vmem>>)
        %ge3A_554 = arith.constant 8 : i32
        %ge3A_555 = vector.broadcast %ge3A_554 : i32 to vector<16xi32>
        %ge3A_556 = arith.cmpi sge, %iota3A, %ge3A_555 : vector<16xi32>
        %eq3A_557 = arith.constant 1 : i32
        %eq3A_558 = vector.broadcast %eq3A_557 : i32 to vector<16xi32>
        %eq3A_559 = arith.cmpi eq, %get3A_487, %eq3A_558 : vector<16xi32>
        %and3A_560 = arith.andi %ge3A_556, %eq3A_559 : vector<16xi1>
        %sub3A_561 = arith.constant 8 : i32
        %sub3A_562 = vector.broadcast %sub3A_561 : i32 to vector<16xi32>
        %sub3A_563 = arith.subi %iota3A, %sub3A_562 : vector<16xi32>
        %max3A_564 = arith.constant 0 : i32
        %max3A_565 = vector.broadcast %max3A_564 : i32 to vector<16xi32>
        %max3A_566 = arith.maxsi %sub3A_563, %max3A_565 : vector<16xi32>
        %gather3A_567 = tpu.vector_load_idx %arg11[%max3A_566, %get3A_483] masked %and3A_560 : memref<8x4096xf32, #tpu.memory_space<vmem>>[vector<16xi32>, vector<16xi32>], vector<16xf32>, vector<16xi1>
        %get3A_568 = arith.constant 0 : index
        %get3A_569 = tpu.vector_load %arg14[%get3A_568] {strides = array<i32>} : memref<16xf32, #tpu.memory_space<vmem>>, vector<16xf32>,
        %jit3A_570 = arith.constant 0.000000e+00 : f32
        %broadcast_in_dim3A_571 = vector.broadcast %jit3A_570 : f32 to vector<16xf32>
        %select_n3A_572 = arith.select %and3A_560, %gather3A_567, %broadcast_in_dim3A_571 : vector<16xi1>, vector<16xf32>
        %add3A_573 = arith.addf %get3A_569, %select_n3A_572 : vector<16xf32>
        %swap3A_574 = arith.constant 0 : index
        %swap3A_575 = tpu.vector_load %arg14[%swap3A_574] {strides = array<i32>} : memref<16xf32, #tpu.memory_space<vmem>>, vector<16xf32>,
        tpu.vector_store %arg14[%swap3A_574], %add3A_573 {strides = array<i32>} : memref<16xf32, #tpu.memory_space<vmem>>, vector<16xf32>,
        %mul3A_576 = arith.constant 8 : i32
        %mul3A_577 = arith.muli %add3A_544, %mul3A_576 : i32
        %add3A_578 = arith.addi %mul3A_2, %mul3A_577 : i32
        %dma_start3A_579 = arith.constant 4096 : i32
        %dma_start3A_580 = tpu.memref_slice %arg6[%add3A_578, %dma_start3A_579] : memref<8192x8192xf32, #tpu.memory_space<hbm>> -> memref<8x4096xf32, #tpu.memory_space<hbm>>
        %dma_start3A_581 = arith.constant 4096 : i32
        %dma_start3A_582 = tpu.memref_slice %arg6[%add3A_578, %dma_start3A_581] : memref<8192x8192xf32, #tpu.memory_space<hbm>> -> memref<8x4096xf32, #tpu.memory_space<hbm>>
        tpu.enqueue_dma source(%arg11 : memref<8x4096xf32, #tpu.memory_space<vmem>>) target(%dma_start3A_582 : memref<8x4096xf32, #tpu.memory_space<hbm>>) target_semaphore(%arg20 : memref<!tpu.dma_semaphore, #tpu.memory_space<semaphore_mem>>)
        %sub3A_583 = arith.constant 1 : i32
        %sub3A_584 = arith.subi %add3A_544, %sub3A_583 : i32
        %mul3A_585 = arith.constant 8 : i32
        %mul3A_586 = arith.muli %sub3A_584, %mul3A_585 : i32
        %add3A_587 = arith.addi %mul3A_2, %mul3A_586 : i32
        %dma_wait3A_588 = arith.constant 4096 : i32
        %dma_wait3A_589 = tpu.memref_slice %arg6[%add3A_587, %dma_wait3A_588] : memref<8192x8192xf32, #tpu.memory_space<hbm>> -> memref<8x4096xf32, #tpu.memory_space<hbm>>
        %dma_wait3A_590 = arith.constant 4096 : i32
        %dma_wait3A_591 = tpu.memref_slice %arg6[%add3A_587, %dma_wait3A_590] : memref<8192x8192xf32, #tpu.memory_space<hbm>> -> memref<8x4096xf32, #tpu.memory_space<hbm>>
        tpu.wait_dma2 semaphore(%arg19 : memref<!tpu.dma_semaphore, #tpu.memory_space<semaphore_mem>>) src(%arg10 : memref<8x4096xf32, #tpu.memory_space<vmem>>) dst(%dma_wait3A_591 : memref<8x4096xf32, #tpu.memory_space<hbm>>)
        %add3A_592 = arith.constant 2 : i32
        %add3A_593 = arith.addi %add3A_544, %add3A_592 : i32
        %dma_start3A_594 = arith.constant 0 : i32
        %dma_start3A_595 = tpu.memref_slice %arg8[%add3A_593, %dma_start3A_594] : memref<64x8xi32, #tpu.memory_space<vmem>> -> memref<1x8xi32, #tpu.memory_space<vmem>>
        %dma_start3A_596 = tpu.memref_squeeze %dma_start3A_595 : memref<1x8xi32, #tpu.memory_space<vmem>> -> memref<8xi32, #tpu.memory_space<vmem>>
        %dma_start3A_597 = arith.constant 0 : i32
        %dma_start3A_598 = arith.constant 4096 : i32
        %dma_start3A_599 = tpu.memref_slice %arg2[%dma_start3A_597, %dma_start3A_598] : memref<8192x8192xf32, #tpu.memory_space<hbm>> -> memref<8192x4096xf32, #tpu.memory_space<hbm>>
        %dma_start3A_600 = arith.constant 0 : i32
        %dma_start3A_601 = arith.constant 0 : i32
        %dma_start3A_602 = tpu.memref_slice %dma_start3A_599[%dma_start3A_600, %dma_start3A_601] : memref<8192x4096xf32, #tpu.memory_space<hbm>> -> memref<8192x4096xf32, #tpu.memory_space<hbm>>
        tpu.enqueue_indirect_dma source(%dma_start3A_602 : memref<8192x4096xf32, #tpu.memory_space<hbm>>) target(%arg10 : memref<8x4096xf32, #tpu.memory_space<vmem>>) offsets(%dma_start3A_596 : memref<8xi32, #tpu.memory_space<vmem>>) semaphore(%arg16 : memref<!tpu.dma_semaphore, #tpu.memory_space<semaphore_mem>>)
      }
      %scan3A_34 = arith.constant 10 : i32
      %get3A = arith.constant 480 : index
      %get3A_35 = tpu.vector_load %arg12[%get3A] {strides = array<i32>} : memref<512xi32, #tpu.memory_space<vmem>>, vector<16xi32>,
      %get3A_36 = arith.constant 480 : index
      %get3A_37 = tpu.vector_load %arg13[%get3A_36] {strides = array<i32>} : memref<512xi32, #tpu.memory_space<vmem>>, vector<16xi32>,
      %dma_wait3A = arith.constant 60 : i32
      %dma_wait3A_38 = arith.constant 0 : i32
      %dma_wait3A_39 = tpu.memref_slice %arg8[%dma_wait3A, %dma_wait3A_38] : memref<64x8xi32, #tpu.memory_space<vmem>> -> memref<1x8xi32, #tpu.memory_space<vmem>>
      %dma_wait3A_40 = tpu.memref_squeeze %dma_wait3A_39 : memref<1x8xi32, #tpu.memory_space<vmem>> -> memref<8xi32, #tpu.memory_space<vmem>>
      %dma_wait3A_41 = arith.constant 0 : i32
      %dma_wait3A_42 = arith.constant 4096 : i32
      %dma_wait3A_43 = tpu.memref_slice %arg2[%dma_wait3A_41, %dma_wait3A_42] : memref<8192x8192xf32, #tpu.memory_space<hbm>> -> memref<8192x4096xf32, #tpu.memory_space<hbm>>
      %dma_wait3A_44 = arith.constant 0 : i32
      %dma_wait3A_45 = arith.constant 0 : i32
      %dma_wait3A_46 = tpu.memref_slice %dma_wait3A_43[%dma_wait3A_44, %dma_wait3A_45] : memref<8192x4096xf32, #tpu.memory_space<hbm>> -> memref<8192x4096xf32, #tpu.memory_space<hbm>>
      tpu.wait_indirect_dma semaphore(%arg15 : memref<!tpu.dma_semaphore, #tpu.memory_space<semaphore_mem>>) src(%dma_wait3A_46 : memref<8192x4096xf32, #tpu.memory_space<hbm>>) dst(%arg9 : memref<8x4096xf32, #tpu.memory_space<vmem>>)
      %lt3A = arith.constant 8 : i32
      %lt3A_47 = vector.broadcast %lt3A : i32 to vector<16xi32>
      %lt3A_48 = arith.cmpi slt, %iota3A, %lt3A_47 : vector<16xi32>
      %eq3A_49 = arith.constant 1 : i32
      %eq3A_50 = vector.broadcast %eq3A_49 : i32 to vector<16xi32>
      %eq3A_51 = arith.cmpi eq, %get3A_37, %eq3A_50 : vector<16xi32>
      %and3A = arith.andi %lt3A_48, %eq3A_51 : vector<16xi1>
      %min3A = arith.constant 7 : i32
      %min3A_52 = vector.broadcast %min3A : i32 to vector<16xi32>
      %min3A_53 = arith.minsi %iota3A, %min3A_52 : vector<16xi32>
      %gather3A = tpu.vector_load_idx %arg9[%min3A_53, %get3A_35] masked %and3A : memref<8x4096xf32, #tpu.memory_space<vmem>>[vector<16xi32>, vector<16xi32>], vector<16xf32>, vector<16xi1>
      %get3A_54 = arith.constant 0 : index
      %get3A_55 = tpu.vector_load %arg14[%get3A_54] {strides = array<i32>} : memref<16xf32, #tpu.memory_space<vmem>>, vector<16xf32>,
      %jit3A = arith.constant 0.000000e+00 : f32
      %broadcast_in_dim3A_56 = vector.broadcast %jit3A : f32 to vector<16xf32>
      %select_n3A = arith.select %and3A, %gather3A, %broadcast_in_dim3A_56 : vector<16xi1>, vector<16xf32>
      %add3A_57 = arith.addf %get3A_55, %select_n3A : vector<16xf32>
      %swap3A_58 = arith.constant 0 : index
      %swap3A_59 = tpu.vector_load %arg14[%swap3A_58] {strides = array<i32>} : memref<16xf32, #tpu.memory_space<vmem>>, vector<16xf32>,
      tpu.vector_store %arg14[%swap3A_58], %add3A_57 {strides = array<i32>} : memref<16xf32, #tpu.memory_space<vmem>>, vector<16xf32>,
      %add3A_60 = arith.constant 480 : i32
      %add3A_61 = arith.addi %mul3A_2, %add3A_60 : i32
      %dma_start3A_62 = arith.constant 4096 : i32
      %dma_start3A_63 = tpu.memref_slice %arg6[%add3A_61, %dma_start3A_62] : memref<8192x8192xf32, #tpu.memory_space<hbm>> -> memref<8x4096xf32, #tpu.memory_space<hbm>>
      %dma_start3A_64 = arith.constant 4096 : i32
      %dma_start3A_65 = tpu.memref_slice %arg6[%add3A_61, %dma_start3A_64] : memref<8192x8192xf32, #tpu.memory_space<hbm>> -> memref<8x4096xf32, #tpu.memory_space<hbm>>
      tpu.enqueue_dma source(%arg9 : memref<8x4096xf32, #tpu.memory_space<vmem>>) target(%dma_start3A_65 : memref<8x4096xf32, #tpu.memory_space<hbm>>) target_semaphore(%arg18 : memref<!tpu.dma_semaphore, #tpu.memory_space<semaphore_mem>>)
      %add3A_66 = arith.constant 472 : i32
      %add3A_67 = arith.addi %mul3A_2, %add3A_66 : i32
      %dma_wait3A_68 = arith.constant 4096 : i32
      %dma_wait3A_69 = tpu.memref_slice %arg6[%add3A_67, %dma_wait3A_68] : memref<8192x8192xf32, #tpu.memory_space<hbm>> -> memref<8x4096xf32, #tpu.memory_space<hbm>>
      %dma_wait3A_70 = arith.constant 4096 : i32
      %dma_wait3A_71 = tpu.memref_slice %arg6[%add3A_67, %dma_wait3A_70] : memref<8192x8192xf32, #tpu.memory_space<hbm>> -> memref<8x4096xf32, #tpu.memory_space<hbm>>
      tpu.wait_dma2 semaphore(%arg20 : memref<!tpu.dma_semaphore, #tpu.memory_space<semaphore_mem>>) src(%arg11 : memref<8x4096xf32, #tpu.memory_space<vmem>>) dst(%dma_wait3A_71 : memref<8x4096xf32, #tpu.memory_space<hbm>>)
      %dma_start3A_72 = arith.constant 62 : i32
      %dma_start3A_73 = arith.constant 0 : i32
      %dma_start3A_74 = tpu.memref_slice %arg8[%dma_start3A_72, %dma_start3A_73] : memref<64x8xi32, #tpu.memory_space<vmem>> -> memref<1x8xi32, #tpu.memory_space<vmem>>
      %dma_start3A_75 = tpu.memref_squeeze %dma_start3A_74 : memref<1x8xi32, #tpu.memory_space<vmem>> -> memref<8xi32, #tpu.memory_space<vmem>>
      %dma_start3A_76 = arith.constant 0 : i32
      %dma_start3A_77 = arith.constant 4096 : i32
      %dma_start3A_78 = tpu.memref_slice %arg2[%dma_start3A_76, %dma_start3A_77] : memref<8192x8192xf32, #tpu.memory_space<hbm>> -> memref<8192x4096xf32, #tpu.memory_space<hbm>>
      %dma_start3A_79 = arith.constant 0 : i32
      %dma_start3A_80 = arith.constant 0 : i32
      %dma_start3A_81 = tpu.memref_slice %dma_start3A_78[%dma_start3A_79, %dma_start3A_80] : memref<8192x4096xf32, #tpu.memory_space<hbm>> -> memref<8192x4096xf32, #tpu.memory_space<hbm>>
      tpu.enqueue_indirect_dma source(%dma_start3A_81 : memref<8192x4096xf32, #tpu.memory_space<hbm>>) target(%arg11 : memref<8x4096xf32, #tpu.memory_space<vmem>>) offsets(%dma_start3A_75 : memref<8xi32, #tpu.memory_space<vmem>>) semaphore(%arg17 : memref<!tpu.dma_semaphore, #tpu.memory_space<semaphore_mem>>)
      %dma_wait3A_82 = arith.constant 61 : i32
      %dma_wait3A_83 = arith.constant 0 : i32
      %dma_wait3A_84 = tpu.memref_slice %arg8[%dma_wait3A_82, %dma_wait3A_83] : memref<64x8xi32, #tpu.memory_space<vmem>> -> memref<1x8xi32, #tpu.memory_space<vmem>>
      %dma_wait3A_85 = tpu.memref_squeeze %dma_wait3A_84 : memref<1x8xi32, #tpu.memory_space<vmem>> -> memref<8xi32, #tpu.memory_space<vmem>>
      %dma_wait3A_86 = arith.constant 0 : i32
      %dma_wait3A_87 = arith.constant 4096 : i32
      %dma_wait3A_88 = tpu.memref_slice %arg2[%dma_wait3A_86, %dma_wait3A_87] : memref<8192x8192xf32, #tpu.memory_space<hbm>> -> memref<8192x4096xf32, #tpu.memory_space<hbm>>
      %dma_wait3A_89 = arith.constant 0 : i32
      %dma_wait3A_90 = arith.constant 0 : i32
      %dma_wait3A_91 = tpu.memref_slice %dma_wait3A_88[%dma_wait3A_89, %dma_wait3A_90] : memref<8192x4096xf32, #tpu.memory_space<hbm>> -> memref<8192x4096xf32, #tpu.memory_space<hbm>>
      tpu.wait_indirect_dma semaphore(%arg16 : memref<!tpu.dma_semaphore, #tpu.memory_space<semaphore_mem>>) src(%dma_wait3A_91 : memref<8192x4096xf32, #tpu.memory_space<hbm>>) dst(%arg10 : memref<8x4096xf32, #tpu.memory_space<vmem>>)
      %ge3A = arith.constant 8 : i32
      %ge3A_92 = vector.broadcast %ge3A : i32 to vector<16xi32>
      %ge3A_93 = arith.cmpi sge, %iota3A, %ge3A_92 : vector<16xi32>
      %eq3A_94 = arith.constant 1 : i32
      %eq3A_95 = vector.broadcast %eq3A_94 : i32 to vector<16xi32>
      %eq3A_96 = arith.cmpi eq, %get3A_37, %eq3A_95 : vector<16xi32>
      %and3A_97 = arith.andi %ge3A_93, %eq3A_96 : vector<16xi1>
      %sub3A = arith.constant 8 : i32
      %sub3A_98 = vector.broadcast %sub3A : i32 to vector<16xi32>
      %sub3A_99 = arith.subi %iota3A, %sub3A_98 : vector<16xi32>
      %max3A = arith.constant 0 : i32
      %max3A_100 = vector.broadcast %max3A : i32 to vector<16xi32>
      %max3A_101 = arith.maxsi %sub3A_99, %max3A_100 : vector<16xi32>
      %gather3A_102 = tpu.vector_load_idx %arg10[%max3A_101, %get3A_35] masked %and3A_97 : memref<8x4096xf32, #tpu.memory_space<vmem>>[vector<16xi32>, vector<16xi32>], vector<16xf32>, vector<16xi1>
      %get3A_103 = arith.constant 0 : index
      %get3A_104 = tpu.vector_load %arg14[%get3A_103] {strides = array<i32>} : memref<16xf32, #tpu.memory_space<vmem>>, vector<16xf32>,
      %jit3A_105 = arith.constant 0.000000e+00 : f32
      %broadcast_in_dim3A_106 = vector.broadcast %jit3A_105 : f32 to vector<16xf32>
      %select_n3A_107 = arith.select %and3A_97, %gather3A_102, %broadcast_in_dim3A_106 : vector<16xi1>, vector<16xf32>
      %add3A_108 = arith.addf %get3A_104, %select_n3A_107 : vector<16xf32>
      %swap3A_109 = arith.constant 0 : index
      %swap3A_110 = tpu.vector_load %arg14[%swap3A_109] {strides = array<i32>} : memref<16xf32, #tpu.memory_space<vmem>>, vector<16xf32>,
      tpu.vector_store %arg14[%swap3A_109], %add3A_108 {strides = array<i32>} : memref<16xf32, #tpu.memory_space<vmem>>, vector<16xf32>,
      %add3A_111 = arith.constant 488 : i32
      %add3A_112 = arith.addi %mul3A_2, %add3A_111 : i32
      %dma_start3A_113 = arith.constant 4096 : i32
      %dma_start3A_114 = tpu.memref_slice %arg6[%add3A_112, %dma_start3A_113] : memref<8192x8192xf32, #tpu.memory_space<hbm>> -> memref<8x4096xf32, #tpu.memory_space<hbm>>
      %dma_start3A_115 = arith.constant 4096 : i32
      %dma_start3A_116 = tpu.memref_slice %arg6[%add3A_112, %dma_start3A_115] : memref<8192x8192xf32, #tpu.memory_space<hbm>> -> memref<8x4096xf32, #tpu.memory_space<hbm>>
      tpu.enqueue_dma source(%arg10 : memref<8x4096xf32, #tpu.memory_space<vmem>>) target(%dma_start3A_116 : memref<8x4096xf32, #tpu.memory_space<hbm>>) target_semaphore(%arg19 : memref<!tpu.dma_semaphore, #tpu.memory_space<semaphore_mem>>)
      %add3A_117 = arith.constant 480 : i32
      %add3A_118 = arith.addi %mul3A_2, %add3A_117 : i32
      %dma_wait3A_119 = arith.constant 4096 : i32
      %dma_wait3A_120 = tpu.memref_slice %arg6[%add3A_118, %dma_wait3A_119] : memref<8192x8192xf32, #tpu.memory_space<hbm>> -> memref<8x4096xf32, #tpu.memory_space<hbm>>
      %dma_wait3A_121 = arith.constant 4096 : i32
      %dma_wait3A_122 = tpu.memref_slice %arg6[%add3A_118, %dma_wait3A_121] : memref<8192x8192xf32, #tpu.memory_space<hbm>> -> memref<8x4096xf32, #tpu.memory_space<hbm>>
      tpu.wait_dma2 semaphore(%arg18 : memref<!tpu.dma_semaphore, #tpu.memory_space<semaphore_mem>>) src(%arg9 : memref<8x4096xf32, #tpu.memory_space<vmem>>) dst(%dma_wait3A_122 : memref<8x4096xf32, #tpu.memory_space<hbm>>)
      %dma_start3A_123 = arith.constant 63 : i32
      %dma_start3A_124 = arith.constant 0 : i32
      %dma_start3A_125 = tpu.memref_slice %arg8[%dma_start3A_123, %dma_start3A_124] : memref<64x8xi32, #tpu.memory_space<vmem>> -> memref<1x8xi32, #tpu.memory_space<vmem>>
      %dma_start3A_126 = tpu.memref_squeeze %dma_start3A_125 : memref<1x8xi32, #tpu.memory_space<vmem>> -> memref<8xi32, #tpu.memory_space<vmem>>
      %dma_start3A_127 = arith.constant 0 : i32
      %dma_start3A_128 = arith.constant 4096 : i32
      %dma_start3A_129 = tpu.memref_slice %arg2[%dma_start3A_127, %dma_start3A_128] : memref<8192x8192xf32, #tpu.memory_space<hbm>> -> memref<8192x4096xf32, #tpu.memory_space<hbm>>
      %dma_start3A_130 = arith.constant 0 : i32
      %dma_start3A_131 = arith.constant 0 : i32
      %dma_start3A_132 = tpu.memref_slice %dma_start3A_129[%dma_start3A_130, %dma_start3A_131] : memref<8192x4096xf32, #tpu.memory_space<hbm>> -> memref<8192x4096xf32, #tpu.memory_space<hbm>>
      tpu.enqueue_indirect_dma source(%dma_start3A_132 : memref<8192x4096xf32, #tpu.memory_space<hbm>>) target(%arg9 : memref<8x4096xf32, #tpu.memory_space<vmem>>) offsets(%dma_start3A_126 : memref<8xi32, #tpu.memory_space<vmem>>) semaphore(%arg15 : memref<!tpu.dma_semaphore, #tpu.memory_space<semaphore_mem>>)
      %get3A_133 = arith.constant 496 : index
      %get3A_134 = tpu.vector_load %arg12[%get3A_133] {strides = array<i32>} : memref<512xi32, #tpu.memory_space<vmem>>, vector<16xi32>,
      %get3A_135 = arith.constant 496 : index
      %get3A_136 = tpu.vector_load %arg13[%get3A_135] {strides = array<i32>} : memref<512xi32, #tpu.memory_space<vmem>>, vector<16xi32>,
      %dma_wait3A_137 = arith.constant 62 : i32
      %dma_wait3A_138 = arith.constant 0 : i32
      %dma_wait3A_139 = tpu.memref_slice %arg8[%dma_wait3A_137, %dma_wait3A_138] : memref<64x8xi32, #tpu.memory_space<vmem>> -> memref<1x8xi32, #tpu.memory_space<vmem>>
      %dma_wait3A_140 = tpu.memref_squeeze %dma_wait3A_139 : memref<1x8xi32, #tpu.memory_space<vmem>> -> memref<8xi32, #tpu.memory_space<vmem>>
      %dma_wait3A_141 = arith.constant 0 : i32
      %dma_wait3A_142 = arith.constant 4096 : i32
      %dma_wait3A_143 = tpu.memref_slice %arg2[%dma_wait3A_141, %dma_wait3A_142] : memref<8192x8192xf32, #tpu.memory_space<hbm>> -> memref<8192x4096xf32, #tpu.memory_space<hbm>>
      %dma_wait3A_144 = arith.constant 0 : i32
      %dma_wait3A_145 = arith.constant 0 : i32
      %dma_wait3A_146 = tpu.memref_slice %dma_wait3A_143[%dma_wait3A_144, %dma_wait3A_145] : memref<8192x4096xf32, #tpu.memory_space<hbm>> -> memref<8192x4096xf32, #tpu.memory_space<hbm>>
      tpu.wait_indirect_dma semaphore(%arg17 : memref<!tpu.dma_semaphore, #tpu.memory_space<semaphore_mem>>) src(%dma_wait3A_146 : memref<8192x4096xf32, #tpu.memory_space<hbm>>) dst(%arg11 : memref<8x4096xf32, #tpu.memory_space<vmem>>)
      %lt3A_147 = arith.constant 8 : i32
      %lt3A_148 = vector.broadcast %lt3A_147 : i32 to vector<16xi32>
      %lt3A_149 = arith.cmpi slt, %iota3A, %lt3A_148 : vector<16xi32>
      %eq3A_150 = arith.constant 1 : i32
      %eq3A_151 = vector.broadcast %eq3A_150 : i32 to vector<16xi32>
      %eq3A_152 = arith.cmpi eq, %get3A_136, %eq3A_151 : vector<16xi32>
      %and3A_153 = arith.andi %lt3A_149, %eq3A_152 : vector<16xi1>
      %min3A_154 = arith.constant 7 : i32
      %min3A_155 = vector.broadcast %min3A_154 : i32 to vector<16xi32>
      %min3A_156 = arith.minsi %iota3A, %min3A_155 : vector<16xi32>
      %gather3A_157 = tpu.vector_load_idx %arg11[%min3A_156, %get3A_134] masked %and3A_153 : memref<8x4096xf32, #tpu.memory_space<vmem>>[vector<16xi32>, vector<16xi32>], vector<16xf32>, vector<16xi1>
      %get3A_158 = arith.constant 0 : index
      %get3A_159 = tpu.vector_load %arg14[%get3A_158] {strides = array<i32>} : memref<16xf32, #tpu.memory_space<vmem>>, vector<16xf32>,
      %jit3A_160 = arith.constant 0.000000e+00 : f32
      %broadcast_in_dim3A_161 = vector.broadcast %jit3A_160 : f32 to vector<16xf32>
      %select_n3A_162 = arith.select %and3A_153, %gather3A_157, %broadcast_in_dim3A_161 : vector<16xi1>, vector<16xf32>
      %add3A_163 = arith.addf %get3A_159, %select_n3A_162 : vector<16xf32>
      %swap3A_164 = arith.constant 0 : index
      %swap3A_165 = tpu.vector_load %arg14[%swap3A_164] {strides = array<i32>} : memref<16xf32, #tpu.memory_space<vmem>>, vector<16xf32>,
      tpu.vector_store %arg14[%swap3A_164], %add3A_163 {strides = array<i32>} : memref<16xf32, #tpu.memory_space<vmem>>, vector<16xf32>,
      %add3A_166 = arith.constant 496 : i32
      %add3A_167 = arith.addi %mul3A_2, %add3A_166 : i32
      %dma_start3A_168 = arith.constant 4096 : i32
      %dma_start3A_169 = tpu.memref_slice %arg6[%add3A_167, %dma_start3A_168] : memref<8192x8192xf32, #tpu.memory_space<hbm>> -> memref<8x4096xf32, #tpu.memory_space<hbm>>
      %dma_start3A_170 = arith.constant 4096 : i32
      %dma_start3A_171 = tpu.memref_slice %arg6[%add3A_167, %dma_start3A_170] : memref<8192x8192xf32, #tpu.memory_space<hbm>> -> memref<8x4096xf32, #tpu.memory_space<hbm>>
      tpu.enqueue_dma source(%arg11 : memref<8x4096xf32, #tpu.memory_space<vmem>>) target(%dma_start3A_171 : memref<8x4096xf32, #tpu.memory_space<hbm>>) target_semaphore(%arg20 : memref<!tpu.dma_semaphore, #tpu.memory_space<semaphore_mem>>)
      %add3A_172 = arith.constant 488 : i32
      %add3A_173 = arith.addi %mul3A_2, %add3A_172 : i32
      %dma_wait3A_174 = arith.constant 4096 : i32
      %dma_wait3A_175 = tpu.memref_slice %arg6[%add3A_173, %dma_wait3A_174] : memref<8192x8192xf32, #tpu.memory_space<hbm>> -> memref<8x4096xf32, #tpu.memory_space<hbm>>
      %dma_wait3A_176 = arith.constant 4096 : i32
      %dma_wait3A_177 = tpu.memref_slice %arg6[%add3A_173, %dma_wait3A_176] : memref<8192x8192xf32, #tpu.memory_space<hbm>> -> memref<8x4096xf32, #tpu.memory_space<hbm>>
      tpu.wait_dma2 semaphore(%arg19 : memref<!tpu.dma_semaphore, #tpu.memory_space<semaphore_mem>>) src(%arg10 : memref<8x4096xf32, #tpu.memory_space<vmem>>) dst(%dma_wait3A_177 : memref<8x4096xf32, #tpu.memory_space<hbm>>)
      %dma_wait3A_178 = arith.constant 63 : i32
      %dma_wait3A_179 = arith.constant 0 : i32
      %dma_wait3A_180 = tpu.memref_slice %arg8[%dma_wait3A_178, %dma_wait3A_179] : memref<64x8xi32, #tpu.memory_space<vmem>> -> memref<1x8xi32, #tpu.memory_space<vmem>>
      %dma_wait3A_181 = tpu.memref_squeeze %dma_wait3A_180 : memref<1x8xi32, #tpu.memory_space<vmem>> -> memref<8xi32, #tpu.memory_space<vmem>>
      %dma_wait3A_182 = arith.constant 0 : i32
      %dma_wait3A_183 = arith.constant 4096 : i32
      %dma_wait3A_184 = tpu.memref_slice %arg2[%dma_wait3A_182, %dma_wait3A_183] : memref<8192x8192xf32, #tpu.memory_space<hbm>> -> memref<8192x4096xf32, #tpu.memory_space<hbm>>
      %dma_wait3A_185 = arith.constant 0 : i32
      %dma_wait3A_186 = arith.constant 0 : i32
      %dma_wait3A_187 = tpu.memref_slice %dma_wait3A_184[%dma_wait3A_185, %dma_wait3A_186] : memref<8192x4096xf32, #tpu.memory_space<hbm>> -> memref<8192x4096xf32, #tpu.memory_space<hbm>>
      tpu.wait_indirect_dma semaphore(%arg15 : memref<!tpu.dma_semaphore, #tpu.memory_space<semaphore_mem>>) src(%dma_wait3A_187 : memref<8192x4096xf32, #tpu.memory_space<hbm>>) dst(%arg9 : memref<8x4096xf32, #tpu.memory_space<vmem>>)
      %ge3A_188 = arith.constant 8 : i32
      %ge3A_189 = vector.broadcast %ge3A_188 : i32 to vector<16xi32>
      %ge3A_190 = arith.cmpi sge, %iota3A, %ge3A_189 : vector<16xi32>
      %eq3A_191 = arith.constant 1 : i32
      %eq3A_192 = vector.broadcast %eq3A_191 : i32 to vector<16xi32>
      %eq3A_193 = arith.cmpi eq, %get3A_136, %eq3A_192 : vector<16xi32>
      %and3A_194 = arith.andi %ge3A_190, %eq3A_193 : vector<16xi1>
      %sub3A_195 = arith.constant 8 : i32
      %sub3A_196 = vector.broadcast %sub3A_195 : i32 to vector<16xi32>
      %sub3A_197 = arith.subi %iota3A, %sub3A_196 : vector<16xi32>
      %max3A_198 = arith.constant 0 : i32
      %max3A_199 = vector.broadcast %max3A_198 : i32 to vector<16xi32>
      %max3A_200 = arith.maxsi %sub3A_197, %max3A_199 : vector<16xi32>
      %gather3A_201 = tpu.vector_load_idx %arg9[%max3A_200, %get3A_134] masked %and3A_194 : memref<8x4096xf32, #tpu.memory_space<vmem>>[vector<16xi32>, vector<16xi32>], vector<16xf32>, vector<16xi1>
      %get3A_202 = arith.constant 0 : index
      %get3A_203 = tpu.vector_load %arg14[%get3A_202] {strides = array<i32>} : memref<16xf32, #tpu.memory_space<vmem>>, vector<16xf32>,
      %jit3A_204 = arith.constant 0.000000e+00 : f32
      %broadcast_in_dim3A_205 = vector.broadcast %jit3A_204 : f32 to vector<16xf32>
      %select_n3A_206 = arith.select %and3A_194, %gather3A_201, %broadcast_in_dim3A_205 : vector<16xi1>, vector<16xf32>
      %add3A_207 = arith.addf %get3A_203, %select_n3A_206 : vector<16xf32>
      %swap3A_208 = arith.constant 0 : index
      %swap3A_209 = tpu.vector_load %arg14[%swap3A_208] {strides = array<i32>} : memref<16xf32, #tpu.memory_space<vmem>>, vector<16xf32>,
      tpu.vector_store %arg14[%swap3A_208], %add3A_207 {strides = array<i32>} : memref<16xf32, #tpu.memory_space<vmem>>, vector<16xf32>,
      %add3A_210 = arith.constant 504 : i32
      %add3A_211 = arith.addi %mul3A_2, %add3A_210 : i32
      %dma_start3A_212 = arith.constant 4096 : i32
      %dma_start3A_213 = tpu.memref_slice %arg6[%add3A_211, %dma_start3A_212] : memref<8192x8192xf32, #tpu.memory_space<hbm>> -> memref<8x4096xf32, #tpu.memory_space<hbm>>
      %dma_start3A_214 = arith.constant 4096 : i32
      %dma_start3A_215 = tpu.memref_slice %arg6[%add3A_211, %dma_start3A_214] : memref<8192x8192xf32, #tpu.memory_space<hbm>> -> memref<8x4096xf32, #tpu.memory_space<hbm>>
      tpu.enqueue_dma source(%arg9 : memref<8x4096xf32, #tpu.memory_space<vmem>>) target(%dma_start3A_215 : memref<8x4096xf32, #tpu.memory_space<hbm>>) target_semaphore(%arg18 : memref<!tpu.dma_semaphore, #tpu.memory_space<semaphore_mem>>)
      %add3A_216 = arith.constant 496 : i32
      %add3A_217 = arith.addi %mul3A_2, %add3A_216 : i32
      %dma_wait3A_218 = arith.constant 4096 : i32
      %dma_wait3A_219 = tpu.memref_slice %arg6[%add3A_217, %dma_wait3A_218] : memref<8192x8192xf32, #tpu.memory_space<hbm>> -> memref<8x4096xf32, #tpu.memory_space<hbm>>
      %dma_wait3A_220 = arith.constant 4096 : i32
      %dma_wait3A_221 = tpu.memref_slice %arg6[%add3A_217, %dma_wait3A_220] : memref<8192x8192xf32, #tpu.memory_space<hbm>> -> memref<8x4096xf32, #tpu.memory_space<hbm>>
      tpu.wait_dma2 semaphore(%arg20 : memref<!tpu.dma_semaphore, #tpu.memory_space<semaphore_mem>>) src(%arg11 : memref<8x4096xf32, #tpu.memory_space<vmem>>) dst(%dma_wait3A_221 : memref<8x4096xf32, #tpu.memory_space<hbm>>)
      %add3A_222 = arith.constant 504 : i32
      %add3A_223 = arith.addi %mul3A_2, %add3A_222 : i32
      %dma_wait3A_224 = arith.constant 4096 : i32
      %dma_wait3A_225 = tpu.memref_slice %arg6[%add3A_223, %dma_wait3A_224] : memref<8192x8192xf32, #tpu.memory_space<hbm>> -> memref<8x4096xf32, #tpu.memory_space<hbm>>
      %dma_wait3A_226 = arith.constant 4096 : i32
      %dma_wait3A_227 = tpu.memref_slice %arg6[%add3A_223, %dma_wait3A_226] : memref<8192x8192xf32, #tpu.memory_space<hbm>> -> memref<8x4096xf32, #tpu.memory_space<hbm>>
      tpu.wait_dma2 semaphore(%arg18 : memref<!tpu.dma_semaphore, #tpu.memory_space<semaphore_mem>>) src(%arg9 : memref<8x4096xf32, #tpu.memory_space<vmem>>) dst(%dma_wait3A_227 : memref<8x4096xf32, #tpu.memory_space<hbm>>)
    } else {
    }
    "tpu.region"() ({
      %run_scoped3A = tpu.sem_alloc : memref<!tpu.dma_semaphore, #tpu.memory_space<semaphore_mem>>
      %dma_start3A = arith.constant 0 : i32
      %dma_start3A_12 = tpu.memref_slice %arg7[%add3A, %dma_start3A] : memref<32x16xf32, #tpu.memory_space<hbm>> -> memref<1x16xf32, #tpu.memory_space<hbm>>
      %dma_start3A_13 = tpu.memref_squeeze %dma_start3A_12 : memref<1x16xf32, #tpu.memory_space<hbm>> -> memref<16xf32, #tpu.memory_space<hbm>>
      %dma_start3A_14 = arith.constant 0 : i32
      %dma_start3A_15 = tpu.memref_slice %arg7[%add3A, %dma_start3A_14] : memref<32x16xf32, #tpu.memory_space<hbm>> -> memref<1x16xf32, #tpu.memory_space<hbm>>
      %dma_start3A_16 = tpu.memref_squeeze %dma_start3A_15 : memref<1x16xf32, #tpu.memory_space<hbm>> -> memref<16xf32, #tpu.memory_space<hbm>>
      tpu.enqueue_dma source(%arg14 : memref<16xf32, #tpu.memory_space<vmem>>) target(%dma_start3A_16 : memref<16xf32, #tpu.memory_space<hbm>>) target_semaphore(%run_scoped3A : memref<!tpu.dma_semaphore, #tpu.memory_space<semaphore_mem>>)
      %dma_wait3A = arith.constant 0 : i32
      %dma_wait3A_17 = tpu.memref_slice %arg7[%add3A, %dma_wait3A] : memref<32x16xf32, #tpu.memory_space<hbm>> -> memref<1x16xf32, #tpu.memory_space<hbm>>
      %dma_wait3A_18 = tpu.memref_squeeze %dma_wait3A_17 : memref<1x16xf32, #tpu.memory_space<hbm>> -> memref<16xf32, #tpu.memory_space<hbm>>
      %dma_wait3A_19 = arith.constant 0 : i32
      %dma_wait3A_20 = tpu.memref_slice %arg7[%add3A, %dma_wait3A_19] : memref<32x16xf32, #tpu.memory_space<hbm>> -> memref<1x16xf32, #tpu.memory_space<hbm>>
      %dma_wait3A_21 = tpu.memref_squeeze %dma_wait3A_20 : memref<1x16xf32, #tpu.memory_space<hbm>> -> memref<16xf32, #tpu.memory_space<hbm>>
      tpu.wait_dma2 semaphore(%run_scoped3A : memref<!tpu.dma_semaphore, #tpu.memory_space<semaphore_mem>>) src(%arg14 : memref<16xf32, #tpu.memory_space<vmem>>) dst(%dma_wait3A_21 : memref<16xf32, #tpu.memory_space<hbm>>)
      tpu.yield
    }) : () -> ()
    return
  }
}

#map = affine_map<(d0, d1) -> (0)>
#map1 = affine_map<(d0, d1) -> (0, 0)>
module attributes {stable_mosaic.version = 14 : i64} {
  func.func @k(%arg0: i32, %arg1: i32, %arg2: memref<8192xf32, #tpu.memory_space<hbm>>, %arg3: memref<8192xi32, #tpu.memory_space<hbm>>, %arg4: memref<32x16xf32, #tpu.memory_space<hbm>>, %arg5: memref<8192xf32, #tpu.memory_space<vmem>>, %arg6: memref<256xi32, #tpu.memory_space<vmem>>, %arg7: memref<16xf32, #tpu.memory_space<vmem>>) attributes {dimension_semantics = [#tpu.dimension_semantics<core_parallel>, #tpu.dimension_semantics<subcore_parallel>], iteration_bounds = array<i64: 2, 16>, scalar_prefetch = 0 : i64, scratch_operands = 3 : i64, tpu.core_type = #tpu.core_type<sc_vector_subcore>, window_params = [{transform_indices = #map}, {transform_indices = #map}, {transform_indices = #map1}]} {
    %mul3A = arith.constant 2 : i32
    %mul3A_0 = arith.muli %arg1, %mul3A : i32
    %add3A = arith.addi %mul3A_0, %arg0 : i32
    %mul3A_1 = arith.constant 256 : i32
    %mul3A_2 = arith.muli %add3A, %mul3A_1 : i32
    "tpu.region"() ({
      %run_scoped3A = tpu.sem_alloc : memref<!tpu.dma_semaphore, #tpu.memory_space<semaphore_mem>>
      tpu.enqueue_dma source(%arg2 : memref<8192xf32, #tpu.memory_space<hbm>>) target(%arg5 : memref<8192xf32, #tpu.memory_space<vmem>>) target_semaphore(%run_scoped3A : memref<!tpu.dma_semaphore, #tpu.memory_space<semaphore_mem>>)
      tpu.wait_dma2 semaphore(%run_scoped3A : memref<!tpu.dma_semaphore, #tpu.memory_space<semaphore_mem>>) src(%arg2 : memref<8192xf32, #tpu.memory_space<hbm>>) dst(%arg5 : memref<8192xf32, #tpu.memory_space<vmem>>)
      tpu.yield
    }) : () -> ()
    "tpu.region"() ({
      %run_scoped3A = tpu.sem_alloc : memref<!tpu.dma_semaphore, #tpu.memory_space<semaphore_mem>>
      %dma_start3A = tpu.memref_slice %arg3[%mul3A_2] : memref<8192xi32, #tpu.memory_space<hbm>> -> memref<256xi32, #tpu.memory_space<hbm>>
      %dma_start3A_9 = tpu.memref_slice %arg3[%mul3A_2] : memref<8192xi32, #tpu.memory_space<hbm>> -> memref<256xi32, #tpu.memory_space<hbm>>
      tpu.enqueue_dma source(%dma_start3A_9 : memref<256xi32, #tpu.memory_space<hbm>>) target(%arg6 : memref<256xi32, #tpu.memory_space<vmem>>) target_semaphore(%run_scoped3A : memref<!tpu.dma_semaphore, #tpu.memory_space<semaphore_mem>>)
      %dma_wait3A = tpu.memref_slice %arg3[%mul3A_2] : memref<8192xi32, #tpu.memory_space<hbm>> -> memref<256xi32, #tpu.memory_space<hbm>>
      %dma_wait3A_10 = tpu.memref_slice %arg3[%mul3A_2] : memref<8192xi32, #tpu.memory_space<hbm>> -> memref<256xi32, #tpu.memory_space<hbm>>
      tpu.wait_dma2 semaphore(%run_scoped3A : memref<!tpu.dma_semaphore, #tpu.memory_space<semaphore_mem>>) src(%dma_wait3A_10 : memref<256xi32, #tpu.memory_space<hbm>>) dst(%arg6 : memref<256xi32, #tpu.memory_space<vmem>>)
      tpu.yield
    }) : () -> ()
    %broadcast_in_dim3A = arith.constant 0.000000e+00 : f32
    %broadcast_in_dim3A_3 = vector.broadcast %broadcast_in_dim3A : f32 to vector<16xf32>
    %swap3A = arith.constant 0 : index
    %swap3A_4 = tpu.vector_load %arg7[%swap3A] {strides = array<i32>} : memref<16xf32, #tpu.memory_space<vmem>>, vector<16xf32>,
    tpu.vector_store %arg7[%swap3A], %broadcast_in_dim3A_3 {strides = array<i32>} : memref<16xf32, #tpu.memory_space<vmem>>, vector<16xf32>,
    %scan3A = arith.constant 0 : i32
    %scan3A_5 = arith.constant 16 : i32
    %scan3A_6 = arith.addi %scan3A, %scan3A_5 : i32
    %scan3A_7 = arith.constant 1 : i32
    scf.for %scan3A_9 = %scan3A to %scan3A_6 step %scan3A_7  : i32 {
      %mul3A_10 = arith.constant 1 : i32
      %mul3A_11 = arith.muli %scan3A_9, %mul3A_10 : i32
      %add3A_12 = arith.constant 0 : i32
      %add3A_13 = arith.addi %add3A_12, %mul3A_11 : i32
      %mul3A_14 = arith.constant 16 : i32
      %mul3A_15 = arith.muli %add3A_13, %mul3A_14 : i32
      %get3A = arith.index_cast %mul3A_15 : i32 to index
      %get3A_16 = tpu.vector_load %arg6[%get3A] {strides = array<i32>} : memref<256xi32, #tpu.memory_space<vmem>>, vector<16xi32>,
      %get3A_17 = arith.constant 0 : index
      %get3A_18 = tpu.vector_load %arg7[%get3A_17] {strides = array<i32>} : memref<16xf32, #tpu.memory_space<vmem>>, vector<16xf32>,
      %gather3A = tpu.vector_load_idx %arg5[%get3A_16] : memref<8192xf32, #tpu.memory_space<vmem>>[vector<16xi32>], vector<16xf32>,
      %add3A_19 = arith.addf %get3A_18, %gather3A : vector<16xf32>
      %swap3A_20 = arith.constant 0 : index
      %swap3A_21 = tpu.vector_load %arg7[%swap3A_20] {strides = array<i32>} : memref<16xf32, #tpu.memory_space<vmem>>, vector<16xf32>,
      tpu.vector_store %arg7[%swap3A_20], %add3A_19 {strides = array<i32>} : memref<16xf32, #tpu.memory_space<vmem>>, vector<16xf32>,
    }
    %scan3A_8 = arith.constant 16 : i32
    "tpu.region"() ({
      %run_scoped3A = tpu.sem_alloc : memref<!tpu.dma_semaphore, #tpu.memory_space<semaphore_mem>>
      %dma_start3A = arith.constant 0 : i32
      %dma_start3A_9 = tpu.memref_slice %arg4[%add3A, %dma_start3A] : memref<32x16xf32, #tpu.memory_space<hbm>> -> memref<1x16xf32, #tpu.memory_space<hbm>>
      %dma_start3A_10 = tpu.memref_squeeze %dma_start3A_9 : memref<1x16xf32, #tpu.memory_space<hbm>> -> memref<16xf32, #tpu.memory_space<hbm>>
      %dma_start3A_11 = arith.constant 0 : i32
      %dma_start3A_12 = tpu.memref_slice %arg4[%add3A, %dma_start3A_11] : memref<32x16xf32, #tpu.memory_space<hbm>> -> memref<1x16xf32, #tpu.memory_space<hbm>>
      %dma_start3A_13 = tpu.memref_squeeze %dma_start3A_12 : memref<1x16xf32, #tpu.memory_space<hbm>> -> memref<16xf32, #tpu.memory_space<hbm>>
      tpu.enqueue_dma source(%arg7 : memref<16xf32, #tpu.memory_space<vmem>>) target(%dma_start3A_13 : memref<16xf32, #tpu.memory_space<hbm>>) target_semaphore(%run_scoped3A : memref<!tpu.dma_semaphore, #tpu.memory_space<semaphore_mem>>)
      %dma_wait3A = arith.constant 0 : i32
      %dma_wait3A_14 = tpu.memref_slice %arg4[%add3A, %dma_wait3A] : memref<32x16xf32, #tpu.memory_space<hbm>> -> memref<1x16xf32, #tpu.memory_space<hbm>>
      %dma_wait3A_15 = tpu.memref_squeeze %dma_wait3A_14 : memref<1x16xf32, #tpu.memory_space<hbm>> -> memref<16xf32, #tpu.memory_space<hbm>>
      %dma_wait3A_16 = arith.constant 0 : i32
      %dma_wait3A_17 = tpu.memref_slice %arg4[%add3A, %dma_wait3A_16] : memref<32x16xf32, #tpu.memory_space<hbm>> -> memref<1x16xf32, #tpu.memory_space<hbm>>
      %dma_wait3A_18 = tpu.memref_squeeze %dma_wait3A_17 : memref<1x16xf32, #tpu.memory_space<hbm>> -> memref<16xf32, #tpu.memory_space<hbm>>
      tpu.wait_dma2 semaphore(%run_scoped3A : memref<!tpu.dma_semaphore, #tpu.memory_space<semaphore_mem>>) src(%arg7 : memref<16xf32, #tpu.memory_space<vmem>>) dst(%dma_wait3A_18 : memref<16xf32, #tpu.memory_space<hbm>>)
      tpu.yield
    }) : () -> ()
    return
  }
}

module attributes {stable_mosaic.version = 14 : i64} {
  func.func @_lse_scan_kernel(%arg0: i32, %arg1: memref<256x8192xf32, #tpu.memory_space<vmem>>, %arg2: memref<1x1x256xf32, #tpu.memory_space<vmem>>) attributes {dimension_semantics = [#tpu.dimension_semantics<parallel>], iteration_bounds = array<i64: 32>, scalar_prefetch = 0 : i64, scratch_operands = 0 : i64, tpu.core_type = #tpu.core_type<tc>, window_params = [{transform_indices = @transform_0, window_bounds = array<i64: 256, 8192>}, {transform_indices = @transform_1, window_bounds = array<i64: 1, 1, 256>}]} {
    %get3A = arith.constant 0 : index
    %get3A_0 = arith.constant 0 : index
    %get3A_1 = vector.load %arg1[%get3A, %get3A_0] : memref<256x8192xf32, #tpu.memory_space<vmem>>, vector<256x8192xf32>
    %reduce_max3A = arith.constant dense<0xFF800000> : vector<256xf32>
    %reduce_max3A_2 = vector.multi_reduction <maximumf>, %get3A_1, %reduce_max3A [1] : vector<256x8192xf32> to vector<256xf32>
    %broadcast_in_dim3A = vector.shape_cast %reduce_max3A_2 : vector<256xf32> to vector<256x1xf32>
    %sub3A = vector.broadcast %broadcast_in_dim3A : vector<256x1xf32> to vector<256x8192xf32>
    %sub3A_3 = arith.subf %get3A_1, %sub3A : vector<256x8192xf32>
    %exp3A = math.exp %sub3A_3 : vector<256x8192xf32>
    %reduce_sum3A = arith.constant dense<0.000000e+00> : vector<256xf32>
    %reduce_sum3A_4 = vector.multi_reduction <add>, %exp3A, %reduce_sum3A [1] : vector<256x8192xf32> to vector<256xf32>
    %squeeze3A = vector.shape_cast %broadcast_in_dim3A : vector<256x1xf32> to vector<256xf32>
    %log3A = math.log %reduce_sum3A_4 : vector<256xf32>
    %add3A = arith.addf %squeeze3A, %log3A : vector<256xf32>
    %reshape3A = vector.shape_cast %add3A : vector<256xf32> to vector<1x1x256xf32>
    %swap3A = arith.constant 0 : index
    %swap3A_5 = arith.constant 0 : index
    %swap3A_6 = arith.constant 0 : index
    %swap3A_7 = vector.load %arg2[%swap3A, %swap3A_5, %swap3A_6] : memref<1x1x256xf32, #tpu.memory_space<vmem>>, vector<1x1x256xf32>
    tpu.vector_store %arg2[%swap3A, %swap3A_5, %swap3A_6], %reshape3A {strides = array<i32>} : memref<1x1x256xf32, #tpu.memory_space<vmem>>, vector<1x1x256xf32>,
    return
  }
  func.func @transform_0(%arg0: i32) -> (i32, i32) {
    %c0_i32 = arith.constant 0 : i32
    %c0_i32_0 = arith.constant 0 : i32
    return %arg0, %c0_i32 : i32, i32
  }
  func.func @transform_1(%arg0: i32) -> (i32, i32, i32) {
    %c0_i32 = arith.constant 0 : i32
    %c0_i32_0 = arith.constant 0 : i32
    %c0_i32_1 = arith.constant 0 : i32
    return %arg0, %c0_i32, %c0_i32_0 : i32, i32, i32
  }
}

module attributes {stable_mosaic.version = 14 : i64} {
  func.func @body(%arg0: memref<32x16xf32, #tpu.memory_space<vmem>>, %arg1: memref<32x16xf32, #tpu.memory_space<vmem>>, %arg2: memref<1x1xf32, #tpu.memory_space<smem>>) attributes {dimension_semantics = [], scalar_prefetch = 0 : i64, scratch_operands = 0 : i64, tpu.core_type = #tpu.core_type<tc>} {
    %get3A = arith.constant 0 : index
    %get3A_0 = arith.constant 0 : index
    %get3A_1 = vector.load %arg0[%get3A, %get3A_0] : memref<32x16xf32, #tpu.memory_space<vmem>>, vector<32x16xf32>
    %reduce_sum3A = vector.shape_cast %get3A_1 : vector<32x16xf32> to vector<1x32x16xf32>
    %reduce_sum3A_2 = arith.constant dense<0.000000e+00> : vector<1xf32>
    %reduce_sum3A_3 = vector.multi_reduction <add>, %reduce_sum3A, %reduce_sum3A_2 [1, 2] : vector<1x32x16xf32> to vector<1xf32>
    %reduce_sum3A_4 = vector.shape_cast %reduce_sum3A_3 : vector<1xf32> to vector<1x1x1xf32>
    %reduce_sum3A_5 = vector.extract %reduce_sum3A_4[0, 0, 0] : f32 from vector<1x1x1xf32>
    %get3A_6 = arith.constant 0 : index
    %get3A_7 = arith.constant 0 : index
    %get3A_8 = vector.load %arg1[%get3A_6, %get3A_7] : memref<32x16xf32, #tpu.memory_space<vmem>>, vector<32x16xf32>
    %reduce_sum3A_9 = vector.shape_cast %get3A_8 : vector<32x16xf32> to vector<1x32x16xf32>
    %reduce_sum3A_10 = arith.constant dense<0.000000e+00> : vector<1xf32>
    %reduce_sum3A_11 = vector.multi_reduction <add>, %reduce_sum3A_9, %reduce_sum3A_10 [1, 2] : vector<1x32x16xf32> to vector<1xf32>
    %reduce_sum3A_12 = vector.shape_cast %reduce_sum3A_11 : vector<1xf32> to vector<1x1x1xf32>
    %reduce_sum3A_13 = vector.extract %reduce_sum3A_12[0, 0, 0] : f32 from vector<1x1x1xf32>
    %sub3A = arith.subf %reduce_sum3A_5, %reduce_sum3A_13 : f32
    %div3A = arith.constant 8.192000e+03 : f32
    %div3A_14 = arith.divf %sub3A, %div3A : f32
    %swap3A = arith.constant 0 : index
    %swap3A_15 = arith.constant 0 : index
    %swap3A_16 = memref.load %arg2[%swap3A, %swap3A_15] : memref<1x1xf32, #tpu.memory_space<smem>>
    memref.store %div3A_14, %arg2[%swap3A, %swap3A_15] : memref<1x1xf32, #tpu.memory_space<smem>>
    return
  }
}

</mosaic_0001>

<sc_bundles>
// kernel: kernel.6.cloned.1.call-start
scs
__scs_entry_jumppad:
0x0: {  	(pc) =	sbr.rel $0x88, $3  }
0x1: {  	(tag) =	ssettag $0x0;
	lr =	simm.s32 $0x1  }
0x2: {  	[smem:$0x3F9E] =	sst lr;
	_ =	strace $0xD0000000  }
0x3: {  	_ = 	snop  }
0x4: {  	_ = 	snop  }
0x5: {  	_ = 	snop  }
0x6: {  	_ = 	snop  }
0x7: {  	_ = 	snop  }
__scs_overlays_trampoline_lowered:
0x8: {  	[smem:$0x3FAD] =	sst s0  }
0x9: {  	[smem:$0x3FAE] =	sst s1  }
0xa: {  	[smem:$0x3FAF] =	sst s2  }
0xb: {  	[smem:$0x3FB0] =	sst s3  }
0xc: {  	[smem:$0x3FB1] =	sst s4  }
0xd: {  	[smem:$0x3FB2] =	sst s5  }
0xe: {  	[smem:$0x3FB3] =	sst s6  }
0xf: {  	[smem:$0x3FB4] =	sst s7  }
0x10: {  	[smem:$0x3FB5] =	sst s8  }
0x11: {  	[smem:$0x3FB6] =	sst s9;
	s0 =	simm.s32 @!p0 $0x0  }
0x12: {  	s1 =	sld [smem:$0x3F9C];
	s0 =	simm.s32 @p0 $0x1  }
0x13: {  	[smem:$0x3FB7] =	sst s0;
	s0 =	simm.s32 @!p1 $0x0  }
0x14: {  	s2 =	sld [smem:$0x3F9B];
	s0 =	simm.s32 @p1 $0x1  }
0x15: {  	[smem:$0x3FB8] =	sst s0;
	s0 =	simm.s32 @!p2 $0x0  }
0x16: {  	s3 =	sld [smem:$0x3FDB];
	s0 =	simm.s32 @p2 $0x1  }
0x17: {  	s4 =	simm.s32 $0x1BF5;
	[smem:$0x3FBA] =	sst s0  }
0x18: {  	s0 =	sld [smem:$0x3F9D];
	_ =	swait.ge [sflag:s4], $0x0  }
0x19: {  	s7 =	sld [smem:$0x3F9E]  }
0x1a: {  	s8 =	sadd.s32 $0xFFFFE003, lr  }
0x1b: {  	s9 =	sadd.s32 $0xFFFFFEF7, lr;
	s5 =	simm.s32 $0xFFFFFFFF;
	p2 =	slt.u32 s8, $0xFFFFF086  }
0x1c: {  	p1 =	slt.u32 s9, $0xF7A;
	s5 =	simm.s32 @!p2 $0x0  }
0x1d: {  	s5 =	simm.s32 @p1 $0x1;
	p0 =	seq.s32 s7, s2  }
0x1e: {  	s7 =	smul.u32 @!p0 $0xF7A, s2;
	p2 =	seq.s32 @!p0 s5, $0x0  }
0x1f: {  	s9 =	smul.u32 $0xF7A, s1;
	s8 =	simm.s32 @!p0 $0x1BF5;
	p2 =	por !p2, p0  }
0x20: {  	[sflag:s8] =	ssyncset.s32 @!p0 $0xFFFFF086;
	s6 =	sadd.s32 @!p0 s3, s7;
	s7 =	simm.s32 @!p0 $0x108  }
0x21: {  	s3 =	sadd.s32 s3, s9;
	s6 =	sadd.s32 @!p0 $0x88, s6;
	s7 =	simm.s32 @p2 $0x1082  }
0x22: {  	[simem:s7], [sflag:s8] =	dma.local @!p0 [hbm:s6], $0xF7A  }
0x23: {  	s9 =	sor.u32 $0xD0000000, s2;
	s6 =	simm.s32 $0x108;
	_ =	swait.ge @!p0 [sflag:s8], $0x0  }
0x24: {  	s3 =	sadd.s32 $0x88, s3;
	s6 =	simm.s32 @!p1 $0x1082;
	[sflag:s4] =	ssyncset.s32 $0xFFFFF086  }
0x25: {  	[simem:s6], [sflag:s4] =	dma.local [hbm:s3], $0xF7A  }
0x26: {  	[smem:$0x3F9E] =	sst s1;
	(tag) =	ssettag s2;
	_ =	strace s9  }
0x27: {  	s1 =	sld [smem:$0x3FAE]  }
0x28: {  	s2 =	sld [smem:$0x3FAF]  }
0x29: {  	s4 =	sld [smem:$0x3FB1]  }
0x2a: {  	p0 =	seq.s32 s5, $0x0;
	s5 =	sld [smem:$0x3FB2]  }
0x2b: {  	s6 =	sld [smem:$0x3FB3]  }
0x2c: {  	s7 =	sld [smem:$0x3FB4]  }
0x2d: {  	s3 =	simm.s32 $0x108;
	s8 =	sld [smem:$0x3FB5]  }
0x2e: {  	s3 =	simm.s32 @!p0 $0x1082;
	s9 =	sld [smem:$0x3FB6]  }
0x2f: {  	lr =	sadd.s32 s0, s3;
	s0 =	sld [smem:$0x3FAD]  }
0x30: {  	s3 =	sld [smem:$0x3FB0]  }
0x31: {  	[smem:$0x3FB9] =	sst s10  }
0x32: {  	s10 =	sld [smem:$0x3FB7];
	_ =	sdelay $0x3  }
0x33: {  	p0 =	seq.s32 s10, $0x1;
	s10 =	sld [smem:$0x3FB9];
	_ =	sdelay $0x3  }
0x34: {  	[smem:$0x3FB9] =	sst s10  }
0x35: {  	s10 =	sld [smem:$0x3FB8];
	_ =	sdelay $0x3  }
0x36: {  	p1 =	seq.s32 s10, $0x1;
	s10 =	sld [smem:$0x3FB9];
	_ =	sdelay $0x3  }
0x37: {  	[smem:$0x3FB9] =	sst s10  }
0x38: {  	s10 =	sld [smem:$0x3FBA]  }
0x39: {  	_ = 	snop;
	(pc) =	sbr.ind lr, $3  }
0x3a: {  	_ = 	snop  }
0x3b: {  	_ = 	snop  }
0x3c: {  	p2 =	seq.s32 s10, $0x1;
	s10 =	sld [smem:$0x3FB9]  }
0x3d: {  	_ =	shalt  }
0x3e: {  	_ =	shalt  }
0x3f: {  	_ =	shalt  }
0x40: {  	_ =	shalt  }
0x41: {  	_ =	shalt  }
0x42: {  	_ =	shalt  }
0x43: {  	_ =	shalt  }
0x44: {  	_ =	shalt  }
0x45: {  	_ =	shalt  }
0x46: {  	_ =	shalt  }
0x47: {  	_ =	shalt  }
0x48: {  	_ =	shalt  }
0x49: {  	_ =	shalt  }
0x4a: {  	_ =	shalt  }
0x4b: {  	_ =	shalt  }
0x4c: {  	_ =	shalt  }
0x4d: {  	_ =	shalt  }
0x4e: {  	_ =	shalt  }
0x4f: {  	_ =	shalt  }
0x50: {  	_ =	shalt  }
0x51: {  	_ =	shalt  }
0x52: {  	_ =	shalt  }
0x53: {  	_ =	shalt  }
0x54: {  	_ =	shalt  }
0x55: {  	_ =	shalt  }
0x56: {  	_ =	shalt  }
0x57: {  	_ =	shalt  }
0x58: {  	_ =	shalt  }
0x59: {  	_ =	shalt  }
0x5a: {  	_ =	shalt  }
0x5b: {  	_ =	shalt  }
0x5c: {  	_ =	shalt  }
0x5d: {  	_ =	shalt  }
0x5e: {  	_ =	shalt  }
0x5f: {  	_ =	shalt  }
0x60: {  	_ =	shalt  }
0x61: {  	_ =	shalt  }
0x62: {  	_ =	shalt  }
0x63: {  	_ =	shalt  }
0x64: {  	_ =	shalt  }
0x65: {  	_ =	shalt  }
0x66: {  	_ =	shalt  }
0x67: {  	_ =	shalt  }
0x68: {  	_ =	shalt  }
0x69: {  	_ =	shalt  }
0x6a: {  	_ =	shalt  }
0x6b: {  	_ =	shalt  }
0x6c: {  	_ =	shalt  }
0x6d: {  	_ =	shalt  }
0x6e: {  	_ =	shalt  }
0x6f: {  	_ =	shalt  }
0x70: {  	_ =	shalt  }
0x71: {  	_ =	shalt  }
0x72: {  	_ =	shalt  }
0x73: {  	_ =	shalt  }
0x74: {  	_ =	shalt  }
0x75: {  	_ =	shalt  }
0x76: {  	_ =	shalt  }
0x77: {  	_ =	shalt  }
0x78: {  	_ =	shalt  }
0x79: {  	_ =	shalt  }
0x7a: {  	_ =	shalt  }
0x7b: {  	_ =	shalt  }
0x7c: {  	_ =	shalt  }
0x7d: {  	_ =	shalt  }
0x7e: {  	_ =	shalt  }
0x7f: {  	_ =	shalt  }
0x80: {  	_ =	shalt  }
0x81: {  	_ =	shalt  }
0x82: {  	_ =	shalt  }
0x83: {  	_ =	shalt  }
0x84: {  	_ =	shalt  }
0x85: {  	_ =	shalt  }
0x86: {  	_ =	shalt  }
0x87: {  	_ =	shalt  }
.Lfunc_end0:
.L_simem_size_0:
called_computation_lowered:
.L_overlay_start_0:
0x88: {  	s2 =	sld [smem:$0x3FD9]  }
0x89: {  	s3 =	sld [smem:$0x3FFE];
	_ =	sdelay $0x1  }
0x8a: {  	s1 =	srdreg.scid  }
0x8b: {  	s0 =	sand.u32 $0x1, s1  }
0x8c: {  	s14 =	sshll.u32 s0, $0xA;
	s2 =	sadd.s32 s3, s2  }
0x8d: {  	s2 =	sadd.s32 s2, s14  }
0x8e: {  	[smem:$0x3FC5] =	sst s2  }
0x8f: {  	_ = 	snop  }
0x90: {  	s2 =	sld [smem:$0x3FD0];
	_ =	sdelay $0x2  }
0x91: {  	s4 =	simm.s32 $0xB;
	s5 =	simm.s32 $0x10;
	s15 =	sld [smem:$0x3FC7]  }
0x92: {  	[smem:s5], [sflag:s4] =	dma.local [hbm:s2], $0x1  }
0x93: {  	_ =	swait.eq [sflag:s4], $0x1  }
0x94: {  	[sflag:s4] =	ssyncset.done $0x0  }
0x95: {  	[sflag:s4] =	ssyncadd.s32 $0xFFFFFFFF  }
0x96: {  	s16 =	sld [smem:$0x10];
	(tm) =	ssettm $0x1  }
0x97: {  	s17 =	sld [smem:$0x3FFB];
	_ =	sdelay $0x3  }
0x98: {  	_ =	strace s17  }
0x99: {  	s4 =	sld [smem:$0x3FFC];
	_ =	sdelay $0x3  }
0x9a: {  	_ =	strace s4  }
0x9b: {  	s4 =	sld [smem:$0x3FFD];
	_ =	sdelay $0x3  }
0x9c: {  	_ =	strace s4  }
0x9d: {  	_ =	strace $0x8FFFFFFF  }
0x9e: {  	s18 =	sld [smem:$0x3FDB];
	_ =	sdelay $0x1  }
0x9f: {  	s19 =	simm.s32 $_scs_section_size  }
0xa0: {  	s6 =	simm.s32 $_size__tile_overlayer_lowered;
	s7 =	simm.s32 $_tile_overlayer_lowered  }
0xa1: {  	s22 =	simm.s32 $0x1BFF;
	s21 =	sshll.u32 s7, $0x1;
	s4 =	sadd.s32 s19, s18  }
0xa2: {  	s8 =	simm.s32 $0x0;
	s20 =	sshll.u32 s6, $0x1;
	s6 =	sadd.s32 s21, s4  }
0xa3: {  	[timem:s8], [sflag:s22] =	dma.local [hbm:s6], s20  }
0xa4: {  	_ =	swait.ge [sflag:s22], s20  }
0xa5: {  	s5 =	ssub.s32 $0x0, s20;
	[sflag:s22] =	ssyncset.done $0x0  }
0xa6: {  	[sflag:s22] =	ssyncadd.s32 s5;
	_ =	sdelay $0x1  }
0xa7: {  	s23 =	simm.s32 $0x1B8B  }
0xa8: {  	_ =	swait.ge [sflag:s23], $0x1  }
0xa9: {  	[sflag:s23] =	ssyncset.done $0x0  }
0xaa: {  	s25 =	simm.s32 $0x1B8E;
	s24 =	sld [smem:$0x3FFE];
	[sflag:s23] =	ssyncadd.s32 $0xFFFFFFFF  }
0xab: {  	s26 =	simm.s32 $execute0_lowered;
	[smem:$0x3FD2] =	sst s25  }
0xac: {  	s6 =	sshll.u32 s26, $0x1;
	_ =	strace $0x80000046;
	[dreg:$0x1] =	wrdreg $0xFFFFFFFF  }
0xad: {  	s28 =	simm.s32 $_size_execute0_lowered;
	s4 =	sadd.s32 s4, s6;
	[dreg:$0x0] =	wrdreg $0x0  }
0xae: {  	s6 =	sshll.u32 s28, $0x1;
	[dreg:$0x2] =	wrdreg s4  }
0xaf: {  	[dreg:$0x3] =	wrdreg s6  }
0xb0: {  	[dreg:$0x4] =	wrdreg $0xC0  }
0xb1: {  	_ =	task [dreg:s8], $0x5FFFF  }
0xb2: {  	[dreg:$0x1] =	wrdreg $0xFFFFFFFF  }
0xb3: {  	[dreg:$0x0] =	wrdreg $0x60  }
0xb4: {  	[dreg:$0x2] =	wrdreg s15  }
0xb5: {  	[dreg:$0x3] =	wrdreg s24  }
0xb6: {  	[dreg:$0x4] =	wrdreg s16  }
0xb7: {  	[dreg:$0x5] =	wrdreg $0x9  }
0xb8: {  	_ =	task.clear_ibuf [dreg:s8], $0x6FFFF;
	_ =	strace $0x90000046  }
0xb9: {  	s29 =	simm.s32 $0x9;
	_ =	strace $0x80000048  }
0xba: {  	_ =	swait.ge [sflag:s29], $0x1  }
0xbb: {  	[sflag:s29] =	ssyncadd.s32 $0xFFFFFFFF  }
0xbc: {  	_ =	strace $0x90000048  }
0xbd: {  	_ =	sfence  }
0xbe: {  	s30 =	sld [smem:$0x0];
	_ =	sdelay $0x2  }
0xbf: {  	s31 =	sshll.u32 s1, $0xD;
	s1 =	sshrl.u32 s1, $0x2  }
0xc0: {  	s3 =	sand.u32 $0x4000, s31;
	s1 =	sadd.s32 s1, s30  }
0xc1: {  	s0 =	sor.u32 s3, s0;
	s1 =	sshll.u32 s1, $0x11  }
0xc2: {  	s0 =	sor.u32 s1, s0  }
0xc3: {  	s0 =	sadd.s32 $0x8F2B, s0  }
0xc4: {  	[sflag:s0] =	ssyncadd.remote.s32 $0x1  }
0xc5: {  	_ =	sfence.sel $0xFFFF  }
0xc6: {  	[dreg:$0x0] =	wrdreg $0xFFFFFFFF;
	(pc) =	sbr.abs _section_cstart, $3  }
0xc7: {  	[dreg:$0x1] =	wrdreg $0xFFFFFFFF  }
0xc8: {  	_ =	task.clear_ibuf [dreg:s8], $0x2FFFF;
	_ =	strace $0x9FFFFFFF  }
0xc9: {  	(tm) =	ssettm $0x7FFFFFFF  }
tec
execute0_lowered:
.L_overlay_start_1:
0x0: {  	(tag) =	ssettag $0x1  }
0x1: {  	s21 =	rddreg [dreg:$0x0]  }
0x2: {  	s0 =	rddreg [dreg:$0x1]  }
0x3: {  	s1 =	rddreg [dreg:$0x2];
	s3 =	simm.s32 $0x0  }
0x4: {  	[smem:$0x7FF] =	sst s3;
	s25 =	sadd.s32 $0x100, s21  }
0x5: {  	s15 =	sadd.s32 $0x7C000, s1;
	_ =	strace $0x80000047;
	[dreg:$0x7] =	wrdreg s25  }
0x6: {  	s16 =	sadd.s32 $0x7E000, s1;
	[dreg:$0x11] =	wrdreg s15  }
0x7: {  	s17 =	sadd.s32 $0x79000, s1;
	[dreg:$0x12] =	wrdreg s16  }
0x8: {  	s9 =	stileid.u32;
	s20 =	sadd.s32 $0x7B000, s1;
	[dreg:$0x13] =	wrdreg s17  }
0x9: {  	s2 =	srdreg.scid;
	s22 =	sadd.s32 $0x7D000, s1;
	[dreg:$0x14] =	wrdreg s20  }
0xa: {  	s4 =	sshll.u32 s9, $0xA;
	s26 =	sshll.u32 s9, $0x13;
	[dreg:$0x15] =	wrdreg s22  }
0xb: {  	s2 =	sand.u32 $0x1, s2;
	s10 =	sadd.s32 $0x200, s21;
	[dreg:$0xe] =	wrdreg s26  }
0xc: {  	s6 =	sshll.u32 s9, $0x6;
	s11 =	sadd.s32 $0x300, s21;
	[dreg:$0x8] =	wrdreg s10  }
0xd: {  	s12 =	sadd.s32 $0x400, s21;
	s13 =	sadd.s32 $0x500, s21;
	[dreg:$0x9] =	wrdreg s11  }
0xe: {  	s14 =	sadd.s32 $0x600, s21;
	s18 =	sadd.s32 $0x700, s21;
	[dreg:$0xa] =	wrdreg s12  }
0xf: {  	s19 =	sshll.u32 s9, $0x5;
	s28 =	sadd.s32 $0x900, s21;
	[dreg:$0xb] =	wrdreg s13  }
0x10: {  	s29 =	sadd.s32 $0xA00, s21;
	s30 =	sadd.s32 $0xB00, s21;
	[dreg:$0xc] =	wrdreg s14  }
0x11: {  	s31 =	sadd.s32 $0xC00, s21;
	s9 =	simm.s32 $0x7;
	[dreg:$0xd] =	wrdreg s18  }
0x12: {  	s4 =	sadd.s32 s4, s0;
	s5 =	ssub.s32 $0x2, s2;
	[dreg:$0x1b] =	wrdreg s28  }
0x13: {  	s7 =	sshll.u32 s2, $0x4;
	s6 =	sadd.s32 s6, s0;
	[dreg:$0x1c] =	wrdreg s29  }
0x14: {  	p0 =	seq.s32 s2, $0x1;
	s15 =	sadd.s32 $0xF00, s21;
	[dreg:$0x1d] =	wrdreg s30  }
0x15: {  	s25 =	sadd.s32 $0x1000, s21;
	s20 =	simm.s32 $0x8800;
	[dreg:$0x1e] =	wrdreg s31  }
0x16: {  	s2 =	simm.s32 $0x9000;
	s22 =	simm.s32 $0x11800;
	[smem:$0x7FB] =	sst s25  }
0x17: {  	v2 =	vlaneseq.u32;
	s17 =	simm.s32 $0x1;
	s4 =	sadd.s32 $0x1E00, s4;
	[smem:$0x7FD] =	sst s15  }
0x18: {  	v0 =	vimm.f32 $0.0e+00;
	vm1 =	vcmask $0x300;
	v3 =	vimm.s32 $0x380;
	s16 =	simm.s32 $0x0;
	s23 =	sadd.s32 $0x1600, s6;
	[dreg:$0x4] =	wrdreg s4  }
0x19: {  	vm0 =	vmmov $0xffff;
	vm2 =	vcmask $0x704;
	vm3 =	vcmask $0x2300;
	s8 =	sshrl.u32 s5, $0x1;
	s24 =	sadd.s32 $0x1A00, s6;
	[dreg:$0x5] =	wrdreg s23  }
0x1a: {  	vm4 =	vcmask $0x3B38;
	v1 =	vand.u32 $0x7, v2;
	v4 =	vsel vm1, $0x0, v3;
	s0 =	sadd.s32 s7, s0;
	s7 =	sadd.s32 $0x78000, s1;
	[dreg:$0x6] =	wrdreg s24  }
0x1b: {  	v2 =	vshrl.u32 v2, $0x3;
	v4 =	vsel vm2, $0x80, v4;
	vm2 =	vcmask $0xB08;
	s5 =	ssub.s32 s5, s8;
	[dreg:$0xf] =	wrdreg s7;
	s8 =	sadd.s32 $0x7A000, s1  }
0x1c: {  	vm1 =	vmmov $0xff;
	v4 =	vsel vm2, $0x100, v4;
	vm2 =	vcmask $0xF0C;
	s25 =	simm.s32 $0x4;
	s23 =	sadd.s32 $0x7F000, s1;
	[dreg:$0x10] =	wrdreg s8  }
0x1d: {  	v3 =	vsel vm3, $0x0, v3;
	s6 =	simm.s32 $0x3;
	s1 =	sadd.s32 s26, s1;
	v4 =	vsel vm2, $0x180, v4;
	vm2 =	vcmask $0x2724;
	[dreg:$0x16] =	wrdreg s23  }
0x1e: {  	vm3 =	vcmask $0x1310;
	s0 =	sadd.s32 s19, s0;
	s26 =	sadd.s32 $0x800, s21;
	v3 =	vsel vm2, $0x80, v3;
	vm2 =	vcmask $0x2B28;
	[dreg:$0x19] =	wrdreg s1  }
.Ltmp0:
0x1f: {  	v2 =	vmul.u32 $0x8, v2;
	s0 =	sadd.s32 $0x5E00, s0;
	[dreg:$0x1a] =	wrdreg s26;
	v3 =	vsel vm2, $0x100, v3;
	vm2 =	vcmask $0x2F2C;
	(pc) =	sbr.rel .LBB2_1-.Ltmp0, $4  }
0x20: {  	s7 =	simm.s32 $0x8000;
	s24 =	smax.u32 s5, $0x1;
	v4 =	vsel vm3, $0x200, v4;
	[dreg:$0x17] =	wrdreg s0;
	v3 =	vsel vm2, $0x180, v3;
	vm2 =	vcmask $0x3330  }
0x21: {  	s4 =	simm.s32 $0x2;
	s23 =	sadd.s32 $0xE00, s21;
	vm3 =	vcmask $0x1714;
	[dreg:$0x18] =	wrdreg s24;
	v3 =	vsel vm2, $0x200, v3;
	vm2 =	vcmask $0x3734  }
0x22: {  	s19 =	simm.s32 $0x5;
	s24 =	sadd.s32 $0xD00, s21;
	v4 =	vsel vm3, $0x280, v4;
	vm3 =	vcmask $0x1B18;
	[smem:$0x7FC] =	sst s23;
	v5 =	vsel vm2, $0x280, v3  }
0x23: {  	s5 =	simm.s32 $0xA800;
	s8 =	simm.s32 $0xB000;
	[dreg:$0x1f] =	wrdreg s24;
	v3 =	vsel vm3, $0x300, v4;
	vm2 =	vcmask $0x3F20;
	v4 =	vsel vm4, $0x300, v5  }
.LBB2_4:
0x24: {  	s0 =	smov.u32 s24;
	s24 =	rddreg [dreg:$0xf]  }
0x25: {  	s20 =	simm.s32 $0x13000;
	s2 =	smov.u32 s23;
	s23 =	rddreg [dreg:$0x10]  }
0x26: {  	s5 =	simm.s32 $0x12800;
	s7 =	smov.u32 s9;
	s1 =	rddreg [dreg:$0x11]  }
0x27: {  	s8 =	smov.u32 s10;
	s9 =	smov.u32 s11;
	s22 =	rddreg [dreg:$0x12]  }
0x28: {  	s10 =	smov.u32 s12;
	s11 =	smov.u32 s13;
	s16 =	sld [smem:$0x7FA]  }
0x29: {  	s12 =	smov.u32 s14;
	s13 =	smov.u32 s18;
	[smem:$0x7F8] =	sst s1  }
0x2a: {  	v5 =	vimm.s32 $0x0;
	s18 =	simm.s32 $0x2000;
	[smem:$0x7F9] =	sst s22;
	s22 =	simm.s32 $0x7  }
.LBB2_8:
0x2b: {  	v6 =	vld [tilespmem:$0x1A1E0]  }
0x2c: {  	v7 =	vld [tilespmem:$0x1A3E0];
	_ =	sdelay $0x3  }
0x2d: {  	v8 =	vshll.u32 v6, $0x3  }
0x2e: {  	vm3 =	veq.s32 v7, v5;
	v6 =	vand.u32 $0x7F, v6;
	v7 =	vand.u32 $0xFFFFFC00, v8  }
0x2f: {  	vm4 =	vmand vm3, vm1;
	v6 =	vor.u32 v6, v7  }
0x30: {  	v7 =	vor.u32 v3, v6;
	_ =	sdelay $0x1  }
0x31: {  	_ =	swait.ge [sflag:s17], $0x8000  }
0x32: {  	[sflag:s17] =	ssyncset.done $0x0  }
0x33: {  	[sflag:s17] =	ssyncadd.s32 $0xFFFF8000  }
0x34: {  	v7 =	vld.idx.msk [tilespmem:v7+s18+$0x0], vm4  }
0x35: {  	v61 =	vld [tilespmem:$0x1A400];
	_ =	sdelay $0x3  }
0x36: {  	v7 =	vnsel vm4, $0x0, v7  }
0x37: {  	v7 =	vadd.f32 v7, v61  }
0x38: {  	s1 =	rddreg [dreg:$0xe]  }
0x39: {  	s14 =	sadd.s32 s1, s24;
	s24 =	simm.s32 $0x6;
	[tilespmem:$0x1A400] =	vst v7  }
0x3a: {  	[hbm4b:s14+s3] =	stream.linear.scatter [tilespmem:s18], [sflag:$0x4], $0x8000, $0x38;
	[tilespmem:$0x1A480] =	vst v63  }
0x3b: {  	_ =	swait.ge [sflag:s24], $0x8000  }
0x3c: {  	[sflag:s24] =	ssyncset.done $0x0  }
0x3d: {  	[sflag:s24] =	ssyncadd.s32 $0xFFFF8000  }
0x3e: {  	v7 =	vld.msk [tilespmem:$0x1F00], $0xff;
	_ =	sdelay $0x4  }
0x3f: {  	v62 =	vshll.u32 v7, $0x6  }
0x40: {  	v7 =	vand.u32 $0x7, v7;
	v8 =	vand.u32 $0xFFFFFE00, v62  }
0x41: {  	v7 =	vor.u32 v7, v8  }
0x42: {  	v7 =	vperm.xlane v7, v1;
	_ =	sdelay $0x1  }
0x43: {  	v7 =	vadd.s32 v2, v7;
	_ =	sdelay $0x3  }
0x44: {  	s24 =	simm.s32 $0x12000  }
0x45: {  	[tilespmem:s24], [sflag:$0x3] =	stream.indirect_vreg.gather [hbm4b:s21+s3], $0x80, v7, vm0, $0xb8;
	[tilespmem:$0x1A480] =	vst v63  }
0x46: {  	_ = 	snop  }
0x47: {  	[tilespmem:s5], [sflag:$0x3] =	stream.indirect_vreg.gather [hbm4b:s7+s3], $0x80, v7, vm0, $0xb8;
	[tilespmem:$0x1A480] =	vst v63  }
0x48: {  	_ = 	snop  }
0x49: {  	[tilespmem:s20], [sflag:$0x3] =	stream.indirect_vreg.gather [hbm4b:s8+s3], $0x80, v7, vm0, $0xb8;
	[tilespmem:$0x1A480] =	vst v63  }
0x4a: {  	s24 =	simm.s32 $0x13800  }
0x4b: {  	[tilespmem:s24], [sflag:$0x3] =	stream.indirect_vreg.gather [hbm4b:s9+s3], $0x80, v7, vm0, $0xb8;
	[tilespmem:$0x1A480] =	vst v63  }
0x4c: {  	s14 =	simm.s32 $0x14000  }
0x4d: {  	[tilespmem:s14], [sflag:$0x3] =	stream.indirect_vreg.gather [hbm4b:s10+s3], $0x80, v7, vm0, $0xb8;
	[tilespmem:$0x1A480] =	vst v63  }
0x4e: {  	s20 =	simm.s32 $0x14800  }
0x4f: {  	[tilespmem:s20], [sflag:$0x3] =	stream.indirect_vreg.gather [hbm4b:s11+s3], $0x80, v7, vm0, $0xb8;
	[tilespmem:$0x1A480] =	vst v63  }
0x50: {  	s24 =	simm.s32 $0x15000  }
0x51: {  	[tilespmem:s24], [sflag:$0x3] =	stream.indirect_vreg.gather [hbm4b:s12+s3], $0x80, v7, vm0, $0xb8;
	[tilespmem:$0x1A480] =	vst v63  }
0x52: {  	s14 =	simm.s32 $0x15800  }
0x53: {  	[tilespmem:s14], [sflag:$0x3] =	stream.indirect_vreg.gather [hbm4b:s13+s3], $0x80, v7, vm0, $0xb8;
	[tilespmem:$0x1A480] =	vst v63  }
0x54: {  	s20 =	simm.s32 $0x16000  }
0x55: {  	[tilespmem:s20], [sflag:$0x3] =	stream.indirect_vreg.gather [hbm4b:s26+s3], $0x80, v7, vm0, $0xb8;
	[tilespmem:$0x1A480] =	vst v63  }
0x56: {  	s24 =	simm.s32 $0x16800  }
0x57: {  	[tilespmem:s24], [sflag:$0x3] =	stream.indirect_vreg.gather [hbm4b:s28+s3], $0x80, v7, vm0, $0xb8;
	[tilespmem:$0x1A480] =	vst v63  }
0x58: {  	s14 =	simm.s32 $0x17000  }
0x59: {  	[tilespmem:s14], [sflag:$0x3] =	stream.indirect_vreg.gather [hbm4b:s29+s3], $0x80, v7, vm0, $0xb8;
	[tilespmem:$0x1A480] =	vst v63  }
0x5a: {  	s20 =	simm.s32 $0x17800  }
0x5b: {  	[tilespmem:s20], [sflag:$0x3] =	stream.indirect_vreg.gather [hbm4b:s30+s3], $0x80, v7, vm0, $0xb8;
	[tilespmem:$0x1A480] =	vst v63  }
0x5c: {  	s24 =	simm.s32 $0x18000  }
0x5d: {  	[tilespmem:s24], [sflag:$0x3] =	stream.indirect_vreg.gather [hbm4b:s31+s3], $0x80, v7, vm0, $0xb8;
	[tilespmem:$0x1A480] =	vst v63  }
0x5e: {  	s14 =	simm.s32 $0x18800  }
0x5f: {  	[tilespmem:s14], [sflag:$0x3] =	stream.indirect_vreg.gather [hbm4b:s0+s3], $0x80, v7, vm0, $0xb8;
	[tilespmem:$0x1A480] =	vst v63  }
0x60: {  	s20 =	simm.s32 $0x19000  }
0x61: {  	vm3 =	vmand vm3, vm2;
	[tilespmem:s20], [sflag:$0x3] =	stream.indirect_vreg.gather [hbm4b:s2+s3], $0x80, v7, vm0, $0xb8;
	[tilespmem:$0x1A480] =	vst v63  }
0x62: {  	v6 =	vor.u32 v4, v6;
	s24 =	simm.s32 $0x19800  }
0x63: {  	[tilespmem:s24], [sflag:$0x3] =	stream.indirect_vreg.gather [hbm4b:s15+s3], $0x80, v7, vm0, $0xb8;
	[tilespmem:$0x1A480] =	vst v63  }
0x64: {  	_ =	swait.ge [sflag:s4], $0x8000  }
0x65: {  	[sflag:s4] =	ssyncset.done $0x0  }
0x66: {  	s14 =	simm.s32 $0xA000;
	[sflag:s4] =	ssyncadd.s32 $0xFFFF8000  }
0x67: {  	v6 =	vld.idx.msk [tilespmem:v6+s14+$0x0], vm3  }
0x68: {  	v7 =	vld [tilespmem:$0x1A400];
	_ =	sdelay $0x3  }
0x69: {  	v6 =	vnsel vm3, $0x0, v6  }
0x6a: {  	v6 =	vadd.f32 v6, v7;
	_ =	sdelay $0x1  }
0x6b: {  	s23 =	sadd.s32 s1, s23;
	[tilespmem:$0x1A400] =	vst v6  }
0x6c: {  	[hbm4b:s23+s3] =	stream.linear.scatter [tilespmem:s14], [sflag:$0x5], $0x8000, $0x38;
	[tilespmem:$0x1A480] =	vst v63  }
0x6d: {  	_ =	swait.ge [sflag:s25], $0x8000  }
0x6e: {  	[sflag:s25] =	ssyncset.done $0x0  }
0x6f: {  	[sflag:s25] =	ssyncadd.s32 $0xFFFF8000  }
0x70: {  	v6 =	vld.msk [tilespmem:$0x1F80], $0xff;
	_ =	sdelay $0x4  }
0x71: {  	v7 =	vshll.u32 v6, $0x6  }
0x72: {  	v6 =	vand.u32 $0x7, v6;
	v7 =	vand.u32 $0xFFFFFE00, v7  }
0x73: {  	v6 =	vor.u32 v6, v7  }
0x74: {  	v6 =	vperm.xlane v6, v1;
	_ =	sdelay $0x1  }
0x75: {  	v6 =	vadd.s32 v2, v6;
	_ =	sdelay $0x4  }
0x76: {  	[tilespmem:s18], [sflag:$0x1] =	stream.indirect_vreg.gather [hbm4b:s21+s3], $0x80, v6, vm0, $0xb8;
	[tilespmem:$0x1A480] =	vst v63  }
0x77: {  	s24 =	simm.s32 $0x2800  }
0x78: {  	[tilespmem:s24], [sflag:$0x1] =	stream.indirect_vreg.gather [hbm4b:s7+s3], $0x80, v6, vm0, $0xb8;
	[tilespmem:$0x1A480] =	vst v63  }
0x79: {  	s5 =	simm.s32 $0x3000  }
0x7a: {  	[tilespmem:s5], [sflag:$0x1] =	stream.indirect_vreg.gather [hbm4b:s8+s3], $0x80, v6, vm0, $0xb8;
	[tilespmem:$0x1A480] =	vst v63  }
0x7b: {  	s7 =	simm.s32 $0x3800  }
0x7c: {  	[tilespmem:s7], [sflag:$0x1] =	stream.indirect_vreg.gather [hbm4b:s9+s3], $0x80, v6, vm0, $0xb8;
	[tilespmem:$0x1A480] =	vst v63  }
0x7d: {  	s14 =	simm.s32 $0x4000  }
0x7e: {  	[tilespmem:s14], [sflag:$0x1] =	stream.indirect_vreg.gather [hbm4b:s10+s3], $0x80, v6, vm0, $0xb8;
	[tilespmem:$0x1A480] =	vst v63  }
0x7f: {  	s20 =	simm.s32 $0x4800  }
0x80: {  	[tilespmem:s20], [sflag:$0x1] =	stream.indirect_vreg.gather [hbm4b:s11+s3], $0x80, v6, vm0, $0xb8;
	[tilespmem:$0x1A480] =	vst v63  }
0x81: {  	s21 =	simm.s32 $0x5000  }
0x82: {  	[tilespmem:s21], [sflag:$0x1] =	stream.indirect_vreg.gather [hbm4b:s12+s3], $0x80, v6, vm0, $0xb8;
	[tilespmem:$0x1A480] =	vst v63  }
0x83: {  	s23 =	simm.s32 $0x5800  }
0x84: {  	[tilespmem:s23], [sflag:$0x1] =	stream.indirect_vreg.gather [hbm4b:s13+s3], $0x80, v6, vm0, $0xb8;
	[tilespmem:$0x1A480] =	vst v63  }
0x85: {  	s24 =	simm.s32 $0x6000  }
0x86: {  	[tilespmem:s24], [sflag:$0x1] =	stream.indirect_vreg.gather [hbm4b:s26+s3], $0x80, v6, vm0, $0xb8;
	[tilespmem:$0x1A480] =	vst v63  }
0x87: {  	s5 =	simm.s32 $0x6800  }
0x88: {  	[tilespmem:s5], [sflag:$0x1] =	stream.indirect_vreg.gather [hbm4b:s28+s3], $0x80, v6, vm0, $0xb8;
	[tilespmem:$0x1A480] =	vst v63  }
0x89: {  	s7 =	simm.s32 $0x7000  }
0x8a: {  	[tilespmem:s7], [sflag:$0x1] =	stream.indirect_vreg.gather [hbm4b:s29+s3], $0x80, v6, vm0, $0xb8;
	[tilespmem:$0x1A480] =	vst v63  }
0x8b: {  	s10 =	simm.s32 $0x7800  }
0x8c: {  	[tilespmem:s10], [sflag:$0x1] =	stream.indirect_vreg.gather [hbm4b:s30+s3], $0x80, v6, vm0, $0xb8;
	[tilespmem:$0x1A480] =	vst v63  }
0x8d: {  	s11 =	simm.s32 $0x8000  }
0x8e: {  	[tilespmem:s11], [sflag:$0x1] =	stream.indirect_vreg.gather [hbm4b:s31+s3], $0x80, v6, vm0, $0xb8;
	[tilespmem:$0x1A480] =	vst v63  }
0x8f: {  	s20 =	simm.s32 $0x8800  }
0x90: {  	[tilespmem:s20], [sflag:$0x1] =	stream.indirect_vreg.gather [hbm4b:s0+s3], $0x80, v6, vm0, $0xb8;
	[tilespmem:$0x1A480] =	vst v63  }
0x91: {  	s12 =	simm.s32 $0x9000  }
0x92: {  	[tilespmem:s12], [sflag:$0x1] =	stream.indirect_vreg.gather [hbm4b:s2+s3], $0x80, v6, vm0, $0xb8;
	[tilespmem:$0x1A480] =	vst v63  }
0x93: {  	s13 =	simm.s32 $0x9800  }
0x94: {  	[tilespmem:s13], [sflag:$0x1] =	stream.indirect_vreg.gather [hbm4b:s15+s3], $0x80, v6, vm0, $0xb8;
	[tilespmem:$0x1A480] =	vst v63  }
0x95: {  	v6 =	vld [tilespmem:$0x1A1F0]  }
0x96: {  	v7 =	vld [tilespmem:$0x1A3F0];
	_ =	sdelay $0x3  }
0x97: {  	v63 =	vshll.u32 v6, $0x3  }
0x98: {  	vm3 =	veq.s32 v7, v5;
	v5 =	vand.u32 $0x7F, v6;
	v6 =	vand.u32 $0xFFFFFC00, v63  }
0x99: {  	vm15 =	vmand vm3, vm1;
	v5 =	vor.u32 v5, v6  }
0x9a: {  	v6 =	vor.u32 v3, v5;
	_ =	sdelay $0x1  }
0x9b: {  	_ =	swait.ge [sflag:s6], $0x8000  }
0x9c: {  	[sflag:s6] =	ssyncset.done $0x0  }
0x9d: {  	s9 =	simm.s32 $0x12000;
	[sflag:s6] =	ssyncadd.s32 $0xFFFF8000  }
0x9e: {  	v6 =	vld.idx.msk [tilespmem:v6+s9+$0x0], vm15  }
0x9f: {  	v7 =	vld [tilespmem:$0x1A400];
	_ =	sdelay $0x3  }
0xa0: {  	s14 =	sld [smem:$0x7F8];
	v6 =	vnsel vm15, $0x0, v6  }
0xa1: {  	v6 =	vadd.f32 v6, v7;
	_ =	sdelay $0x1  }
0xa2: {  	s0 =	sadd.s32 s1, s14;
	[tilespmem:$0x1A400] =	vst v6  }
0xa3: {  	[hbm4b:s0+s3] =	stream.linear.scatter [tilespmem:s9], [sflag:$0x6], $0x8000, $0x38;
	[tilespmem:$0x1A480] =	vst v63  }
0xa4: {  	vm3 =	vmand vm3, vm2;
	_ =	swait.ge [sflag:s19], $0x8000  }
0xa5: {  	v5 =	vor.u32 v4, v5;
	[sflag:s19] =	ssyncset.done $0x0  }
0xa6: {  	[sflag:s19] =	ssyncadd.s32 $0xFFFF8000  }
0xa7: {  	_ =	swait.ge [sflag:s17], $0x8000  }
0xa8: {  	[sflag:s17] =	ssyncset.done $0x0  }
0xa9: {  	[sflag:s17] =	ssyncadd.s32 $0xFFFF8000  }
0xaa: {  	v5 =	vld.idx.msk [tilespmem:v5+s18+$0x0], vm3  }
0xab: {  	v6 =	vld [tilespmem:$0x1A400];
	_ =	sdelay $0x3  }
0xac: {  	s15 =	sld [smem:$0x7F9];
	v5 =	vnsel vm3, $0x0, v5  }
0xad: {  	v5 =	vadd.f32 v5, v6;
	_ =	sdelay $0x1  }
0xae: {  	s21 =	simm.s32 $0x6;
	s0 =	sadd.s32 s1, s15;
	[tilespmem:$0x1A400] =	vst v5  }
0xaf: {  	[hbm4b:s0+s3] =	stream.linear.scatter [tilespmem:s18], [sflag:$0x4], $0x8000, $0x38;
	[tilespmem:$0x1A480] =	vst v63  }
0xb0: {  	_ =	swait.ge [sflag:s21], $0x8000  }
0xb1: {  	[sflag:s21] =	ssyncset.done $0x0  }
0xb2: {  	[sflag:s21] =	ssyncadd.s32 $0xFFFF8000  }
0xb3: {  	_ =	swait.ge [sflag:s25], $0x8000  }
0xb4: {  	[sflag:s25] =	ssyncset.done $0x0  }
0xb5: {  	s24 =	simm.s32 $0x1A400;
	s23 =	rddreg [dreg:$0x17];
	[sflag:s25] =	ssyncadd.s32 $0xFFFF8000  }
0xb6: {  	[hbm4b:s23+s3] =	stream.linear.scatter [tilespmem:s24], [sflag:$0x7], $0x80, $0x38;
	[tilespmem:$0x1A480] =	vst v63  }
0xb7: {  	_ =	swait.ge [sflag:s22], $0x80  }
0xb8: {  	s26 =	rddreg [dreg:$0x18]  }
0xb9: {  	s10 =	rddreg [dreg:$0x8]  }
0xba: {  	s11 =	rddreg [dreg:$0x9]  }
0xbb: {  	s12 =	rddreg [dreg:$0xa]  }
0xbc: {  	s13 =	rddreg [dreg:$0xb]  }
0xbd: {  	s14 =	rddreg [dreg:$0xc]  }
0xbe: {  	s18 =	rddreg [dreg:$0xd]  }
0xbf: {  	s28 =	rddreg [dreg:$0x1b]  }
0xc0: {  	s29 =	rddreg [dreg:$0x1c]  }
0xc1: {  	s16 =	sadd.s32 $0x1, s16;
	s30 =	rddreg [dreg:$0x1d]  }
0xc2: {  	s31 =	rddreg [dreg:$0x1e];
	p1 =	sne.s32 s16, s26  }
.Ltmp1:
0xc3: {  	s24 =	rddreg [dreg:$0x1f];
	(pc) =	sbr.rel @!p1 .LBB2_9-.Ltmp1, $4  }
0xc4: {  	s8 =	simm.s32 $0xB000;
	s5 =	simm.s32 $0xA800;
	s23 =	sld [smem:$0x7FC]  }
0xc5: {  	s7 =	simm.s32 $0x8000;
	[sflag:s22] =	ssyncset.done $0x0;
	s15 =	sld [smem:$0x7FD]  }
0xc6: {  	s2 =	simm.s32 $0x9000;
	[sflag:s22] =	ssyncadd.s32 $0xFFFFFF80;
	s26 =	rddreg [dreg:$0x1a]  }
0xc7: {  	s9 =	simm.s32 $0x7;
	s22 =	simm.s32 $0x11800;
	s21 =	rddreg [dreg:$0x0]  }
.LBB2_1:
0xc8: {  	[smem:$0x7FA] =	sst s16  }
0xc9: {  	s0 =	rddreg [dreg:$0x4]  }
0xca: {  	[tilespmem:s3], [sflag:$0x7] =	stream.linear.gather [hbm4b:s0+s3], $0x2000, $0x38;
	[tilespmem:$0x1A480] =	vst v63  }
0xcb: {  	_ =	swait.ge [sflag:s9], $0x2000  }
0xcc: {  	[sflag:s9] =	ssyncset.done $0x0  }
0xcd: {  	s1 =	simm.s32 $0x1A000;
	s16 =	rddreg [dreg:$0x5];
	[sflag:s9] =	ssyncadd.s32 $0xFFFFE000  }
0xce: {  	[tilespmem:s1], [sflag:$0x7] =	stream.linear.gather [hbm4b:s16+s3], $0x200, $0x38;
	[tilespmem:$0x1A480] =	vst v63  }
0xcf: {  	_ =	swait.ge [sflag:s9], $0x200  }
0xd0: {  	[sflag:s9] =	ssyncset.done $0x0  }
0xd1: {  	s16 =	simm.s32 $0x1A200;
	s1 =	rddreg [dreg:$0x6];
	[sflag:s9] =	ssyncadd.s32 $0xFFFFFE00  }
0xd2: {  	[tilespmem:s16], [sflag:$0x7] =	stream.linear.gather [hbm4b:s1+s3], $0x200, $0x38;
	[tilespmem:$0x1A480] =	vst v63  }
.Ltmp2:
0xd3: {  	_ = 	snop;
	(pc) =	sbr.rel @!p0 .LBB2_2-.Ltmp2, $4  }
0xd4: {  	_ =	swait.ge [sflag:s9], $0x200  }
0xd5: {  	[sflag:s9] =	ssyncset.done $0x0  }
0xd6: {  	[sflag:s9] =	ssyncadd.s32 $0xFFFFFE00  }
0xd7: {  	[tilespmem:$0x1A400] =	vst v0  }
0xd8: {  	v5 =	vld.msk [tilespmem:$0x0], $0xff;
	_ =	sdelay $0x4  }
0xd9: {  	v6 =	vshll.u32 v5, $0x6  }
0xda: {  	v5 =	vand.u32 $0x7, v5;
	v6 =	vand.u32 $0xFFFFFE00, v6  }
0xdb: {  	v5 =	vor.u32 v5, v6  }
0xdc: {  	v5 =	vperm.xlane v5, v1;
	_ =	sdelay $0x1  }
0xdd: {  	v5 =	vadd.s32 v2, v5;
	_ =	sdelay $0x1  }
0xde: {  	s14 =	sld [smem:$0x7FB];
	_ =	sdelay $0x1  }
0xdf: {  	s5 =	simm.s32 $0x0;
	s18 =	simm.s32 $0x2000  }
0xe0: {  	[tilespmem:s18], [sflag:$0x1] =	stream.indirect_vreg.gather [hbm4b:s14+s5], $0x80, v5, vm0, $0xb8;
	[tilespmem:$0x1A480] =	vst v63  }
0xe1: {  	s0 =	simm.s32 $0x2800;
	s7 =	sadd.s32 $0x100, s14  }
0xe2: {  	[tilespmem:s0], [sflag:$0x1] =	stream.indirect_vreg.gather [hbm4b:s7+s5], $0x80, v5, vm0, $0xb8;
	[tilespmem:$0x1A480] =	vst v63  }
0xe3: {  	s19 =	simm.s32 $0x3000;
	s8 =	sadd.s32 $0x200, s14  }
0xe4: {  	[tilespmem:s19], [sflag:$0x1] =	stream.indirect_vreg.gather [hbm4b:s8+s5], $0x80, v5, vm0, $0xb8;
	[tilespmem:$0x1A480] =	vst v63  }
0xe5: {  	s21 =	simm.s32 $0x3800;
	s9 =	sadd.s32 $0x300, s14  }
0xe6: {  	[tilespmem:s21], [sflag:$0x1] =	stream.indirect_vreg.gather [hbm4b:s9+s5], $0x80, v5, vm0, $0xb8;
	[tilespmem:$0x1A480] =	vst v63  }
0xe7: {  	s23 =	simm.s32 $0x4000;
	s10 =	sadd.s32 $0x400, s14  }
0xe8: {  	[tilespmem:s23], [sflag:$0x1] =	stream.indirect_vreg.gather [hbm4b:s10+s5], $0x80, v5, vm0, $0xb8;
	[tilespmem:$0x1A480] =	vst v63  }
0xe9: {  	s24 =	simm.s32 $0x4800;
	s11 =	sadd.s32 $0x500, s14  }
0xea: {  	[tilespmem:s24], [sflag:$0x1] =	stream.indirect_vreg.gather [hbm4b:s11+s5], $0x80, v5, vm0, $0xb8;
	[tilespmem:$0x1A480] =	vst v63  }
0xeb: {  	s26 =	simm.s32 $0x5000;
	s12 =	sadd.s32 $0x600, s14  }
0xec: {  	[tilespmem:s26], [sflag:$0x1] =	stream.indirect_vreg.gather [hbm4b:s12+s5], $0x80, v5, vm0, $0xb8;
	[tilespmem:$0x1A480] =	vst v63  }
0xed: {  	s2 =	simm.s32 $0x5800;
	s13 =	sadd.s32 $0x700, s14  }
0xee: {  	[tilespmem:s2], [sflag:$0x1] =	stream.indirect_vreg.gather [hbm4b:s13+s5], $0x80, v5, vm0, $0xb8;
	[tilespmem:$0x1A480] =	vst v63  }
0xef: {  	s15 =	simm.s32 $0x6000;
	s26 =	sadd.s32 $0x800, s14  }
0xf0: {  	[tilespmem:s15], [sflag:$0x1] =	stream.indirect_vreg.gather [hbm4b:s26+s5], $0x80, v5, vm0, $0xb8;
	[tilespmem:$0x1A480] =	vst v63  }
0xf1: {  	s16 =	simm.s32 $0x6800;
	s28 =	sadd.s32 $0x900, s14  }
0xf2: {  	[tilespmem:s16], [sflag:$0x1] =	stream.indirect_vreg.gather [hbm4b:s28+s5], $0x80, v5, vm0, $0xb8;
	[tilespmem:$0x1A480] =	vst v63  }
0xf3: {  	s29 =	sadd.s32 $0xA00, s14;
	s19 =	simm.s32 $0x7000  }
0xf4: {  	[tilespmem:s19], [sflag:$0x1] =	stream.indirect_vreg.gather [hbm4b:s29+s5], $0x80, v5, vm0, $0xb8;
	[tilespmem:$0x1A480] =	vst v63  }
0xf5: {  	s30 =	sadd.s32 $0xB00, s14;
	s21 =	simm.s32 $0x7800  }
0xf6: {  	[tilespmem:s21], [sflag:$0x1] =	stream.indirect_vreg.gather [hbm4b:s30+s5], $0x80, v5, vm0, $0xb8;
	[tilespmem:$0x1A480] =	vst v63  }
0xf7: {  	s31 =	sadd.s32 $0xC00, s14;
	s23 =	simm.s32 $0x8000  }
0xf8: {  	[tilespmem:s23], [sflag:$0x1] =	stream.indirect_vreg.gather [hbm4b:s31+s5], $0x80, v5, vm0, $0xb8;
	[tilespmem:$0x1A480] =	vst v63  }
0xf9: {  	s0 =	sadd.s32 $0xD00, s14  }
0xfa: {  	[tilespmem:s20], [sflag:$0x1] =	stream.indirect_vreg.gather [hbm4b:s0+s5], $0x80, v5, vm0, $0xb8;
	[tilespmem:$0x1A480] =	vst v63  }
0xfb: {  	s2 =	sadd.s32 $0xE00, s14;
	s15 =	simm.s32 $0x9000  }
0xfc: {  	[tilespmem:s15], [sflag:$0x1] =	stream.indirect_vreg.gather [hbm4b:s2+s5], $0x80, v5, vm0, $0xb8;
	[tilespmem:$0x1A480] =	vst v63  }
0xfd: {  	s16 =	simm.s32 $0x9800;
	s15 =	sadd.s32 $0xF00, s14  }
0xfe: {  	[tilespmem:s16], [sflag:$0x1] =	stream.indirect_vreg.gather [hbm4b:s15+s5], $0x80, v5, vm0, $0xb8;
	[tilespmem:$0x1A480] =	vst v63  }
0xff: {  	v5 =	vld.msk [tilespmem:$0x80], $0xff;
	_ =	sdelay $0x4  }
0x100: {  	v6 =	vshll.u32 v5, $0x6  }
0x101: {  	v5 =	vand.u32 $0x7, v5;
	v6 =	vand.u32 $0xFFFFFE00, v6  }
0x102: {  	v5 =	vor.u32 v5, v6  }
0x103: {  	v5 =	vperm.xlane v5, v1;
	_ =	sdelay $0x1  }
0x104: {  	v5 =	vadd.s32 v2, v5;
	_ =	sdelay $0x3  }
0x105: {  	s24 =	simm.s32 $0xA000  }
0x106: {  	[tilespmem:s24], [sflag:$0x2] =	stream.indirect_vreg.gather [hbm4b:s14+s5], $0x80, v5, vm0, $0xb8;
	[tilespmem:$0x1A480] =	vst v63  }
0x107: {  	s1 =	simm.s32 $0xA800  }
0x108: {  	[tilespmem:s1], [sflag:$0x2] =	stream.indirect_vreg.gather [hbm4b:s7+s5], $0x80, v5, vm0, $0xb8;
	[tilespmem:$0x1A480] =	vst v63  }
0x109: {  	s6 =	simm.s32 $0xB000  }
0x10a: {  	[tilespmem:s6], [sflag:$0x2] =	stream.indirect_vreg.gather [hbm4b:s8+s5], $0x80, v5, vm0, $0xb8;
	[tilespmem:$0x1A480] =	vst v63  }
0x10b: {  	s19 =	simm.s32 $0xB800  }
0x10c: {  	[tilespmem:s19], [sflag:$0x2] =	stream.indirect_vreg.gather [hbm4b:s9+s5], $0x80, v5, vm0, $0xb8;
	[tilespmem:$0x1A480] =	vst v63  }
0x10d: {  	s20 =	simm.s32 $0xC000  }
0x10e: {  	[tilespmem:s20], [sflag:$0x2] =	stream.indirect_vreg.gather [hbm4b:s10+s5], $0x80, v5, vm0, $0xb8;
	[tilespmem:$0x1A480] =	vst v63  }
0x10f: {  	s21 =	simm.s32 $0xC800  }
0x110: {  	[tilespmem:s21], [sflag:$0x2] =	stream.indirect_vreg.gather [hbm4b:s11+s5], $0x80, v5, vm0, $0xb8;
	[tilespmem:$0x1A480] =	vst v63  }
0x111: {  	s23 =	simm.s32 $0xD000  }
0x112: {  	[tilespmem:s23], [sflag:$0x2] =	stream.indirect_vreg.gather [hbm4b:s12+s5], $0x80, v5, vm0, $0xb8;
	[tilespmem:$0x1A480] =	vst v63  }
0x113: {  	s24 =	simm.s32 $0xD800  }
0x114: {  	[tilespmem:s24], [sflag:$0x2] =	stream.indirect_vreg.gather [hbm4b:s13+s5], $0x80, v5, vm0, $0xb8;
	[tilespmem:$0x1A480] =	vst v63  }
0x115: {  	s6 =	simm.s32 $0xE000  }
0x116: {  	[tilespmem:s6], [sflag:$0x2] =	stream.indirect_vreg.gather [hbm4b:s26+s5], $0x80, v5, vm0, $0xb8;
	[tilespmem:$0x1A480] =	vst v63  }
0x117: {  	s16 =	simm.s32 $0xE800  }
0x118: {  	[tilespmem:s16], [sflag:$0x2] =	stream.indirect_vreg.gather [hbm4b:s28+s5], $0x80, v5, vm0, $0xb8;
	[tilespmem:$0x1A480] =	vst v63  }
0x119: {  	s19 =	simm.s32 $0xF000  }
0x11a: {  	[tilespmem:s19], [sflag:$0x2] =	stream.indirect_vreg.gather [hbm4b:s29+s5], $0x80, v5, vm0, $0xb8;
	[tilespmem:$0x1A480] =	vst v63  }
0x11b: {  	s20 =	simm.s32 $0xF800  }
0x11c: {  	[tilespmem:s20], [sflag:$0x2] =	stream.indirect_vreg.gather [hbm4b:s30+s5], $0x80, v5, vm0, $0xb8;
	[tilespmem:$0x1A480] =	vst v63  }
0x11d: {  	s21 =	simm.s32 $0x10000  }
0x11e: {  	[tilespmem:s21], [sflag:$0x2] =	stream.indirect_vreg.gather [hbm4b:s31+s5], $0x80, v5, vm0, $0xb8;
	[tilespmem:$0x1A480] =	vst v63  }
0x11f: {  	s23 =	simm.s32 $0x10800  }
0x120: {  	[tilespmem:s23], [sflag:$0x2] =	stream.indirect_vreg.gather [hbm4b:s0+s5], $0x80, v5, vm0, $0xb8;
	[tilespmem:$0x1A480] =	vst v63  }
0x121: {  	s1 =	simm.s32 $0x200;
	s24 =	simm.s32 $0x11000  }
0x122: {  	[tilespmem:s24], [sflag:$0x2] =	stream.indirect_vreg.gather [hbm4b:s2+s5], $0x80, v5, vm0, $0xb8;
	[tilespmem:$0x1A480] =	vst v63  }
0x123: {  	s20 =	simm.s32 $0x12000;
	s21 =	simm.s32 $0x1A020;
	s23 =	simm.s32 $0x1A220  }
0x124: {  	[tilespmem:s22], [sflag:$0x2] =	stream.indirect_vreg.gather [hbm4b:s15+s5], $0x80, v5, vm0, $0xb8;
	[tilespmem:$0x1A480] =	vst v63  }
.LBB2_6:
0x125: {  	p1 =	seq.s32 s5, $0x0  }
0x126: {  	v5 =	vld [tilespmem:s21+$0xFFFFFFE0];
	s24 =	simm.s32 @!p1 $0x6  }
0x127: {  	v6 =	vld [tilespmem:s23+$0xFFFFFFE0];
	_ =	swait.ge @!p1 [sflag:s24], $0x8000  }
0x128: {  	[sflag:s24] =	ssyncset.done @!p1 $0x0  }
0x129: {  	[sflag:s24] =	ssyncadd.s32 @!p1 $0xFFFF8000  }
0x12a: {  	v7 =	vld.msk [tilespmem:s1+$0xFFFFFF00], $0xff;
	_ =	sdelay $0x4  }
0x12b: {  	v8 =	vshll.u32 v7, $0x6  }
0x12c: {  	v7 =	vand.u32 $0x7, v7;
	v8 =	vand.u32 $0xFFFFFE00, v8  }
0x12d: {  	v7 =	vor.u32 v7, v8  }
0x12e: {  	v7 =	vperm.xlane v7, v1;
	_ =	sdelay $0x1  }
0x12f: {  	v7 =	vadd.s32 v2, v7;
	_ =	sdelay $0x4  }
0x130: {  	[tilespmem:s20], [sflag:$0x3] =	stream.indirect_vreg.gather [hbm4b:s14+s3], $0x80, v7, vm0, $0xb8;
	[tilespmem:$0x1A480] =	vst v63  }
0x131: {  	s19 =	simm.s32 $0x12800  }
0x132: {  	[tilespmem:s19], [sflag:$0x3] =	stream.indirect_vreg.gather [hbm4b:s7+s3], $0x80, v7, vm0, $0xb8;
	[tilespmem:$0x1A480] =	vst v63  }
0x133: {  	s6 =	simm.s32 $0x13000  }
0x134: {  	[tilespmem:s6], [sflag:$0x3] =	stream.indirect_vreg.gather [hbm4b:s8+s3], $0x80, v7, vm0, $0xb8;
	[tilespmem:$0x1A480] =	vst v63  }
0x135: {  	s16 =	simm.s32 $0x13800  }
0x136: {  	[tilespmem:s16], [sflag:$0x3] =	stream.indirect_vreg.gather [hbm4b:s9+s3], $0x80, v7, vm0, $0xb8;
	[tilespmem:$0x1A480] =	vst v63  }
0x137: {  	s22 =	simm.s32 $0x14000  }
0x138: {  	[tilespmem:s22], [sflag:$0x3] =	stream.indirect_vreg.gather [hbm4b:s10+s3], $0x80, v7, vm0, $0xb8;
	[tilespmem:$0x1A480] =	vst v63  }
0x139: {  	s24 =	simm.s32 $0x14800  }
0x13a: {  	[tilespmem:s24], [sflag:$0x3] =	stream.indirect_vreg.gather [hbm4b:s11+s3], $0x80, v7, vm0, $0xb8;
	[tilespmem:$0x1A480] =	vst v63  }
0x13b: {  	s14 =	simm.s32 $0x15000  }
0x13c: {  	[tilespmem:s14], [sflag:$0x3] =	stream.indirect_vreg.gather [hbm4b:s12+s3], $0x80, v7, vm0, $0xb8;
	[tilespmem:$0x1A480] =	vst v63  }
0x13d: {  	s16 =	simm.s32 $0x15800  }
0x13e: {  	[tilespmem:s16], [sflag:$0x3] =	stream.indirect_vreg.gather [hbm4b:s13+s3], $0x80, v7, vm0, $0xb8;
	[tilespmem:$0x1A480] =	vst v63  }
0x13f: {  	s22 =	simm.s32 $0x16000  }
0x140: {  	[tilespmem:s22], [sflag:$0x3] =	stream.indirect_vreg.gather [hbm4b:s26+s3], $0x80, v7, vm0, $0xb8;
	[tilespmem:$0x1A480] =	vst v63  }
0x141: {  	s24 =	simm.s32 $0x16800  }
0x142: {  	[tilespmem:s24], [sflag:$0x3] =	stream.indirect_vreg.gather [hbm4b:s28+s3], $0x80, v7, vm0, $0xb8;
	[tilespmem:$0x1A480] =	vst v63  }
0x143: {  	s14 =	simm.s32 $0x17000  }
0x144: {  	[tilespmem:s14], [sflag:$0x3] =	stream.indirect_vreg.gather [hbm4b:s29+s3], $0x80, v7, vm0, $0xb8;
	[tilespmem:$0x1A480] =	vst v63  }
0x145: {  	s16 =	simm.s32 $0x17800  }
0x146: {  	[tilespmem:s16], [sflag:$0x3] =	stream.indirect_vreg.gather [hbm4b:s30+s3], $0x80, v7, vm0, $0xb8;
	[tilespmem:$0x1A480] =	vst v63  }
0x147: {  	s22 =	simm.s32 $0x18000  }
0x148: {  	[tilespmem:s22], [sflag:$0x3] =	stream.indirect_vreg.gather [hbm4b:s31+s3], $0x80, v7, vm0, $0xb8;
	[tilespmem:$0x1A480] =	vst v63  }
0x149: {  	s24 =	simm.s32 $0x18800  }
0x14a: {  	v63 =	vshll.u32 v5, $0x3;
	[tilespmem:s24], [sflag:$0x3] =	stream.indirect_vreg.gather [hbm4b:s0+s3], $0x80, v7, vm0, $0xb8;
	[tilespmem:$0x1A480] =	vst v63  }
0x14b: {  	vm3 =	veq.s32 v6, $0x1;
	v5 =	vand.u32 $0x7F, v5;
	v6 =	vand.u32 $0xFFFFFC00, v63;
	s14 =	simm.s32 $0x19000  }
0x14c: {  	vm4 =	vmand vm3, vm1;
	v5 =	vor.u32 v5, v6;
	[tilespmem:s14], [sflag:$0x3] =	stream.indirect_vreg.gather [hbm4b:s2+s3], $0x80, v7, vm0, $0xb8;
	[tilespmem:$0x1A480] =	vst v63  }
0x14d: {  	v6 =	vor.u32 v3, v5;
	s16 =	simm.s32 $0x19800  }
0x14e: {  	[tilespmem:s16], [sflag:$0x3] =	stream.indirect_vreg.gather [hbm4b:s15+s3], $0x80, v7, vm0, $0xb8;
	[tilespmem:$0x1A480] =	vst v63  }
0x14f: {  	_ =	swait.ge [sflag:s17], $0x8000  }
0x150: {  	[sflag:s17] =	ssyncset.done $0x0  }
0x151: {  	[sflag:s17] =	ssyncadd.s32 $0xFFFF8000  }
0x152: {  	v6 =	vld.idx.msk [tilespmem:v6+s18+$0x0], vm4  }
0x153: {  	v7 =	vld [tilespmem:$0x1A400];
	_ =	sdelay $0x3  }
0x154: {  	v6 =	vnsel vm4, $0x0, v6  }
0x155: {  	s17 =	rddreg [dreg:$0x19];
	v6 =	vadd.f32 v6, v7  }
0x156: {  	vm3 =	vmand vm3, vm2;
	s24 =	sadd.s32 s5, s17  }
0x157: {  	v5 =	vor.u32 v4, v5;
	s22 =	sadd.s32 $0x1000, s24;
	[tilespmem:$0x1A400] =	vst v6  }
0x158: {  	[hbm4b:s22+s3] =	stream.linear.scatter [tilespmem:s18], [sflag:$0x4], $0x8000, $0x38;
	[tilespmem:$0x1A480] =	vst v63  }
0x159: {  	_ =	swait.ge [sflag:s4], $0x8000  }
0x15a: {  	[sflag:s4] =	ssyncset.done $0x0  }
0x15b: {  	s16 =	simm.s32 $0xA000;
	[sflag:s4] =	ssyncadd.s32 $0xFFFF8000  }
0x15c: {  	v5 =	vld.idx.msk [tilespmem:v5+s16+$0x0], vm3  }
0x15d: {  	v6 =	vld [tilespmem:$0x1A400];
	_ =	sdelay $0x3  }
0x15e: {  	v5 =	vnsel vm3, $0x0, v5  }
0x15f: {  	v5 =	vadd.f32 v5, v6;
	_ =	sdelay $0x1  }
0x160: {  	s6 =	sadd.s32 $0x3000, s24;
	[tilespmem:$0x1A400] =	vst v5  }
0x161: {  	[hbm4b:s6+s3] =	stream.linear.scatter [tilespmem:s16], [sflag:$0x5], $0x8000, $0x38;
	[tilespmem:$0x1A480] =	vst v63  }
0x162: {  	_ =	swait.ge [sflag:s25], $0x8000  }
0x163: {  	[sflag:s25] =	ssyncset.done $0x0  }
0x164: {  	[sflag:s25] =	ssyncadd.s32 $0xFFFF8000  }
0x165: {  	v5 =	vld.msk [tilespmem:s1+$0xFFFFFF80], $0xff;
	_ =	sdelay $0x4  }
0x166: {  	v6 =	vshll.u32 v5, $0x6  }
0x167: {  	v5 =	vand.u32 $0x7, v5;
	v6 =	vand.u32 $0xFFFFFE00, v6  }
0x168: {  	v5 =	vor.u32 v5, v6  }
0x169: {  	v5 =	vperm.xlane v5, v1;
	_ =	sdelay $0x1  }
0x16a: {  	v5 =	vadd.s32 v2, v5;
	_ =	sdelay $0x1  }
0x16b: {  	s17 =	sld [smem:$0x7FB];
	_ =	sdelay $0x2  }
0x16c: {  	[tilespmem:s18], [sflag:$0x1] =	stream.indirect_vreg.gather [hbm4b:s17+s3], $0x80, v5, vm0, $0xb8;
	[tilespmem:$0x1A480] =	vst v63  }
0x16d: {  	s22 =	simm.s32 $0x2800  }
0x16e: {  	[tilespmem:s22], [sflag:$0x1] =	stream.indirect_vreg.gather [hbm4b:s7+s3], $0x80, v5, vm0, $0xb8;
	[tilespmem:$0x1A480] =	vst v63  }
0x16f: {  	s4 =	simm.s32 $0x3000  }
0x170: {  	[tilespmem:s4], [sflag:$0x1] =	stream.indirect_vreg.gather [hbm4b:s8+s3], $0x80, v5, vm0, $0xb8;
	[tilespmem:$0x1A480] =	vst v63  }
0x171: {  	s22 =	simm.s32 $0x3800  }
0x172: {  	[tilespmem:s22], [sflag:$0x1] =	stream.indirect_vreg.gather [hbm4b:s9+s3], $0x80, v5, vm0, $0xb8;
	[tilespmem:$0x1A480] =	vst v63  }
0x173: {  	s25 =	simm.s32 $0x4000  }
0x174: {  	[tilespmem:s25], [sflag:$0x1] =	stream.indirect_vreg.gather [hbm4b:s10+s3], $0x80, v5, vm0, $0xb8;
	[tilespmem:$0x1A480] =	vst v63  }
0x175: {  	s25 =	simm.s32 $0x4800  }
0x176: {  	[tilespmem:s25], [sflag:$0x1] =	stream.indirect_vreg.gather [hbm4b:s11+s3], $0x80, v5, vm0, $0xb8;
	[tilespmem:$0x1A480] =	vst v63  }
0x177: {  	s25 =	simm.s32 $0x5000  }
0x178: {  	[tilespmem:s25], [sflag:$0x1] =	stream.indirect_vreg.gather [hbm4b:s12+s3], $0x80, v5, vm0, $0xb8;
	[tilespmem:$0x1A480] =	vst v63  }
0x179: {  	s25 =	simm.s32 $0x5800  }
0x17a: {  	[tilespmem:s25], [sflag:$0x1] =	stream.indirect_vreg.gather [hbm4b:s13+s3], $0x80, v5, vm0, $0xb8;
	[tilespmem:$0x1A480] =	vst v63  }
0x17b: {  	s25 =	simm.s32 $0x6000  }
0x17c: {  	[tilespmem:s25], [sflag:$0x1] =	stream.indirect_vreg.gather [hbm4b:s26+s3], $0x80, v5, vm0, $0xb8;
	[tilespmem:$0x1A480] =	vst v63  }
0x17d: {  	s25 =	simm.s32 $0x6800  }
0x17e: {  	[tilespmem:s25], [sflag:$0x1] =	stream.indirect_vreg.gather [hbm4b:s28+s3], $0x80, v5, vm0, $0xb8;
	[tilespmem:$0x1A480] =	vst v63  }
0x17f: {  	s25 =	simm.s32 $0x7000  }
0x180: {  	[tilespmem:s25], [sflag:$0x1] =	stream.indirect_vreg.gather [hbm4b:s29+s3], $0x80, v5, vm0, $0xb8;
	[tilespmem:$0x1A480] =	vst v63  }
0x181: {  	s25 =	simm.s32 $0x7800  }
0x182: {  	[tilespmem:s25], [sflag:$0x1] =	stream.indirect_vreg.gather [hbm4b:s30+s3], $0x80, v5, vm0, $0xb8;
	[tilespmem:$0x1A480] =	vst v63  }
0x183: {  	s25 =	simm.s32 $0x8000  }
0x184: {  	[tilespmem:s25], [sflag:$0x1] =	stream.indirect_vreg.gather [hbm4b:s31+s3], $0x80, v5, vm0, $0xb8;
	[tilespmem:$0x1A480] =	vst v63  }
0x185: {  	s25 =	simm.s32 $0x8800  }
0x186: {  	[tilespmem:s25], [sflag:$0x1] =	stream.indirect_vreg.gather [hbm4b:s0+s3], $0x80, v5, vm0, $0xb8;
	[tilespmem:$0x1A480] =	vst v63  }
0x187: {  	s25 =	simm.s32 $0x9000  }
0x188: {  	[tilespmem:s25], [sflag:$0x1] =	stream.indirect_vreg.gather [hbm4b:s2+s3], $0x80, v5, vm0, $0xb8;
	[tilespmem:$0x1A480] =	vst v63  }
0x189: {  	s25 =	simm.s32 $0x9800  }
0x18a: {  	[tilespmem:s25], [sflag:$0x1] =	stream.indirect_vreg.gather [hbm4b:s15+s3], $0x80, v5, vm0, $0xb8;
	[tilespmem:$0x1A480] =	vst v63  }
0x18b: {  	v5 =	vld [tilespmem:s21+$0xFFFFFFF0]  }
0x18c: {  	v6 =	vld [tilespmem:s23+$0xFFFFFFF0];
	_ =	sdelay $0x3  }
0x18d: {  	v7 =	vshll.u32 v5, $0x3  }
0x18e: {  	vm3 =	veq.s32 v6, $0x1;
	v5 =	vand.u32 $0x7F, v5;
	v6 =	vand.u32 $0xFFFFFC00, v7  }
0x18f: {  	vm14 =	vmand vm3, vm1;
	v5 =	vor.u32 v5, v6  }
0x190: {  	v6 =	vor.u32 v3, v5  }
0x191: {  	s14 =	simm.s32 $0x3  }
0x192: {  	_ =	swait.ge [sflag:s14], $0x8000  }
0x193: {  	[sflag:s14] =	ssyncset.done $0x0  }
0x194: {  	[sflag:s14] =	ssyncadd.s32 $0xFFFF8000  }
0x195: {  	v6 =	vld.idx.msk [tilespmem:v6+s20+$0x0], vm14  }
0x196: {  	v7 =	vld [tilespmem:$0x1A400];
	_ =	sdelay $0x3  }
0x197: {  	v6 =	vnsel vm14, $0x0, v6  }
0x198: {  	v6 =	vadd.f32 v6, v7;
	_ =	sdelay $0x1  }
0x199: {  	s17 =	simm.s32 $0x5;
	s22 =	sadd.s32 $0x5000, s24;
	[tilespmem:$0x1A400] =	vst v6  }
0x19a: {  	[hbm4b:s22+s3] =	stream.linear.scatter [tilespmem:s20], [sflag:$0x6], $0x8000, $0x38;
	[tilespmem:$0x1A480] =	vst v63  }
0x19b: {  	_ =	swait.ge [sflag:s17], $0x8000  }
0x19c: {  	[sflag:s17] =	ssyncset.done $0x0  }
0x19d: {  	[sflag:s17] =	ssyncadd.s32 $0xFFFF8000  }
0x19e: {  	v6 =	vld.msk [tilespmem:s1+$0x0], $0xff;
	_ =	sdelay $0x4  }
0x19f: {  	v7 =	vshll.u32 v6, $0x6  }
0x1a0: {  	v6 =	vand.u32 $0x7, v6;
	v7 =	vand.u32 $0xFFFFFE00, v7  }
0x1a1: {  	v6 =	vor.u32 v6, v7  }
0x1a2: {  	v6 =	vperm.xlane v6, v1;
	_ =	sdelay $0x1  }
0x1a3: {  	v6 =	vadd.s32 v2, v6;
	_ =	sdelay $0x1  }
0x1a4: {  	s25 =	sld [smem:$0x7FB];
	_ =	sdelay $0x2  }
0x1a5: {  	[tilespmem:s16], [sflag:$0x2] =	stream.indirect_vreg.gather [hbm4b:s25+s3], $0x80, v6, vm0, $0xb8;
	[tilespmem:$0x1A480] =	vst v63  }
0x1a6: {  	s25 =	simm.s32 $0xA800  }
0x1a7: {  	[tilespmem:s25], [sflag:$0x2] =	stream.indirect_vreg.gather [hbm4b:s7+s3], $0x80, v6, vm0, $0xb8;
	[tilespmem:$0x1A480] =	vst v63  }
0x1a8: {  	s14 =	simm.s32 $0xB000  }
0x1a9: {  	[tilespmem:s14], [sflag:$0x2] =	stream.indirect_vreg.gather [hbm4b:s8+s3], $0x80, v6, vm0, $0xb8;
	[tilespmem:$0x1A480] =	vst v63  }
0x1aa: {  	s14 =	simm.s32 $0xB800  }
0x1ab: {  	[tilespmem:s14], [sflag:$0x2] =	stream.indirect_vreg.gather [hbm4b:s9+s3], $0x80, v6, vm0, $0xb8;
	[tilespmem:$0x1A480] =	vst v63  }
0x1ac: {  	s14 =	simm.s32 $0xC000  }
0x1ad: {  	[tilespmem:s14], [sflag:$0x2] =	stream.indirect_vreg.gather [hbm4b:s10+s3], $0x80, v6, vm0, $0xb8;
	[tilespmem:$0x1A480] =	vst v63  }
0x1ae: {  	s14 =	simm.s32 $0xC800  }
0x1af: {  	[tilespmem:s14], [sflag:$0x2] =	stream.indirect_vreg.gather [hbm4b:s11+s3], $0x80, v6, vm0, $0xb8;
	[tilespmem:$0x1A480] =	vst v63  }
0x1b0: {  	s14 =	simm.s32 $0xD000  }
0x1b1: {  	[tilespmem:s14], [sflag:$0x2] =	stream.indirect_vreg.gather [hbm4b:s12+s3], $0x80, v6, vm0, $0xb8;
	[tilespmem:$0x1A480] =	vst v63  }
0x1b2: {  	s14 =	simm.s32 $0xD800  }
0x1b3: {  	[tilespmem:s14], [sflag:$0x2] =	stream.indirect_vreg.gather [hbm4b:s13+s3], $0x80, v6, vm0, $0xb8;
	[tilespmem:$0x1A480] =	vst v63  }
0x1b4: {  	s14 =	simm.s32 $0xE000  }
0x1b5: {  	[tilespmem:s14], [sflag:$0x2] =	stream.indirect_vreg.gather [hbm4b:s26+s3], $0x80, v6, vm0, $0xb8;
	[tilespmem:$0x1A480] =	vst v63  }
0x1b6: {  	s14 =	simm.s32 $0xE800  }
0x1b7: {  	[tilespmem:s14], [sflag:$0x2] =	stream.indirect_vreg.gather [hbm4b:s28+s3], $0x80, v6, vm0, $0xb8;
	[tilespmem:$0x1A480] =	vst v63  }
0x1b8: {  	s14 =	simm.s32 $0xF000  }
0x1b9: {  	[tilespmem:s14], [sflag:$0x2] =	stream.indirect_vreg.gather [hbm4b:s29+s3], $0x80, v6, vm0, $0xb8;
	[tilespmem:$0x1A480] =	vst v63  }
0x1ba: {  	s14 =	simm.s32 $0xF800  }
0x1bb: {  	[tilespmem:s14], [sflag:$0x2] =	stream.indirect_vreg.gather [hbm4b:s30+s3], $0x80, v6, vm0, $0xb8;
	[tilespmem:$0x1A480] =	vst v63  }
0x1bc: {  	s14 =	simm.s32 $0x10000  }
0x1bd: {  	[tilespmem:s14], [sflag:$0x2] =	stream.indirect_vreg.gather [hbm4b:s31+s3], $0x80, v6, vm0, $0xb8;
	[tilespmem:$0x1A480] =	vst v63  }
0x1be: {  	s14 =	simm.s32 $0x10800  }
0x1bf: {  	[tilespmem:s14], [sflag:$0x2] =	stream.indirect_vreg.gather [hbm4b:s0+s3], $0x80, v6, vm0, $0xb8;
	[tilespmem:$0x1A480] =	vst v63  }
0x1c0: {  	s14 =	simm.s32 $0x11000  }
0x1c1: {  	vm3 =	vmand vm3, vm2;
	[tilespmem:s14], [sflag:$0x2] =	stream.indirect_vreg.gather [hbm4b:s2+s3], $0x80, v6, vm0, $0xb8;
	[tilespmem:$0x1A480] =	vst v63  }
0x1c2: {  	v5 =	vor.u32 v4, v5;
	s17 =	simm.s32 $0x1;
	s14 =	simm.s32 $0x11800  }
0x1c3: {  	[tilespmem:s14], [sflag:$0x2] =	stream.indirect_vreg.gather [hbm4b:s15+s3], $0x80, v6, vm0, $0xb8;
	[tilespmem:$0x1A480] =	vst v63  }
0x1c4: {  	_ =	swait.ge [sflag:s17], $0x8000  }
0x1c5: {  	[sflag:s17] =	ssyncset.done $0x0  }
0x1c6: {  	[sflag:s17] =	ssyncadd.s32 $0xFFFF8000  }
0x1c7: {  	v5 =	vld.idx.msk [tilespmem:v5+s18+$0x0], vm3  }
0x1c8: {  	v6 =	vld [tilespmem:$0x1A400];
	_ =	sdelay $0x3  }
0x1c9: {  	v5 =	vnsel vm3, $0x0, v5  }
0x1ca: {  	v5 =	vadd.f32 v5, v6;
	_ =	sdelay $0x1  }
0x1cb: {  	s14 =	sadd.s32 $0x7000, s24;
	[tilespmem:$0x1A400] =	vst v5  }
0x1cc: {  	[hbm4b:s14+s3] =	stream.linear.scatter [tilespmem:s18], [sflag:$0x4], $0x8000, $0x38;
	[tilespmem:$0x1A480] =	vst v63  }
0x1cd: {  	s14 =	simm.s32 $0x6  }
0x1ce: {  	_ =	swait.ge [sflag:s14], $0x8000  }
0x1cf: {  	[sflag:s14] =	ssyncset.done $0x0  }
0x1d0: {  	[sflag:s14] =	ssyncadd.s32 $0xFFFF8000  }
0x1d1: {  	v5 =	vld.msk [tilespmem:s1+$0x80], $0xff;
	_ =	sdelay $0x4  }
0x1d2: {  	v6 =	vshll.u32 v5, $0x6  }
0x1d3: {  	v5 =	vand.u32 $0x7, v5;
	v6 =	vand.u32 $0xFFFFFE00, v6  }
0x1d4: {  	v5 =	vor.u32 v5, v6  }
0x1d5: {  	v5 =	vperm.xlane v5, v1;
	_ =	sdelay $0x1  }
0x1d6: {  	v5 =	vadd.s32 v2, v5;
	_ =	sdelay $0x1  }
0x1d7: {  	s14 =	sld [smem:$0x7FB];
	_ =	sdelay $0x2  }
0x1d8: {  	[tilespmem:s20], [sflag:$0x3] =	stream.indirect_vreg.gather [hbm4b:s14+s3], $0x80, v5, vm0, $0xb8;
	[tilespmem:$0x1A480] =	vst v63  }
0x1d9: {  	_ = 	snop  }
0x1da: {  	[tilespmem:s19], [sflag:$0x3] =	stream.indirect_vreg.gather [hbm4b:s7+s3], $0x80, v5, vm0, $0xb8;
	[tilespmem:$0x1A480] =	vst v63  }
0x1db: {  	s19 =	simm.s32 $0x13000  }
0x1dc: {  	[tilespmem:s19], [sflag:$0x3] =	stream.indirect_vreg.gather [hbm4b:s8+s3], $0x80, v5, vm0, $0xb8;
	[tilespmem:$0x1A480] =	vst v63  }
0x1dd: {  	s19 =	simm.s32 $0x13800  }
0x1de: {  	[tilespmem:s19], [sflag:$0x3] =	stream.indirect_vreg.gather [hbm4b:s9+s3], $0x80, v5, vm0, $0xb8;
	[tilespmem:$0x1A480] =	vst v63  }
0x1df: {  	s19 =	simm.s32 $0x14000  }
0x1e0: {  	[tilespmem:s19], [sflag:$0x3] =	stream.indirect_vreg.gather [hbm4b:s10+s3], $0x80, v5, vm0, $0xb8;
	[tilespmem:$0x1A480] =	vst v63  }
0x1e1: {  	s19 =	simm.s32 $0x14800  }
0x1e2: {  	[tilespmem:s19], [sflag:$0x3] =	stream.indirect_vreg.gather [hbm4b:s11+s3], $0x80, v5, vm0, $0xb8;
	[tilespmem:$0x1A480] =	vst v63  }
0x1e3: {  	s19 =	simm.s32 $0x15000  }
0x1e4: {  	[tilespmem:s19], [sflag:$0x3] =	stream.indirect_vreg.gather [hbm4b:s12+s3], $0x80, v5, vm0, $0xb8;
	[tilespmem:$0x1A480] =	vst v63  }
0x1e5: {  	s19 =	simm.s32 $0x15800  }
0x1e6: {  	[tilespmem:s19], [sflag:$0x3] =	stream.indirect_vreg.gather [hbm4b:s13+s3], $0x80, v5, vm0, $0xb8;
	[tilespmem:$0x1A480] =	vst v63  }
0x1e7: {  	s19 =	simm.s32 $0x16000  }
0x1e8: {  	[tilespmem:s19], [sflag:$0x3] =	stream.indirect_vreg.gather [hbm4b:s26+s3], $0x80, v5, vm0, $0xb8;
	[tilespmem:$0x1A480] =	vst v63  }
0x1e9: {  	s19 =	simm.s32 $0x16800  }
0x1ea: {  	[tilespmem:s19], [sflag:$0x3] =	stream.indirect_vreg.gather [hbm4b:s28+s3], $0x80, v5, vm0, $0xb8;
	[tilespmem:$0x1A480] =	vst v63  }
0x1eb: {  	s19 =	simm.s32 $0x17000  }
0x1ec: {  	[tilespmem:s19], [sflag:$0x3] =	stream.indirect_vreg.gather [hbm4b:s29+s3], $0x80, v5, vm0, $0xb8;
	[tilespmem:$0x1A480] =	vst v63  }
0x1ed: {  	s19 =	simm.s32 $0x17800  }
0x1ee: {  	[tilespmem:s19], [sflag:$0x3] =	stream.indirect_vreg.gather [hbm4b:s30+s3], $0x80, v5, vm0, $0xb8;
	[tilespmem:$0x1A480] =	vst v63  }
0x1ef: {  	s19 =	simm.s32 $0x18000  }
0x1f0: {  	[tilespmem:s19], [sflag:$0x3] =	stream.indirect_vreg.gather [hbm4b:s31+s3], $0x80, v5, vm0, $0xb8;
	[tilespmem:$0x1A480] =	vst v63  }
0x1f1: {  	s19 =	simm.s32 $0x18800  }
0x1f2: {  	[tilespmem:s19], [sflag:$0x3] =	stream.indirect_vreg.gather [hbm4b:s0+s3], $0x80, v5, vm0, $0xb8;
	[tilespmem:$0x1A480] =	vst v63  }
0x1f3: {  	s19 =	simm.s32 $0x19000  }
0x1f4: {  	[tilespmem:s19], [sflag:$0x3] =	stream.indirect_vreg.gather [hbm4b:s2+s3], $0x80, v5, vm0, $0xb8;
	[tilespmem:$0x1A480] =	vst v63  }
0x1f5: {  	s19 =	simm.s32 $0x19800  }
0x1f6: {  	[tilespmem:s19], [sflag:$0x3] =	stream.indirect_vreg.gather [hbm4b:s15+s3], $0x80, v5, vm0, $0xb8;
	[tilespmem:$0x1A480] =	vst v63  }
0x1f7: {  	v5 =	vld [tilespmem:s21+$0x0]  }
0x1f8: {  	v6 =	vld [tilespmem:s23+$0x0];
	_ =	sdelay $0x3  }
0x1f9: {  	v7 =	vshll.u32 v5, $0x3  }
0x1fa: {  	vm3 =	veq.s32 v6, $0x1;
	v5 =	vand.u32 $0x7F, v5;
	v6 =	vand.u32 $0xFFFFFC00, v7  }
0x1fb: {  	vm15 =	vmand vm3, vm1;
	v5 =	vor.u32 v5, v6  }
0x1fc: {  	v6 =	vor.u32 v3, v5  }
0x1fd: {  	s6 =	simm.s32 $0x2  }
0x1fe: {  	_ =	swait.ge [sflag:s6], $0x8000  }
0x1ff: {  	[sflag:s6] =	ssyncset.done $0x0  }
0x200: {  	[sflag:s6] =	ssyncadd.s32 $0xFFFF8000  }
0x201: {  	v6 =	vld.idx.msk [tilespmem:v6+s16+$0x0], vm15  }
0x202: {  	v7 =	vld [tilespmem:$0x1A400];
	_ =	sdelay $0x3  }
0x203: {  	v6 =	vnsel vm15, $0x0, v6  }
0x204: {  	v6 =	vadd.f32 v6, v7;
	_ =	sdelay $0x1  }
0x205: {  	s22 =	simm.s32 $0x4;
	s19 =	sadd.s32 $0x9000, s24;
	[tilespmem:$0x1A400] =	vst v6  }
0x206: {  	[hbm4b:s19+s3] =	stream.linear.scatter [tilespmem:s16], [sflag:$0x5], $0x8000, $0x38;
	[tilespmem:$0x1A480] =	vst v63  }
0x207: {  	_ =	swait.ge [sflag:s22], $0x8000  }
0x208: {  	[sflag:s22] =	ssyncset.done $0x0  }
0x209: {  	[sflag:s22] =	ssyncadd.s32 $0xFFFF8000  }
0x20a: {  	v6 =	vld.msk [tilespmem:s1+$0x100], $0xff;
	_ =	sdelay $0x4  }
0x20b: {  	v7 =	vshll.u32 v6, $0x6  }
0x20c: {  	v6 =	vand.u32 $0x7, v6;
	v7 =	vand.u32 $0xFFFFFE00, v7  }
0x20d: {  	v6 =	vor.u32 v6, v7  }
0x20e: {  	v6 =	vperm.xlane v6, v1;
	_ =	sdelay $0x1  }
0x20f: {  	v6 =	vadd.s32 v2, v6;
	_ =	sdelay $0x1  }
0x210: {  	s19 =	sld [smem:$0x7FB];
	_ =	sdelay $0x2  }
0x211: {  	[tilespmem:s18], [sflag:$0x1] =	stream.indirect_vreg.gather [hbm4b:s19+s3], $0x80, v6, vm0, $0xb8;
	[tilespmem:$0x1A480] =	vst v63  }
0x212: {  	s22 =	simm.s32 $0x2800  }
0x213: {  	[tilespmem:s22], [sflag:$0x1] =	stream.indirect_vreg.gather [hbm4b:s7+s3], $0x80, v6, vm0, $0xb8;
	[tilespmem:$0x1A480] =	vst v63  }
0x214: {  	_ = 	snop  }
0x215: {  	[tilespmem:s4], [sflag:$0x1] =	stream.indirect_vreg.gather [hbm4b:s8+s3], $0x80, v6, vm0, $0xb8;
	[tilespmem:$0x1A480] =	vst v63  }
0x216: {  	s19 =	simm.s32 $0x3800  }
0x217: {  	[tilespmem:s19], [sflag:$0x1] =	stream.indirect_vreg.gather [hbm4b:s9+s3], $0x80, v6, vm0, $0xb8;
	[tilespmem:$0x1A480] =	vst v63  }
0x218: {  	s22 =	simm.s32 $0x4000  }
0x219: {  	[tilespmem:s22], [sflag:$0x1] =	stream.indirect_vreg.gather [hbm4b:s10+s3], $0x80, v6, vm0, $0xb8;
	[tilespmem:$0x1A480] =	vst v63  }
0x21a: {  	s22 =	simm.s32 $0x4800  }
0x21b: {  	[tilespmem:s22], [sflag:$0x1] =	stream.indirect_vreg.gather [hbm4b:s11+s3], $0x80, v6, vm0, $0xb8;
	[tilespmem:$0x1A480] =	vst v63  }
0x21c: {  	s22 =	simm.s32 $0x5000  }
0x21d: {  	[tilespmem:s22], [sflag:$0x1] =	stream.indirect_vreg.gather [hbm4b:s12+s3], $0x80, v6, vm0, $0xb8;
	[tilespmem:$0x1A480] =	vst v63  }
0x21e: {  	s22 =	simm.s32 $0x5800  }
0x21f: {  	[tilespmem:s22], [sflag:$0x1] =	stream.indirect_vreg.gather [hbm4b:s13+s3], $0x80, v6, vm0, $0xb8;
	[tilespmem:$0x1A480] =	vst v63  }
0x220: {  	s22 =	simm.s32 $0x6000  }
0x221: {  	[tilespmem:s22], [sflag:$0x1] =	stream.indirect_vreg.gather [hbm4b:s26+s3], $0x80, v6, vm0, $0xb8;
	[tilespmem:$0x1A480] =	vst v63  }
0x222: {  	s22 =	simm.s32 $0x6800  }
0x223: {  	[tilespmem:s22], [sflag:$0x1] =	stream.indirect_vreg.gather [hbm4b:s28+s3], $0x80, v6, vm0, $0xb8;
	[tilespmem:$0x1A480] =	vst v63  }
0x224: {  	s22 =	simm.s32 $0x7000  }
0x225: {  	[tilespmem:s22], [sflag:$0x1] =	stream.indirect_vreg.gather [hbm4b:s29+s3], $0x80, v6, vm0, $0xb8;
	[tilespmem:$0x1A480] =	vst v63  }
0x226: {  	s22 =	simm.s32 $0x7800  }
0x227: {  	[tilespmem:s22], [sflag:$0x1] =	stream.indirect_vreg.gather [hbm4b:s30+s3], $0x80, v6, vm0, $0xb8;
	[tilespmem:$0x1A480] =	vst v63  }
0x228: {  	s22 =	simm.s32 $0x8000  }
0x229: {  	[tilespmem:s22], [sflag:$0x1] =	stream.indirect_vreg.gather [hbm4b:s31+s3], $0x80, v6, vm0, $0xb8;
	[tilespmem:$0x1A480] =	vst v63  }
0x22a: {  	s22 =	simm.s32 $0x8800  }
0x22b: {  	[tilespmem:s22], [sflag:$0x1] =	stream.indirect_vreg.gather [hbm4b:s0+s3], $0x80, v6, vm0, $0xb8;
	[tilespmem:$0x1A480] =	vst v63  }
0x22c: {  	s22 =	simm.s32 $0x9000  }
0x22d: {  	vm3 =	vmand vm3, vm2;
	[tilespmem:s22], [sflag:$0x1] =	stream.indirect_vreg.gather [hbm4b:s2+s3], $0x80, v6, vm0, $0xb8;
	[tilespmem:$0x1A480] =	vst v63  }
0x22e: {  	s6 =	simm.s32 $0x3;
	v5 =	vor.u32 v4, v5;
	s22 =	simm.s32 $0x9800  }
0x22f: {  	[tilespmem:s22], [sflag:$0x1] =	stream.indirect_vreg.gather [hbm4b:s15+s3], $0x80, v6, vm0, $0xb8;
	[tilespmem:$0x1A480] =	vst v63  }
0x230: {  	_ =	swait.ge [sflag:s6], $0x8000  }
0x231: {  	[sflag:s6] =	ssyncset.done $0x0  }
0x232: {  	[sflag:s6] =	ssyncadd.s32 $0xFFFF8000  }
0x233: {  	v5 =	vld.idx.msk [tilespmem:v5+s20+$0x0], vm3  }
0x234: {  	v6 =	vld [tilespmem:$0x1A400];
	_ =	sdelay $0x3  }
0x235: {  	v5 =	vnsel vm3, $0x0, v5  }
0x236: {  	v5 =	vadd.f32 v5, v6;
	_ =	sdelay $0x1  }
0x237: {  	s24 =	sadd.s32 $0xB000, s24;
	s19 =	simm.s32 $0x5;
	[tilespmem:$0x1A400] =	vst v5  }
0x238: {  	[hbm4b:s24+s3] =	stream.linear.scatter [tilespmem:s20], [sflag:$0x6], $0x8000, $0x38;
	[tilespmem:$0x1A480] =	vst v63  }
0x239: {  	s14 =	sld [smem:$0x7FB];
	_ =	swait.ge [sflag:s19], $0x8000  }
0x23a: {  	[sflag:s19] =	ssyncset.done $0x0  }
0x23b: {  	[sflag:s19] =	ssyncadd.s32 $0xFFFF8000  }
0x23c: {  	v5 =	vld.msk [tilespmem:s1+$0x180], $0xff;
	_ =	sdelay $0x4  }
0x23d: {  	v6 =	vshll.u32 v5, $0x6  }
0x23e: {  	v5 =	vand.u32 $0x7, v5;
	v6 =	vand.u32 $0xFFFFFE00, v6  }
0x23f: {  	v5 =	vor.u32 v5, v6  }
0x240: {  	v5 =	vperm.xlane v5, v1;
	_ =	sdelay $0x1  }
0x241: {  	v5 =	vadd.s32 v2, v5;
	_ =	sdelay $0x4  }
0x242: {  	[tilespmem:s16], [sflag:$0x2] =	stream.indirect_vreg.gather [hbm4b:s14+s3], $0x80, v5, vm0, $0xb8;
	[tilespmem:$0x1A480] =	vst v63  }
0x243: {  	_ = 	snop  }
0x244: {  	[tilespmem:s25], [sflag:$0x2] =	stream.indirect_vreg.gather [hbm4b:s7+s3], $0x80, v5, vm0, $0xb8;
	[tilespmem:$0x1A480] =	vst v63  }
0x245: {  	s22 =	simm.s32 $0xB000  }
0x246: {  	[tilespmem:s22], [sflag:$0x2] =	stream.indirect_vreg.gather [hbm4b:s8+s3], $0x80, v5, vm0, $0xb8;
	[tilespmem:$0x1A480] =	vst v63  }
0x247: {  	s24 =	simm.s32 $0xB800  }
0x248: {  	[tilespmem:s24], [sflag:$0x2] =	stream.indirect_vreg.gather [hbm4b:s9+s3], $0x80, v5, vm0, $0xb8;
	[tilespmem:$0x1A480] =	vst v63  }
0x249: {  	s22 =	simm.s32 $0xC000  }
0x24a: {  	[tilespmem:s22], [sflag:$0x2] =	stream.indirect_vreg.gather [hbm4b:s10+s3], $0x80, v5, vm0, $0xb8;
	[tilespmem:$0x1A480] =	vst v63  }
0x24b: {  	s24 =	simm.s32 $0xC800  }
0x24c: {  	[tilespmem:s24], [sflag:$0x2] =	stream.indirect_vreg.gather [hbm4b:s11+s3], $0x80, v5, vm0, $0xb8;
	[tilespmem:$0x1A480] =	vst v63  }
0x24d: {  	s22 =	simm.s32 $0xD000  }
0x24e: {  	[tilespmem:s22], [sflag:$0x2] =	stream.indirect_vreg.gather [hbm4b:s12+s3], $0x80, v5, vm0, $0xb8;
	[tilespmem:$0x1A480] =	vst v63  }
0x24f: {  	s24 =	simm.s32 $0xD800  }
0x250: {  	[tilespmem:s24], [sflag:$0x2] =	stream.indirect_vreg.gather [hbm4b:s13+s3], $0x80, v5, vm0, $0xb8;
	[tilespmem:$0x1A480] =	vst v63  }
0x251: {  	s22 =	simm.s32 $0xE000  }
0x252: {  	[tilespmem:s22], [sflag:$0x2] =	stream.indirect_vreg.gather [hbm4b:s26+s3], $0x80, v5, vm0, $0xb8;
	[tilespmem:$0x1A480] =	vst v63  }
0x253: {  	s24 =	simm.s32 $0xE800  }
0x254: {  	[tilespmem:s24], [sflag:$0x2] =	stream.indirect_vreg.gather [hbm4b:s28+s3], $0x80, v5, vm0, $0xb8;
	[tilespmem:$0x1A480] =	vst v63  }
0x255: {  	s22 =	simm.s32 $0xF000  }
0x256: {  	[tilespmem:s22], [sflag:$0x2] =	stream.indirect_vreg.gather [hbm4b:s29+s3], $0x80, v5, vm0, $0xb8;
	[tilespmem:$0x1A480] =	vst v63  }
0x257: {  	s24 =	simm.s32 $0xF800  }
0x258: {  	[tilespmem:s24], [sflag:$0x2] =	stream.indirect_vreg.gather [hbm4b:s30+s3], $0x80, v5, vm0, $0xb8;
	[tilespmem:$0x1A480] =	vst v63  }
0x259: {  	s5 =	sadd.s32 $0xC000, s5;
	s22 =	simm.s32 $0x10000  }
0x25a: {  	[tilespmem:s22], [sflag:$0x2] =	stream.indirect_vreg.gather [hbm4b:s31+s3], $0x80, v5, vm0, $0xb8;
	[tilespmem:$0x1A480] =	vst v63  }
0x25b: {  	p1 =	sne.s32 s5, $0x78000;
	s24 =	simm.s32 $0x10800  }
0x25c: {  	[tilespmem:s24], [sflag:$0x2] =	stream.indirect_vreg.gather [hbm4b:s0+s3], $0x80, v5, vm0, $0xb8;
	[tilespmem:$0x1A480] =	vst v63  }
.Ltmp3:
0x25d: {  	s21 =	sadd.s32 $0x30, s21;
	(pc) =	sbr.rel @p1 .LBB2_6-.Ltmp3, $4  }
0x25e: {  	s23 =	sadd.s32 $0x30, s23;
	s4 =	simm.s32 $0x2;
	s22 =	simm.s32 $0x11000  }
0x25f: {  	[tilespmem:s22], [sflag:$0x2] =	stream.indirect_vreg.gather [hbm4b:s2+s3], $0x80, v5, vm0, $0xb8;
	[tilespmem:$0x1A480] =	vst v63  }
0x260: {  	s1 =	sadd.s32 $0x300, s1;
	s25 =	simm.s32 $0x4;
	s24 =	simm.s32 $0x11800  }
0x261: {  	[tilespmem:s24], [sflag:$0x2] =	stream.indirect_vreg.gather [hbm4b:s15+s3], $0x80, v5, vm0, $0xb8;
	[tilespmem:$0x1A480] =	vst v63  }
0x262: {  	s24 =	rddreg [dreg:$0x13]  }
0x263: {  	s23 =	rddreg [dreg:$0x14]  }
.Ltmp4:
0x264: {  	s1 =	rddreg [dreg:$0x15];
	(pc) =	sbr.rel .LBB2_8-.Ltmp4, $4  }
0x265: {  	s22 =	rddreg [dreg:$0x16]  }
0x266: {  	s16 =	sld [smem:$0x7FA]  }
0x267: {  	s20 =	simm.s32 $0x13000;
	s5 =	simm.s32 $0x12800;
	[smem:$0x7F8] =	sst s1  }
0x268: {  	v5 =	vimm.s32 $0x1;
	s21 =	smov.u32 s14;
	[smem:$0x7F9] =	sst s22;
	s22 =	simm.s32 $0x7  }
.LBB2_2:
0x269: {  	v5 =	vld.msk [tilespmem:$0x0], $0xff;
	_ =	sdelay $0x4  }
0x26a: {  	v6 =	vshll.u32 v5, $0x6  }
0x26b: {  	v5 =	vand.u32 $0x7, v5;
	v6 =	vand.u32 $0xFFFFFE00, v6  }
0x26c: {  	v5 =	vor.u32 v5, v6  }
0x26d: {  	v5 =	vperm.xlane v5, v1;
	_ =	sdelay $0x1  }
0x26e: {  	v5 =	vadd.s32 v2, v5;
	_ =	sdelay $0x3  }
0x26f: {  	s0 =	simm.s32 $0x0;
	s9 =	simm.s32 $0x2000  }
0x270: {  	[tilespmem:s9], [sflag:$0x1] =	stream.indirect_vreg.gather [hbm4b:s21+s0], $0x80, v5, vm0, $0xb8;
	[tilespmem:$0x1A480] =	vst v63  }
0x271: {  	s16 =	simm.s32 $0x2800;
	s9 =	rddreg [dreg:$0x7]  }
0x272: {  	[tilespmem:s16], [sflag:$0x1] =	stream.indirect_vreg.gather [hbm4b:s9+s0], $0x80, v5, vm0, $0xb8;
	[tilespmem:$0x1A480] =	vst v63  }
0x273: {  	s20 =	simm.s32 $0x3000  }
0x274: {  	[tilespmem:s20], [sflag:$0x1] =	stream.indirect_vreg.gather [hbm4b:s10+s0], $0x80, v5, vm0, $0xb8;
	[tilespmem:$0x1A480] =	vst v63  }
0x275: {  	s20 =	simm.s32 $0x3800  }
0x276: {  	[tilespmem:s20], [sflag:$0x1] =	stream.indirect_vreg.gather [hbm4b:s11+s0], $0x80, v5, vm0, $0xb8;
	[tilespmem:$0x1A480] =	vst v63  }
0x277: {  	s20 =	simm.s32 $0x4000  }
0x278: {  	[tilespmem:s20], [sflag:$0x1] =	stream.indirect_vreg.gather [hbm4b:s12+s0], $0x80, v5, vm0, $0xb8;
	[tilespmem:$0x1A480] =	vst v63  }
0x279: {  	s20 =	simm.s32 $0x4800  }
0x27a: {  	[tilespmem:s20], [sflag:$0x1] =	stream.indirect_vreg.gather [hbm4b:s13+s0], $0x80, v5, vm0, $0xb8;
	[tilespmem:$0x1A480] =	vst v63  }
0x27b: {  	s20 =	simm.s32 $0x5000  }
0x27c: {  	[tilespmem:s20], [sflag:$0x1] =	stream.indirect_vreg.gather [hbm4b:s14+s0], $0x80, v5, vm0, $0xb8;
	[tilespmem:$0x1A480] =	vst v63  }
0x27d: {  	s20 =	simm.s32 $0x5800  }
0x27e: {  	[tilespmem:s20], [sflag:$0x1] =	stream.indirect_vreg.gather [hbm4b:s18+s0], $0x80, v5, vm0, $0xb8;
	[tilespmem:$0x1A480] =	vst v63  }
0x27f: {  	s20 =	simm.s32 $0x6000  }
0x280: {  	[tilespmem:s20], [sflag:$0x1] =	stream.indirect_vreg.gather [hbm4b:s26+s0], $0x80, v5, vm0, $0xb8;
	[tilespmem:$0x1A480] =	vst v63  }
0x281: {  	s20 =	simm.s32 $0x6800  }
0x282: {  	[tilespmem:s20], [sflag:$0x1] =	stream.indirect_vreg.gather [hbm4b:s28+s0], $0x80, v5, vm0, $0xb8;
	[tilespmem:$0x1A480] =	vst v63  }
0x283: {  	s20 =	simm.s32 $0x7000  }
0x284: {  	[tilespmem:s20], [sflag:$0x1] =	stream.indirect_vreg.gather [hbm4b:s29+s0], $0x80, v5, vm0, $0xb8;
	[tilespmem:$0x1A480] =	vst v63  }
0x285: {  	s20 =	simm.s32 $0x7800  }
0x286: {  	[tilespmem:s20], [sflag:$0x1] =	stream.indirect_vreg.gather [hbm4b:s30+s0], $0x80, v5, vm0, $0xb8;
	[tilespmem:$0x1A480] =	vst v63  }
0x287: {  	_ = 	snop  }
0x288: {  	[tilespmem:s7], [sflag:$0x1] =	stream.indirect_vreg.gather [hbm4b:s31+s0], $0x80, v5, vm0, $0xb8;
	[tilespmem:$0x1A480] =	vst v63  }
0x289: {  	s1 =	simm.s32 $0x8800  }
0x28a: {  	[tilespmem:s1], [sflag:$0x1] =	stream.indirect_vreg.gather [hbm4b:s24+s0], $0x80, v5, vm0, $0xb8;
	[tilespmem:$0x1A480] =	vst v63  }
0x28b: {  	_ = 	snop  }
0x28c: {  	[tilespmem:s2], [sflag:$0x1] =	stream.indirect_vreg.gather [hbm4b:s23+s0], $0x80, v5, vm0, $0xb8;
	[tilespmem:$0x1A480] =	vst v63  }
0x28d: {  	s16 =	simm.s32 $0x9800  }
0x28e: {  	[tilespmem:s16], [sflag:$0x1] =	stream.indirect_vreg.gather [hbm4b:s15+s0], $0x80, v5, vm0, $0xb8;
	[tilespmem:$0x1A480] =	vst v63  }
0x28f: {  	v5 =	vld.msk [tilespmem:$0x80], $0xff;
	_ =	sdelay $0x4  }
0x290: {  	v6 =	vshll.u32 v5, $0x6  }
0x291: {  	v5 =	vand.u32 $0x7, v5;
	v6 =	vand.u32 $0xFFFFFE00, v6  }
0x292: {  	v5 =	vor.u32 v5, v6  }
0x293: {  	v5 =	vperm.xlane v5, v1;
	_ =	sdelay $0x1  }
0x294: {  	v5 =	vadd.s32 v2, v5;
	_ =	sdelay $0x3  }
0x295: {  	s20 =	simm.s32 $0xA000  }
0x296: {  	[tilespmem:s20], [sflag:$0x2] =	stream.indirect_vreg.gather [hbm4b:s21+s0], $0x80, v5, vm0, $0xb8;
	[tilespmem:$0x1A480] =	vst v63  }
0x297: {  	_ = 	snop  }
0x298: {  	[tilespmem:s5], [sflag:$0x2] =	stream.indirect_vreg.gather [hbm4b:s9+s0], $0x80, v5, vm0, $0xb8;
	[tilespmem:$0x1A480] =	vst v63  }
0x299: {  	_ = 	snop  }
0x29a: {  	[tilespmem:s8], [sflag:$0x2] =	stream.indirect_vreg.gather [hbm4b:s10+s0], $0x80, v5, vm0, $0xb8;
	[tilespmem:$0x1A480] =	vst v63  }
0x29b: {  	s2 =	simm.s32 $0xB800  }
0x29c: {  	[tilespmem:s2], [sflag:$0x2] =	stream.indirect_vreg.gather [hbm4b:s11+s0], $0x80, v5, vm0, $0xb8;
	[tilespmem:$0x1A480] =	vst v63  }
0x29d: {  	s5 =	simm.s32 $0xC000  }
0x29e: {  	[tilespmem:s5], [sflag:$0x2] =	stream.indirect_vreg.gather [hbm4b:s12+s0], $0x80, v5, vm0, $0xb8;
	[tilespmem:$0x1A480] =	vst v63  }
0x29f: {  	s7 =	simm.s32 $0xC800  }
0x2a0: {  	[tilespmem:s7], [sflag:$0x2] =	stream.indirect_vreg.gather [hbm4b:s13+s0], $0x80, v5, vm0, $0xb8;
	[tilespmem:$0x1A480] =	vst v63  }
0x2a1: {  	s8 =	simm.s32 $0xD000  }
0x2a2: {  	[tilespmem:s8], [sflag:$0x2] =	stream.indirect_vreg.gather [hbm4b:s14+s0], $0x80, v5, vm0, $0xb8;
	[tilespmem:$0x1A480] =	vst v63  }
0x2a3: {  	s16 =	simm.s32 $0xD800  }
0x2a4: {  	[tilespmem:s16], [sflag:$0x2] =	stream.indirect_vreg.gather [hbm4b:s18+s0], $0x80, v5, vm0, $0xb8;
	[tilespmem:$0x1A480] =	vst v63  }
0x2a5: {  	s20 =	simm.s32 $0xE000  }
0x2a6: {  	[tilespmem:s20], [sflag:$0x2] =	stream.indirect_vreg.gather [hbm4b:s26+s0], $0x80, v5, vm0, $0xb8;
	[tilespmem:$0x1A480] =	vst v63  }
0x2a7: {  	s2 =	simm.s32 $0xE800  }
0x2a8: {  	[tilespmem:s2], [sflag:$0x2] =	stream.indirect_vreg.gather [hbm4b:s28+s0], $0x80, v5, vm0, $0xb8;
	[tilespmem:$0x1A480] =	vst v63  }
0x2a9: {  	s5 =	simm.s32 $0xF000  }
0x2aa: {  	[tilespmem:s5], [sflag:$0x2] =	stream.indirect_vreg.gather [hbm4b:s29+s0], $0x80, v5, vm0, $0xb8;
	[tilespmem:$0x1A480] =	vst v63  }
0x2ab: {  	s7 =	simm.s32 $0xF800  }
0x2ac: {  	[tilespmem:s7], [sflag:$0x2] =	stream.indirect_vreg.gather [hbm4b:s30+s0], $0x80, v5, vm0, $0xb8;
	[tilespmem:$0x1A480] =	vst v63  }
0x2ad: {  	s8 =	simm.s32 $0x10000  }
0x2ae: {  	[tilespmem:s8], [sflag:$0x2] =	stream.indirect_vreg.gather [hbm4b:s31+s0], $0x80, v5, vm0, $0xb8;
	[tilespmem:$0x1A480] =	vst v63  }
0x2af: {  	s16 =	simm.s32 $0x10800  }
0x2b0: {  	[tilespmem:s16], [sflag:$0x2] =	stream.indirect_vreg.gather [hbm4b:s24+s0], $0x80, v5, vm0, $0xb8;
	[tilespmem:$0x1A480] =	vst v63  }
0x2b1: {  	s20 =	simm.s32 $0x11000  }
0x2b2: {  	[tilespmem:s20], [sflag:$0x2] =	stream.indirect_vreg.gather [hbm4b:s23+s0], $0x80, v5, vm0, $0xb8;
	[tilespmem:$0x1A480] =	vst v63  }
0x2b3: {  	s1 =	simm.s32 $0x200  }
0x2b4: {  	[tilespmem:s22], [sflag:$0x2] =	stream.indirect_vreg.gather [hbm4b:s15+s0], $0x80, v5, vm0, $0xb8;
	[tilespmem:$0x1A480] =	vst v63  }
0x2b5: {  	s2 =	simm.s32 $0x1A020;
	s5 =	simm.s32 $0x1A220;
	s22 =	simm.s32 $0x12000  }
.LBB2_3:
0x2b6: {  	p1 =	seq.s32 s0, $0x0  }
0x2b7: {  	v5 =	vld [tilespmem:s2+$0xFFFFFFE0];
	s7 =	simm.s32 @!p1 $0x6  }
0x2b8: {  	v6 =	vld [tilespmem:s5+$0xFFFFFFE0];
	_ =	swait.ge @!p1 [sflag:s7], $0x8000  }
0x2b9: {  	[sflag:s7] =	ssyncset.done @!p1 $0x0  }
0x2ba: {  	[sflag:s7] =	ssyncadd.s32 @!p1 $0xFFFF8000  }
0x2bb: {  	v7 =	vld.msk [tilespmem:s1+$0xFFFFFF00], $0xff;
	_ =	sdelay $0x4  }
0x2bc: {  	v8 =	vshll.u32 v7, $0x6  }
0x2bd: {  	v7 =	vand.u32 $0x7, v7;
	v8 =	vand.u32 $0xFFFFFE00, v8  }
0x2be: {  	v7 =	vor.u32 v7, v8  }
0x2bf: {  	v7 =	vperm.xlane v7, v1;
	_ =	sdelay $0x1  }
0x2c0: {  	v7 =	vadd.s32 v2, v7;
	_ =	sdelay $0x4  }
0x2c1: {  	[tilespmem:s22], [sflag:$0x3] =	stream.indirect_vreg.gather [hbm4b:s21+s3], $0x80, v7, vm0, $0xb8;
	[tilespmem:$0x1A480] =	vst v63  }
0x2c2: {  	s16 =	simm.s32 $0x12800  }
0x2c3: {  	[tilespmem:s16], [sflag:$0x3] =	stream.indirect_vreg.gather [hbm4b:s9+s3], $0x80, v7, vm0, $0xb8;
	[tilespmem:$0x1A480] =	vst v63  }
0x2c4: {  	s20 =	simm.s32 $0x13000  }
0x2c5: {  	[tilespmem:s20], [sflag:$0x3] =	stream.indirect_vreg.gather [hbm4b:s10+s3], $0x80, v7, vm0, $0xb8;
	[tilespmem:$0x1A480] =	vst v63  }
0x2c6: {  	s8 =	simm.s32 $0x13800  }
0x2c7: {  	[tilespmem:s8], [sflag:$0x3] =	stream.indirect_vreg.gather [hbm4b:s11+s3], $0x80, v7, vm0, $0xb8;
	[tilespmem:$0x1A480] =	vst v63  }
0x2c8: {  	s16 =	simm.s32 $0x14000  }
0x2c9: {  	[tilespmem:s16], [sflag:$0x3] =	stream.indirect_vreg.gather [hbm4b:s12+s3], $0x80, v7, vm0, $0xb8;
	[tilespmem:$0x1A480] =	vst v63  }
0x2ca: {  	s20 =	simm.s32 $0x14800  }
0x2cb: {  	[tilespmem:s20], [sflag:$0x3] =	stream.indirect_vreg.gather [hbm4b:s13+s3], $0x80, v7, vm0, $0xb8;
	[tilespmem:$0x1A480] =	vst v63  }
0x2cc: {  	s8 =	simm.s32 $0x15000  }
0x2cd: {  	[tilespmem:s8], [sflag:$0x3] =	stream.indirect_vreg.gather [hbm4b:s14+s3], $0x80, v7, vm0, $0xb8;
	[tilespmem:$0x1A480] =	vst v63  }
0x2ce: {  	s16 =	simm.s32 $0x15800  }
0x2cf: {  	[tilespmem:s16], [sflag:$0x3] =	stream.indirect_vreg.gather [hbm4b:s18+s3], $0x80, v7, vm0, $0xb8;
	[tilespmem:$0x1A480] =	vst v63  }
0x2d0: {  	s20 =	simm.s32 $0x16000  }
0x2d1: {  	[tilespmem:s20], [sflag:$0x3] =	stream.indirect_vreg.gather [hbm4b:s26+s3], $0x80, v7, vm0, $0xb8;
	[tilespmem:$0x1A480] =	vst v63  }
0x2d2: {  	s8 =	simm.s32 $0x16800  }
0x2d3: {  	[tilespmem:s8], [sflag:$0x3] =	stream.indirect_vreg.gather [hbm4b:s28+s3], $0x80, v7, vm0, $0xb8;
	[tilespmem:$0x1A480] =	vst v63  }
0x2d4: {  	s16 =	simm.s32 $0x17000  }
0x2d5: {  	[tilespmem:s16], [sflag:$0x3] =	stream.indirect_vreg.gather [hbm4b:s29+s3], $0x80, v7, vm0, $0xb8;
	[tilespmem:$0x1A480] =	vst v63  }
0x2d6: {  	s20 =	simm.s32 $0x17800  }
0x2d7: {  	[tilespmem:s20], [sflag:$0x3] =	stream.indirect_vreg.gather [hbm4b:s30+s3], $0x80, v7, vm0, $0xb8;
	[tilespmem:$0x1A480] =	vst v63  }
0x2d8: {  	s8 =	simm.s32 $0x18000  }
0x2d9: {  	[tilespmem:s8], [sflag:$0x3] =	stream.indirect_vreg.gather [hbm4b:s31+s3], $0x80, v7, vm0, $0xb8;
	[tilespmem:$0x1A480] =	vst v63  }
0x2da: {  	s16 =	simm.s32 $0x18800  }
0x2db: {  	v63 =	vshll.u32 v5, $0x3;
	[tilespmem:s16], [sflag:$0x3] =	stream.indirect_vreg.gather [hbm4b:s24+s3], $0x80, v7, vm0, $0xb8;
	[tilespmem:$0x1A480] =	vst v63  }
0x2dc: {  	vm3 =	veq.s32 v6, $0x0;
	v5 =	vand.u32 $0x7F, v5;
	v6 =	vand.u32 $0xFFFFFC00, v63;
	s20 =	simm.s32 $0x19000  }
0x2dd: {  	vm4 =	vmand vm3, vm1;
	v5 =	vor.u32 v5, v6;
	[tilespmem:s20], [sflag:$0x3] =	stream.indirect_vreg.gather [hbm4b:s23+s3], $0x80, v7, vm0, $0xb8;
	[tilespmem:$0x1A480] =	vst v63  }
0x2de: {  	v6 =	vor.u32 v3, v5;
	s8 =	simm.s32 $0x19800  }
0x2df: {  	[tilespmem:s8], [sflag:$0x3] =	stream.indirect_vreg.gather [hbm4b:s15+s3], $0x80, v7, vm0, $0xb8;
	[tilespmem:$0x1A480] =	vst v63  }
0x2e0: {  	_ =	swait.ge [sflag:s17], $0x8000  }
0x2e1: {  	[sflag:s17] =	ssyncset.done $0x0  }
0x2e2: {  	s20 =	simm.s32 $0x2000;
	[sflag:s17] =	ssyncadd.s32 $0xFFFF8000  }
0x2e3: {  	v6 =	vld.idx.msk [tilespmem:v6+s20+$0x0], vm4  }
0x2e4: {  	v7 =	vld [tilespmem:$0x1A400];
	_ =	sdelay $0x3  }
0x2e5: {  	v6 =	vnsel vm4, $0x0, v6  }
0x2e6: {  	v6 =	vadd.f32 v6, v7  }
0x2e7: {  	vm3 =	vmand vm3, vm2;
	s16 =	rddreg [dreg:$0x19]  }
0x2e8: {  	v5 =	vor.u32 v4, v5;
	s7 =	sadd.s32 s0, s16;
	[tilespmem:$0x1A400] =	vst v6  }
0x2e9: {  	[hbm4b:s7+s3] =	stream.linear.scatter [tilespmem:s20], [sflag:$0x4], $0x8000, $0x38;
	[tilespmem:$0x1A480] =	vst v63  }
0x2ea: {  	_ =	swait.ge [sflag:s4], $0x8000  }
0x2eb: {  	[sflag:s4] =	ssyncset.done $0x0  }
0x2ec: {  	s16 =	simm.s32 $0xA000;
	[sflag:s4] =	ssyncadd.s32 $0xFFFF8000  }
0x2ed: {  	v5 =	vld.idx.msk [tilespmem:v5+s16+$0x0], vm3  }
0x2ee: {  	v6 =	vld [tilespmem:$0x1A400];
	_ =	sdelay $0x3  }
0x2ef: {  	v5 =	vnsel vm3, $0x0, v5  }
0x2f0: {  	v5 =	vadd.f32 v5, v6;
	_ =	sdelay $0x1  }
0x2f1: {  	s8 =	sadd.s32 $0x2000, s7;
	[tilespmem:$0x1A400] =	vst v5  }
0x2f2: {  	[hbm4b:s8+s3] =	stream.linear.scatter [tilespmem:s16], [sflag:$0x5], $0x8000, $0x38;
	[tilespmem:$0x1A480] =	vst v63  }
0x2f3: {  	_ =	swait.ge [sflag:s25], $0x8000  }
0x2f4: {  	[sflag:s25] =	ssyncset.done $0x0  }
0x2f5: {  	[sflag:s25] =	ssyncadd.s32 $0xFFFF8000  }
0x2f6: {  	v5 =	vld.msk [tilespmem:s1+$0xFFFFFF80], $0xff;
	_ =	sdelay $0x4  }
0x2f7: {  	v6 =	vshll.u32 v5, $0x6  }
0x2f8: {  	v5 =	vand.u32 $0x7, v5;
	v6 =	vand.u32 $0xFFFFFE00, v6  }
0x2f9: {  	v5 =	vor.u32 v5, v6  }
0x2fa: {  	v5 =	vperm.xlane v5, v1;
	_ =	sdelay $0x1  }
0x2fb: {  	v5 =	vadd.s32 v2, v5;
	_ =	sdelay $0x4  }
0x2fc: {  	[tilespmem:s20], [sflag:$0x1] =	stream.indirect_vreg.gather [hbm4b:s21+s3], $0x80, v5, vm0, $0xb8;
	[tilespmem:$0x1A480] =	vst v63  }
0x2fd: {  	s8 =	simm.s32 $0x2800  }
0x2fe: {  	[tilespmem:s8], [sflag:$0x1] =	stream.indirect_vreg.gather [hbm4b:s9+s3], $0x80, v5, vm0, $0xb8;
	[tilespmem:$0x1A480] =	vst v63  }
0x2ff: {  	s8 =	simm.s32 $0x3000  }
0x300: {  	[tilespmem:s8], [sflag:$0x1] =	stream.indirect_vreg.gather [hbm4b:s10+s3], $0x80, v5, vm0, $0xb8;
	[tilespmem:$0x1A480] =	vst v63  }
0x301: {  	s8 =	simm.s32 $0x3800  }
0x302: {  	[tilespmem:s8], [sflag:$0x1] =	stream.indirect_vreg.gather [hbm4b:s11+s3], $0x80, v5, vm0, $0xb8;
	[tilespmem:$0x1A480] =	vst v63  }
0x303: {  	s8 =	simm.s32 $0x4000  }
0x304: {  	[tilespmem:s8], [sflag:$0x1] =	stream.indirect_vreg.gather [hbm4b:s12+s3], $0x80, v5, vm0, $0xb8;
	[tilespmem:$0x1A480] =	vst v63  }
0x305: {  	s8 =	simm.s32 $0x4800  }
0x306: {  	[tilespmem:s8], [sflag:$0x1] =	stream.indirect_vreg.gather [hbm4b:s13+s3], $0x80, v5, vm0, $0xb8;
	[tilespmem:$0x1A480] =	vst v63  }
0x307: {  	s8 =	simm.s32 $0x5000  }
0x308: {  	[tilespmem:s8], [sflag:$0x1] =	stream.indirect_vreg.gather [hbm4b:s14+s3], $0x80, v5, vm0, $0xb8;
	[tilespmem:$0x1A480] =	vst v63  }
0x309: {  	s8 =	simm.s32 $0x5800  }
0x30a: {  	[tilespmem:s8], [sflag:$0x1] =	stream.indirect_vreg.gather [hbm4b:s18+s3], $0x80, v5, vm0, $0xb8;
	[tilespmem:$0x1A480] =	vst v63  }
0x30b: {  	s8 =	simm.s32 $0x6000  }
0x30c: {  	[tilespmem:s8], [sflag:$0x1] =	stream.indirect_vreg.gather [hbm4b:s26+s3], $0x80, v5, vm0, $0xb8;
	[tilespmem:$0x1A480] =	vst v63  }
0x30d: {  	s8 =	simm.s32 $0x6800  }
0x30e: {  	[tilespmem:s8], [sflag:$0x1] =	stream.indirect_vreg.gather [hbm4b:s28+s3], $0x80, v5, vm0, $0xb8;
	[tilespmem:$0x1A480] =	vst v63  }
0x30f: {  	s8 =	simm.s32 $0x7000  }
0x310: {  	[tilespmem:s8], [sflag:$0x1] =	stream.indirect_vreg.gather [hbm4b:s29+s3], $0x80, v5, vm0, $0xb8;
	[tilespmem:$0x1A480] =	vst v63  }
0x311: {  	s8 =	simm.s32 $0x7800  }
0x312: {  	[tilespmem:s8], [sflag:$0x1] =	stream.indirect_vreg.gather [hbm4b:s30+s3], $0x80, v5, vm0, $0xb8;
	[tilespmem:$0x1A480] =	vst v63  }
0x313: {  	s8 =	simm.s32 $0x8000  }
0x314: {  	[tilespmem:s8], [sflag:$0x1] =	stream.indirect_vreg.gather [hbm4b:s31+s3], $0x80, v5, vm0, $0xb8;
	[tilespmem:$0x1A480] =	vst v63  }
0x315: {  	s8 =	simm.s32 $0x8800  }
0x316: {  	[tilespmem:s8], [sflag:$0x1] =	stream.indirect_vreg.gather [hbm4b:s24+s3], $0x80, v5, vm0, $0xb8;
	[tilespmem:$0x1A480] =	vst v63  }
0x317: {  	s8 =	simm.s32 $0x9000  }
0x318: {  	[tilespmem:s8], [sflag:$0x1] =	stream.indirect_vreg.gather [hbm4b:s23+s3], $0x80, v5, vm0, $0xb8;
	[tilespmem:$0x1A480] =	vst v63  }
0x319: {  	s8 =	simm.s32 $0x9800  }
0x31a: {  	[tilespmem:s8], [sflag:$0x1] =	stream.indirect_vreg.gather [hbm4b:s15+s3], $0x80, v5, vm0, $0xb8;
	[tilespmem:$0x1A480] =	vst v63  }
0x31b: {  	v5 =	vld [tilespmem:s2+$0xFFFFFFF0]  }
0x31c: {  	v6 =	vld [tilespmem:s5+$0xFFFFFFF0];
	_ =	sdelay $0x3  }
0x31d: {  	v7 =	vshll.u32 v5, $0x3  }
0x31e: {  	vm3 =	veq.s32 v6, $0x0;
	v5 =	vand.u32 $0x7F, v5;
	v6 =	vand.u32 $0xFFFFFC00, v7  }
0x31f: {  	vm14 =	vmand vm3, vm1;
	v5 =	vor.u32 v5, v6  }
0x320: {  	v6 =	vor.u32 v3, v5;
	_ =	sdelay $0x1  }
0x321: {  	_ =	swait.ge [sflag:s6], $0x8000  }
0x322: {  	[sflag:s6] =	ssyncset.done $0x0  }
0x323: {  	[sflag:s6] =	ssyncadd.s32 $0xFFFF8000  }
0x324: {  	v6 =	vld.idx.msk [tilespmem:v6+s22+$0x0], vm14  }
0x325: {  	v7 =	vld [tilespmem:$0x1A400];
	_ =	sdelay $0x3  }
0x326: {  	v6 =	vnsel vm14, $0x0, v6  }
0x327: {  	v6 =	vadd.f32 v6, v7;
	_ =	sdelay $0x1  }
0x328: {  	s8 =	sadd.s32 $0x4000, s7;
	[tilespmem:$0x1A400] =	vst v6  }
0x329: {  	[hbm4b:s8+s3] =	stream.linear.scatter [tilespmem:s22], [sflag:$0x6], $0x8000, $0x38;
	[tilespmem:$0x1A480] =	vst v63  }
0x32a: {  	_ =	swait.ge [sflag:s19], $0x8000  }
0x32b: {  	[sflag:s19] =	ssyncset.done $0x0  }
0x32c: {  	[sflag:s19] =	ssyncadd.s32 $0xFFFF8000  }
0x32d: {  	v6 =	vld.msk [tilespmem:s1+$0x0], $0xff;
	_ =	sdelay $0x4  }
0x32e: {  	v7 =	vshll.u32 v6, $0x6  }
0x32f: {  	v6 =	vand.u32 $0x7, v6;
	v7 =	vand.u32 $0xFFFFFE00, v7  }
0x330: {  	v6 =	vor.u32 v6, v7  }
0x331: {  	v6 =	vperm.xlane v6, v1;
	_ =	sdelay $0x1  }
0x332: {  	v6 =	vadd.s32 v2, v6;
	_ =	sdelay $0x4  }
0x333: {  	[tilespmem:s16], [sflag:$0x2] =	stream.indirect_vreg.gather [hbm4b:s21+s3], $0x80, v6, vm0, $0xb8;
	[tilespmem:$0x1A480] =	vst v63  }
0x334: {  	s8 =	simm.s32 $0xA800  }
0x335: {  	[tilespmem:s8], [sflag:$0x2] =	stream.indirect_vreg.gather [hbm4b:s9+s3], $0x80, v6, vm0, $0xb8;
	[tilespmem:$0x1A480] =	vst v63  }
0x336: {  	s8 =	simm.s32 $0xB000  }
0x337: {  	[tilespmem:s8], [sflag:$0x2] =	stream.indirect_vreg.gather [hbm4b:s10+s3], $0x80, v6, vm0, $0xb8;
	[tilespmem:$0x1A480] =	vst v63  }
0x338: {  	s8 =	simm.s32 $0xB800  }
0x339: {  	[tilespmem:s8], [sflag:$0x2] =	stream.indirect_vreg.gather [hbm4b:s11+s3], $0x80, v6, vm0, $0xb8;
	[tilespmem:$0x1A480] =	vst v63  }
0x33a: {  	s8 =	simm.s32 $0xC000  }
0x33b: {  	[tilespmem:s8], [sflag:$0x2] =	stream.indirect_vreg.gather [hbm4b:s12+s3], $0x80, v6, vm0, $0xb8;
	[tilespmem:$0x1A480] =	vst v63  }
0x33c: {  	s8 =	simm.s32 $0xC800  }
0x33d: {  	[tilespmem:s8], [sflag:$0x2] =	stream.indirect_vreg.gather [hbm4b:s13+s3], $0x80, v6, vm0, $0xb8;
	[tilespmem:$0x1A480] =	vst v63  }
0x33e: {  	s8 =	simm.s32 $0xD000  }
0x33f: {  	[tilespmem:s8], [sflag:$0x2] =	stream.indirect_vreg.gather [hbm4b:s14+s3], $0x80, v6, vm0, $0xb8;
	[tilespmem:$0x1A480] =	vst v63  }
0x340: {  	s8 =	simm.s32 $0xD800  }
0x341: {  	[tilespmem:s8], [sflag:$0x2] =	stream.indirect_vreg.gather [hbm4b:s18+s3], $0x80, v6, vm0, $0xb8;
	[tilespmem:$0x1A480] =	vst v63  }
0x342: {  	s8 =	simm.s32 $0xE000  }
0x343: {  	[tilespmem:s8], [sflag:$0x2] =	stream.indirect_vreg.gather [hbm4b:s26+s3], $0x80, v6, vm0, $0xb8;
	[tilespmem:$0x1A480] =	vst v63  }
0x344: {  	s8 =	simm.s32 $0xE800  }
0x345: {  	[tilespmem:s8], [sflag:$0x2] =	stream.indirect_vreg.gather [hbm4b:s28+s3], $0x80, v6, vm0, $0xb8;
	[tilespmem:$0x1A480] =	vst v63  }
0x346: {  	s8 =	simm.s32 $0xF000  }
0x347: {  	[tilespmem:s8], [sflag:$0x2] =	stream.indirect_vreg.gather [hbm4b:s29+s3], $0x80, v6, vm0, $0xb8;
	[tilespmem:$0x1A480] =	vst v63  }
0x348: {  	s8 =	simm.s32 $0xF800  }
0x349: {  	[tilespmem:s8], [sflag:$0x2] =	stream.indirect_vreg.gather [hbm4b:s30+s3], $0x80, v6, vm0, $0xb8;
	[tilespmem:$0x1A480] =	vst v63  }
0x34a: {  	s8 =	simm.s32 $0x10000  }
0x34b: {  	[tilespmem:s8], [sflag:$0x2] =	stream.indirect_vreg.gather [hbm4b:s31+s3], $0x80, v6, vm0, $0xb8;
	[tilespmem:$0x1A480] =	vst v63  }
0x34c: {  	s8 =	simm.s32 $0x10800  }
0x34d: {  	[tilespmem:s8], [sflag:$0x2] =	stream.indirect_vreg.gather [hbm4b:s24+s3], $0x80, v6, vm0, $0xb8;
	[tilespmem:$0x1A480] =	vst v63  }
0x34e: {  	s8 =	simm.s32 $0x11000  }
0x34f: {  	vm3 =	vmand vm3, vm2;
	[tilespmem:s8], [sflag:$0x2] =	stream.indirect_vreg.gather [hbm4b:s23+s3], $0x80, v6, vm0, $0xb8;
	[tilespmem:$0x1A480] =	vst v63  }
0x350: {  	v5 =	vor.u32 v4, v5;
	s8 =	simm.s32 $0x11800  }
0x351: {  	[tilespmem:s8], [sflag:$0x2] =	stream.indirect_vreg.gather [hbm4b:s15+s3], $0x80, v6, vm0, $0xb8;
	[tilespmem:$0x1A480] =	vst v63  }
0x352: {  	_ =	swait.ge [sflag:s17], $0x8000  }
0x353: {  	[sflag:s17] =	ssyncset.done $0x0  }
0x354: {  	[sflag:s17] =	ssyncadd.s32 $0xFFFF8000  }
0x355: {  	v5 =	vld.idx.msk [tilespmem:v5+s20+$0x0], vm3  }
0x356: {  	v6 =	vld [tilespmem:$0x1A400];
	_ =	sdelay $0x3  }
0x357: {  	v5 =	vnsel vm3, $0x0, v5  }
0x358: {  	v5 =	vadd.f32 v5, v6;
	_ =	sdelay $0x1  }
0x359: {  	s8 =	sadd.s32 $0x6000, s7;
	[tilespmem:$0x1A400] =	vst v5  }
0x35a: {  	[hbm4b:s8+s3] =	stream.linear.scatter [tilespmem:s20], [sflag:$0x4], $0x8000, $0x38;
	[tilespmem:$0x1A480] =	vst v63  }
0x35b: {  	s8 =	simm.s32 $0x6  }
0x35c: {  	_ =	swait.ge [sflag:s8], $0x8000  }
0x35d: {  	[sflag:s8] =	ssyncset.done $0x0  }
0x35e: {  	[sflag:s8] =	ssyncadd.s32 $0xFFFF8000  }
0x35f: {  	v5 =	vld.msk [tilespmem:s1+$0x80], $0xff;
	_ =	sdelay $0x4  }
0x360: {  	v6 =	vshll.u32 v5, $0x6  }
0x361: {  	v5 =	vand.u32 $0x7, v5;
	v6 =	vand.u32 $0xFFFFFE00, v6  }
0x362: {  	v5 =	vor.u32 v5, v6  }
0x363: {  	v5 =	vperm.xlane v5, v1;
	_ =	sdelay $0x1  }
0x364: {  	v5 =	vadd.s32 v2, v5;
	_ =	sdelay $0x4  }
0x365: {  	[tilespmem:s22], [sflag:$0x3] =	stream.indirect_vreg.gather [hbm4b:s21+s3], $0x80, v5, vm0, $0xb8;
	[tilespmem:$0x1A480] =	vst v63  }
0x366: {  	s8 =	simm.s32 $0x12800  }
0x367: {  	[tilespmem:s8], [sflag:$0x3] =	stream.indirect_vreg.gather [hbm4b:s9+s3], $0x80, v5, vm0, $0xb8;
	[tilespmem:$0x1A480] =	vst v63  }
0x368: {  	s8 =	simm.s32 $0x13000  }
0x369: {  	[tilespmem:s8], [sflag:$0x3] =	stream.indirect_vreg.gather [hbm4b:s10+s3], $0x80, v5, vm0, $0xb8;
	[tilespmem:$0x1A480] =	vst v63  }
0x36a: {  	s8 =	simm.s32 $0x13800  }
0x36b: {  	[tilespmem:s8], [sflag:$0x3] =	stream.indirect_vreg.gather [hbm4b:s11+s3], $0x80, v5, vm0, $0xb8;
	[tilespmem:$0x1A480] =	vst v63  }
0x36c: {  	s8 =	simm.s32 $0x14000  }
0x36d: {  	[tilespmem:s8], [sflag:$0x3] =	stream.indirect_vreg.gather [hbm4b:s12+s3], $0x80, v5, vm0, $0xb8;
	[tilespmem:$0x1A480] =	vst v63  }
0x36e: {  	s8 =	simm.s32 $0x14800  }
0x36f: {  	[tilespmem:s8], [sflag:$0x3] =	stream.indirect_vreg.gather [hbm4b:s13+s3], $0x80, v5, vm0, $0xb8;
	[tilespmem:$0x1A480] =	vst v63  }
0x370: {  	s8 =	simm.s32 $0x15000  }
0x371: {  	[tilespmem:s8], [sflag:$0x3] =	stream.indirect_vreg.gather [hbm4b:s14+s3], $0x80, v5, vm0, $0xb8;
	[tilespmem:$0x1A480] =	vst v63  }
0x372: {  	s8 =	simm.s32 $0x15800  }
0x373: {  	[tilespmem:s8], [sflag:$0x3] =	stream.indirect_vreg.gather [hbm4b:s18+s3], $0x80, v5, vm0, $0xb8;
	[tilespmem:$0x1A480] =	vst v63  }
0x374: {  	s8 =	simm.s32 $0x16000  }
0x375: {  	[tilespmem:s8], [sflag:$0x3] =	stream.indirect_vreg.gather [hbm4b:s26+s3], $0x80, v5, vm0, $0xb8;
	[tilespmem:$0x1A480] =	vst v63  }
0x376: {  	s8 =	simm.s32 $0x16800  }
0x377: {  	[tilespmem:s8], [sflag:$0x3] =	stream.indirect_vreg.gather [hbm4b:s28+s3], $0x80, v5, vm0, $0xb8;
	[tilespmem:$0x1A480] =	vst v63  }
0x378: {  	s8 =	simm.s32 $0x17000  }
0x379: {  	[tilespmem:s8], [sflag:$0x3] =	stream.indirect_vreg.gather [hbm4b:s29+s3], $0x80, v5, vm0, $0xb8;
	[tilespmem:$0x1A480] =	vst v63  }
0x37a: {  	s8 =	simm.s32 $0x17800  }
0x37b: {  	[tilespmem:s8], [sflag:$0x3] =	stream.indirect_vreg.gather [hbm4b:s30+s3], $0x80, v5, vm0, $0xb8;
	[tilespmem:$0x1A480] =	vst v63  }
0x37c: {  	s8 =	simm.s32 $0x18000  }
0x37d: {  	[tilespmem:s8], [sflag:$0x3] =	stream.indirect_vreg.gather [hbm4b:s31+s3], $0x80, v5, vm0, $0xb8;
	[tilespmem:$0x1A480] =	vst v63  }
0x37e: {  	s8 =	simm.s32 $0x18800  }
0x37f: {  	[tilespmem:s8], [sflag:$0x3] =	stream.indirect_vreg.gather [hbm4b:s24+s3], $0x80, v5, vm0, $0xb8;
	[tilespmem:$0x1A480] =	vst v63  }
0x380: {  	s8 =	simm.s32 $0x19000  }
0x381: {  	[tilespmem:s8], [sflag:$0x3] =	stream.indirect_vreg.gather [hbm4b:s23+s3], $0x80, v5, vm0, $0xb8;
	[tilespmem:$0x1A480] =	vst v63  }
0x382: {  	s8 =	simm.s32 $0x19800  }
0x383: {  	[tilespmem:s8], [sflag:$0x3] =	stream.indirect_vreg.gather [hbm4b:s15+s3], $0x80, v5, vm0, $0xb8;
	[tilespmem:$0x1A480] =	vst v63  }
0x384: {  	v5 =	vld [tilespmem:s2+$0x0]  }
0x385: {  	v6 =	vld [tilespmem:s5+$0x0];
	_ =	sdelay $0x3  }
0x386: {  	v7 =	vshll.u32 v5, $0x3  }
0x387: {  	vm3 =	veq.s32 v6, $0x0;
	v5 =	vand.u32 $0x7F, v5;
	v6 =	vand.u32 $0xFFFFFC00, v7  }
0x388: {  	vm15 =	vmand vm3, vm1;
	v5 =	vor.u32 v5, v6  }
0x389: {  	v6 =	vor.u32 v3, v5;
	_ =	sdelay $0x1  }
0x38a: {  	_ =	swait.ge [sflag:s4], $0x8000  }
0x38b: {  	[sflag:s4] =	ssyncset.done $0x0  }
0x38c: {  	[sflag:s4] =	ssyncadd.s32 $0xFFFF8000  }
0x38d: {  	v6 =	vld.idx.msk [tilespmem:v6+s16+$0x0], vm15  }
0x38e: {  	v7 =	vld [tilespmem:$0x1A400];
	_ =	sdelay $0x3  }
0x38f: {  	v6 =	vnsel vm15, $0x0, v6  }
0x390: {  	v6 =	vadd.f32 v6, v7;
	_ =	sdelay $0x1  }
0x391: {  	s8 =	sadd.s32 $0x8000, s7;
	[tilespmem:$0x1A400] =	vst v6  }
0x392: {  	[hbm4b:s8+s3] =	stream.linear.scatter [tilespmem:s16], [sflag:$0x5], $0x8000, $0x38;
	[tilespmem:$0x1A480] =	vst v63  }
0x393: {  	_ =	swait.ge [sflag:s25], $0x8000  }
0x394: {  	[sflag:s25] =	ssyncset.done $0x0  }
0x395: {  	[sflag:s25] =	ssyncadd.s32 $0xFFFF8000  }
0x396: {  	v6 =	vld.msk [tilespmem:s1+$0x100], $0xff;
	_ =	sdelay $0x4  }
0x397: {  	v7 =	vshll.u32 v6, $0x6  }
0x398: {  	v6 =	vand.u32 $0x7, v6;
	v7 =	vand.u32 $0xFFFFFE00, v7  }
0x399: {  	v6 =	vor.u32 v6, v7  }
0x39a: {  	v6 =	vperm.xlane v6, v1;
	_ =	sdelay $0x1  }
0x39b: {  	v6 =	vadd.s32 v2, v6;
	_ =	sdelay $0x4  }
0x39c: {  	[tilespmem:s20], [sflag:$0x1] =	stream.indirect_vreg.gather [hbm4b:s21+s3], $0x80, v6, vm0, $0xb8;
	[tilespmem:$0x1A480] =	vst v63  }
0x39d: {  	s20 =	simm.s32 $0x2800  }
0x39e: {  	[tilespmem:s20], [sflag:$0x1] =	stream.indirect_vreg.gather [hbm4b:s9+s3], $0x80, v6, vm0, $0xb8;
	[tilespmem:$0x1A480] =	vst v63  }
0x39f: {  	s20 =	simm.s32 $0x3000  }
0x3a0: {  	[tilespmem:s20], [sflag:$0x1] =	stream.indirect_vreg.gather [hbm4b:s10+s3], $0x80, v6, vm0, $0xb8;
	[tilespmem:$0x1A480] =	vst v63  }
0x3a1: {  	s20 =	simm.s32 $0x3800  }
0x3a2: {  	[tilespmem:s20], [sflag:$0x1] =	stream.indirect_vreg.gather [hbm4b:s11+s3], $0x80, v6, vm0, $0xb8;
	[tilespmem:$0x1A480] =	vst v63  }
0x3a3: {  	s20 =	simm.s32 $0x4000  }
0x3a4: {  	[tilespmem:s20], [sflag:$0x1] =	stream.indirect_vreg.gather [hbm4b:s12+s3], $0x80, v6, vm0, $0xb8;
	[tilespmem:$0x1A480] =	vst v63  }
0x3a5: {  	s20 =	simm.s32 $0x4800  }
0x3a6: {  	[tilespmem:s20], [sflag:$0x1] =	stream.indirect_vreg.gather [hbm4b:s13+s3], $0x80, v6, vm0, $0xb8;
	[tilespmem:$0x1A480] =	vst v63  }
0x3a7: {  	s20 =	simm.s32 $0x5000  }
0x3a8: {  	[tilespmem:s20], [sflag:$0x1] =	stream.indirect_vreg.gather [hbm4b:s14+s3], $0x80, v6, vm0, $0xb8;
	[tilespmem:$0x1A480] =	vst v63  }
0x3a9: {  	s20 =	simm.s32 $0x5800  }
0x3aa: {  	[tilespmem:s20], [sflag:$0x1] =	stream.indirect_vreg.gather [hbm4b:s18+s3], $0x80, v6, vm0, $0xb8;
	[tilespmem:$0x1A480] =	vst v63  }
0x3ab: {  	s20 =	simm.s32 $0x6000  }
0x3ac: {  	[tilespmem:s20], [sflag:$0x1] =	stream.indirect_vreg.gather [hbm4b:s26+s3], $0x80, v6, vm0, $0xb8;
	[tilespmem:$0x1A480] =	vst v63  }
0x3ad: {  	s20 =	simm.s32 $0x6800  }
0x3ae: {  	[tilespmem:s20], [sflag:$0x1] =	stream.indirect_vreg.gather [hbm4b:s28+s3], $0x80, v6, vm0, $0xb8;
	[tilespmem:$0x1A480] =	vst v63  }
0x3af: {  	s20 =	simm.s32 $0x7000  }
0x3b0: {  	[tilespmem:s20], [sflag:$0x1] =	stream.indirect_vreg.gather [hbm4b:s29+s3], $0x80, v6, vm0, $0xb8;
	[tilespmem:$0x1A480] =	vst v63  }
0x3b1: {  	s20 =	simm.s32 $0x7800  }
0x3b2: {  	[tilespmem:s20], [sflag:$0x1] =	stream.indirect_vreg.gather [hbm4b:s30+s3], $0x80, v6, vm0, $0xb8;
	[tilespmem:$0x1A480] =	vst v63  }
0x3b3: {  	s20 =	simm.s32 $0x8000  }
0x3b4: {  	[tilespmem:s20], [sflag:$0x1] =	stream.indirect_vreg.gather [hbm4b:s31+s3], $0x80, v6, vm0, $0xb8;
	[tilespmem:$0x1A480] =	vst v63  }
0x3b5: {  	s20 =	simm.s32 $0x8800  }
0x3b6: {  	[tilespmem:s20], [sflag:$0x1] =	stream.indirect_vreg.gather [hbm4b:s24+s3], $0x80, v6, vm0, $0xb8;
	[tilespmem:$0x1A480] =	vst v63  }
0x3b7: {  	s20 =	simm.s32 $0x9000  }
0x3b8: {  	vm3 =	vmand vm3, vm2;
	[tilespmem:s20], [sflag:$0x1] =	stream.indirect_vreg.gather [hbm4b:s23+s3], $0x80, v6, vm0, $0xb8;
	[tilespmem:$0x1A480] =	vst v63  }
0x3b9: {  	v5 =	vor.u32 v4, v5;
	s20 =	simm.s32 $0x9800  }
0x3ba: {  	[tilespmem:s20], [sflag:$0x1] =	stream.indirect_vreg.gather [hbm4b:s15+s3], $0x80, v6, vm0, $0xb8;
	[tilespmem:$0x1A480] =	vst v63  }
0x3bb: {  	_ =	swait.ge [sflag:s6], $0x8000  }
0x3bc: {  	[sflag:s6] =	ssyncset.done $0x0  }
0x3bd: {  	[sflag:s6] =	ssyncadd.s32 $0xFFFF8000  }
0x3be: {  	v5 =	vld.idx.msk [tilespmem:v5+s22+$0x0], vm3  }
0x3bf: {  	v6 =	vld [tilespmem:$0x1A400];
	_ =	sdelay $0x3  }
0x3c0: {  	v5 =	vnsel vm3, $0x0, v5  }
0x3c1: {  	v5 =	vadd.f32 v5, v6;
	_ =	sdelay $0x1  }
0x3c2: {  	s7 =	sadd.s32 $0xA000, s7;
	[tilespmem:$0x1A400] =	vst v5  }
0x3c3: {  	[hbm4b:s7+s3] =	stream.linear.scatter [tilespmem:s22], [sflag:$0x6], $0x8000, $0x38;
	[tilespmem:$0x1A480] =	vst v63  }
0x3c4: {  	_ =	swait.ge [sflag:s19], $0x8000  }
0x3c5: {  	[sflag:s19] =	ssyncset.done $0x0  }
0x3c6: {  	[sflag:s19] =	ssyncadd.s32 $0xFFFF8000  }
0x3c7: {  	v5 =	vld.msk [tilespmem:s1+$0x180], $0xff;
	_ =	sdelay $0x4  }
0x3c8: {  	v6 =	vshll.u32 v5, $0x6  }
0x3c9: {  	v5 =	vand.u32 $0x7, v5;
	v6 =	vand.u32 $0xFFFFFE00, v6  }
0x3ca: {  	v5 =	vor.u32 v5, v6  }
0x3cb: {  	v5 =	vperm.xlane v5, v1;
	_ =	sdelay $0x1  }
0x3cc: {  	v5 =	vadd.s32 v2, v5;
	_ =	sdelay $0x4  }
0x3cd: {  	[tilespmem:s16], [sflag:$0x2] =	stream.indirect_vreg.gather [hbm4b:s21+s3], $0x80, v5, vm0, $0xb8;
	[tilespmem:$0x1A480] =	vst v63  }
0x3ce: {  	s8 =	simm.s32 $0xA800  }
0x3cf: {  	[tilespmem:s8], [sflag:$0x2] =	stream.indirect_vreg.gather [hbm4b:s9+s3], $0x80, v5, vm0, $0xb8;
	[tilespmem:$0x1A480] =	vst v63  }
0x3d0: {  	s16 =	simm.s32 $0xB000  }
0x3d1: {  	[tilespmem:s16], [sflag:$0x2] =	stream.indirect_vreg.gather [hbm4b:s10+s3], $0x80, v5, vm0, $0xb8;
	[tilespmem:$0x1A480] =	vst v63  }
0x3d2: {  	s20 =	simm.s32 $0xB800  }
0x3d3: {  	[tilespmem:s20], [sflag:$0x2] =	stream.indirect_vreg.gather [hbm4b:s11+s3], $0x80, v5, vm0, $0xb8;
	[tilespmem:$0x1A480] =	vst v63  }
0x3d4: {  	s8 =	simm.s32 $0xC000  }
0x3d5: {  	[tilespmem:s8], [sflag:$0x2] =	stream.indirect_vreg.gather [hbm4b:s12+s3], $0x80, v5, vm0, $0xb8;
	[tilespmem:$0x1A480] =	vst v63  }
0x3d6: {  	s16 =	simm.s32 $0xC800  }
0x3d7: {  	[tilespmem:s16], [sflag:$0x2] =	stream.indirect_vreg.gather [hbm4b:s13+s3], $0x80, v5, vm0, $0xb8;
	[tilespmem:$0x1A480] =	vst v63  }
0x3d8: {  	s20 =	simm.s32 $0xD000  }
0x3d9: {  	[tilespmem:s20], [sflag:$0x2] =	stream.indirect_vreg.gather [hbm4b:s14+s3], $0x80, v5, vm0, $0xb8;
	[tilespmem:$0x1A480] =	vst v63  }
0x3da: {  	s8 =	simm.s32 $0xD800  }
0x3db: {  	[tilespmem:s8], [sflag:$0x2] =	stream.indirect_vreg.gather [hbm4b:s18+s3], $0x80, v5, vm0, $0xb8;
	[tilespmem:$0x1A480] =	vst v63  }
0x3dc: {  	s16 =	simm.s32 $0xE000  }
0x3dd: {  	[tilespmem:s16], [sflag:$0x2] =	stream.indirect_vreg.gather [hbm4b:s26+s3], $0x80, v5, vm0, $0xb8;
	[tilespmem:$0x1A480] =	vst v63  }
0x3de: {  	s20 =	simm.s32 $0xE800  }
0x3df: {  	[tilespmem:s20], [sflag:$0x2] =	stream.indirect_vreg.gather [hbm4b:s28+s3], $0x80, v5, vm0, $0xb8;
	[tilespmem:$0x1A480] =	vst v63  }
0x3e0: {  	s8 =	simm.s32 $0xF000  }
0x3e1: {  	[tilespmem:s8], [sflag:$0x2] =	stream.indirect_vreg.gather [hbm4b:s29+s3], $0x80, v5, vm0, $0xb8;
	[tilespmem:$0x1A480] =	vst v63  }
0x3e2: {  	s16 =	simm.s32 $0xF800  }
0x3e3: {  	[tilespmem:s16], [sflag:$0x2] =	stream.indirect_vreg.gather [hbm4b:s30+s3], $0x80, v5, vm0, $0xb8;
	[tilespmem:$0x1A480] =	vst v63  }
0x3e4: {  	s0 =	sadd.s32 $0xC000, s0;
	s20 =	simm.s32 $0x10000  }
0x3e5: {  	[tilespmem:s20], [sflag:$0x2] =	stream.indirect_vreg.gather [hbm4b:s31+s3], $0x80, v5, vm0, $0xb8;
	[tilespmem:$0x1A480] =	vst v63  }
0x3e6: {  	p1 =	seq.s32 s0, $0x78000;
	s8 =	simm.s32 $0x10800  }
0x3e7: {  	[tilespmem:s8], [sflag:$0x2] =	stream.indirect_vreg.gather [hbm4b:s24+s3], $0x80, v5, vm0, $0xb8;
	[tilespmem:$0x1A480] =	vst v63  }
.Ltmp5:
0x3e8: {  	_ = 	snop;
	(pc) =	sbr.rel @!p1 .LBB2_3-.Ltmp5, $4  }
0x3e9: {  	s2 =	sadd.s32 $0x30, s2;
	s16 =	simm.s32 $0x11000  }
0x3ea: {  	[tilespmem:s16], [sflag:$0x2] =	stream.indirect_vreg.gather [hbm4b:s23+s3], $0x80, v5, vm0, $0xb8;
	[tilespmem:$0x1A480] =	vst v63  }
0x3eb: {  	s5 =	sadd.s32 $0x30, s5;
	s1 =	sadd.s32 $0x300, s1;
	s20 =	simm.s32 $0x11800  }
0x3ec: {  	[tilespmem:s20], [sflag:$0x2] =	stream.indirect_vreg.gather [hbm4b:s15+s3], $0x80, v5, vm0, $0xb8;
	[tilespmem:$0x1A480] =	vst v63  }
.Ltmp6:
0x3ed: {  	_ = 	snop;
	(pc) =	sbr.rel .LBB2_4-.Ltmp6, $1  }
0x3ee: {  	_ =	sdelay $0x3  }
.LBB2_9:
0x3ef: {  	_ =	sfence.sel $0x180000  }
0x3f0: {  	[bflag:$0x0] =	sbarrier.arrive $0xFFFF  }
0x3f1: {  	_ =	strace $0x90000047  }
0x3f2: {  	s0 =	stileid.u32;
	[bflag:$0x2] =	sbarrier.arrive $0xFFFF  }
0x3f3: {  	p0 =	sne.s32 s0, $0x0;
	s0 =	rddreg [dreg:$0x3]  }
0x3f4: {  	s0 =	sadd.s32 @!p0 $0x100000, s0  }
0x3f5: {  	[sflag:s0] =	ssyncadd.tile.s32 @!p0 $0x1;
	_ =	shalt  }
.Lfunc_end2:
_tile_overlayer_lowered:
.L_overlay_start_2:
0x3f6: {  	(tag) =	ssettag $0x2  }
0x3f7: {  	s0 =	rddreg [dreg:$0x0];
	s2 =	stileid.u32  }
0x3f8: {  	s1 =	rddreg [dreg:$0x1];
	p0 =	sne.s32 s2, $0x0  }
0x3f9: {  	s3 =	rddreg [dreg:$0x2];
	[bflag:$0x3] =	sbarrier.arrive $0xFFFF;
	s2 =	simm.s32 @!p0 $0x1C07  }
0x3fa: {  	[timem:s3], [sflag:s2] =	dma.local @!p0 [hbm:s0], s1  }
0x3fb: {  	s0 =	simm.s32 @!p0 $0x7  }
0x3fc: {  	_ =	swait.ge @!p0 [sflag:s0], s1  }
0x3fd: {  	s1 =	ssub.s32 @!p0 $0x0, s1;
	[sflag:s0] =	ssyncset.done @!p0 $0x0  }
0x3fe: {  	[sflag:s0] =	ssyncadd.s32 @!p0 s1  }
0x3ff: {  	[bflag:$0x3] =	sbarrier.arrive $0xFFFF  }
0x400: {  	_ =	shalt  }

// kernel: kernel.9.cloned.1.call-start
scs
__scs_entry_jumppad:
0x0: {  	(pc) =	sbr.rel $0x88, $3  }
0x1: {  	(tag) =	ssettag $0x0;
	lr =	simm.s32 $0x1  }
0x2: {  	[smem:$0x3F9E] =	sst lr;
	_ =	strace $0xD0000000  }
0x3: {  	_ = 	snop  }
0x4: {  	_ = 	snop  }
0x5: {  	_ = 	snop  }
0x6: {  	_ = 	snop  }
0x7: {  	_ = 	snop  }
__scs_overlays_trampoline_lowered:
0x8: {  	[smem:$0x3FAD] =	sst s0  }
0x9: {  	[smem:$0x3FAE] =	sst s1  }
0xa: {  	[smem:$0x3FAF] =	sst s2  }
0xb: {  	[smem:$0x3FB0] =	sst s3  }
0xc: {  	[smem:$0x3FB1] =	sst s4  }
0xd: {  	[smem:$0x3FB2] =	sst s5  }
0xe: {  	[smem:$0x3FB3] =	sst s6  }
0xf: {  	[smem:$0x3FB4] =	sst s7  }
0x10: {  	[smem:$0x3FB5] =	sst s8  }
0x11: {  	[smem:$0x3FB6] =	sst s9;
	s0 =	simm.s32 @!p0 $0x0  }
0x12: {  	s1 =	sld [smem:$0x3F9C];
	s0 =	simm.s32 @p0 $0x1  }
0x13: {  	[smem:$0x3FB7] =	sst s0;
	s0 =	simm.s32 @!p1 $0x0  }
0x14: {  	s2 =	sld [smem:$0x3F9B];
	s0 =	simm.s32 @p1 $0x1  }
0x15: {  	[smem:$0x3FB8] =	sst s0;
	s0 =	simm.s32 @!p2 $0x0  }
0x16: {  	s3 =	sld [smem:$0x3FDB];
	s0 =	simm.s32 @p2 $0x1  }
0x17: {  	s4 =	simm.s32 $0x1BF5;
	[smem:$0x3FBA] =	sst s0  }
0x18: {  	s0 =	sld [smem:$0x3F9D];
	_ =	swait.ge [sflag:s4], $0x0  }
0x19: {  	s7 =	sld [smem:$0x3F9E]  }
0x1a: {  	s8 =	sadd.s32 $0xFFFFE003, lr  }
0x1b: {  	s9 =	sadd.s32 $0xFFFFFEF7, lr;
	s5 =	simm.s32 $0xFFFFFFFF;
	p2 =	slt.u32 s8, $0xFFFFF086  }
0x1c: {  	p1 =	slt.u32 s9, $0xF7A;
	s5 =	simm.s32 @!p2 $0x0  }
0x1d: {  	s5 =	simm.s32 @p1 $0x1;
	p0 =	seq.s32 s7, s2  }
0x1e: {  	s7 =	smul.u32 @!p0 $0xF7A, s2;
	p2 =	seq.s32 @!p0 s5, $0x0  }
0x1f: {  	s9 =	smul.u32 $0xF7A, s1;
	s8 =	simm.s32 @!p0 $0x1BF5;
	p2 =	por !p2, p0  }
0x20: {  	[sflag:s8] =	ssyncset.s32 @!p0 $0xFFFFF086;
	s6 =	sadd.s32 @!p0 s3, s7;
	s7 =	simm.s32 @!p0 $0x108  }
0x21: {  	s3 =	sadd.s32 s3, s9;
	s6 =	sadd.s32 @!p0 $0x88, s6;
	s7 =	simm.s32 @p2 $0x1082  }
0x22: {  	[simem:s7], [sflag:s8] =	dma.local @!p0 [hbm:s6], $0xF7A  }
0x23: {  	s9 =	sor.u32 $0xD0000000, s2;
	s6 =	simm.s32 $0x108;
	_ =	swait.ge @!p0 [sflag:s8], $0x0  }
0x24: {  	s3 =	sadd.s32 $0x88, s3;
	s6 =	simm.s32 @!p1 $0x1082;
	[sflag:s4] =	ssyncset.s32 $0xFFFFF086  }
0x25: {  	[simem:s6], [sflag:s4] =	dma.local [hbm:s3], $0xF7A  }
0x26: {  	[smem:$0x3F9E] =	sst s1;
	(tag) =	ssettag s2;
	_ =	strace s9  }
0x27: {  	s1 =	sld [smem:$0x3FAE]  }
0x28: {  	s2 =	sld [smem:$0x3FAF]  }
0x29: {  	s4 =	sld [smem:$0x3FB1]  }
0x2a: {  	p0 =	seq.s32 s5, $0x0;
	s5 =	sld [smem:$0x3FB2]  }
0x2b: {  	s6 =	sld [smem:$0x3FB3]  }
0x2c: {  	s7 =	sld [smem:$0x3FB4]  }
0x2d: {  	s3 =	simm.s32 $0x108;
	s8 =	sld [smem:$0x3FB5]  }
0x2e: {  	s3 =	simm.s32 @!p0 $0x1082;
	s9 =	sld [smem:$0x3FB6]  }
0x2f: {  	lr =	sadd.s32 s0, s3;
	s0 =	sld [smem:$0x3FAD]  }
0x30: {  	s3 =	sld [smem:$0x3FB0]  }
0x31: {  	[smem:$0x3FB9] =	sst s10  }
0x32: {  	s10 =	sld [smem:$0x3FB7];
	_ =	sdelay $0x3  }
0x33: {  	p0 =	seq.s32 s10, $0x1;
	s10 =	sld [smem:$0x3FB9];
	_ =	sdelay $0x3  }
0x34: {  	[smem:$0x3FB9] =	sst s10  }
0x35: {  	s10 =	sld [smem:$0x3FB8];
	_ =	sdelay $0x3  }
0x36: {  	p1 =	seq.s32 s10, $0x1;
	s10 =	sld [smem:$0x3FB9];
	_ =	sdelay $0x3  }
0x37: {  	[smem:$0x3FB9] =	sst s10  }
0x38: {  	s10 =	sld [smem:$0x3FBA]  }
0x39: {  	_ = 	snop;
	(pc) =	sbr.ind lr, $3  }
0x3a: {  	_ = 	snop  }
0x3b: {  	_ = 	snop  }
0x3c: {  	p2 =	seq.s32 s10, $0x1;
	s10 =	sld [smem:$0x3FB9]  }
0x3d: {  	_ =	shalt  }
0x3e: {  	_ =	shalt  }
0x3f: {  	_ =	shalt  }
0x40: {  	_ =	shalt  }
0x41: {  	_ =	shalt  }
0x42: {  	_ =	shalt  }
0x43: {  	_ =	shalt  }
0x44: {  	_ =	shalt  }
0x45: {  	_ =	shalt  }
0x46: {  	_ =	shalt  }
0x47: {  	_ =	shalt  }
0x48: {  	_ =	shalt  }
0x49: {  	_ =	shalt  }
0x4a: {  	_ =	shalt  }
0x4b: {  	_ =	shalt  }
0x4c: {  	_ =	shalt  }
0x4d: {  	_ =	shalt  }
0x4e: {  	_ =	shalt  }
0x4f: {  	_ =	shalt  }
0x50: {  	_ =	shalt  }
0x51: {  	_ =	shalt  }
0x52: {  	_ =	shalt  }
0x53: {  	_ =	shalt  }
0x54: {  	_ =	shalt  }
0x55: {  	_ =	shalt  }
0x56: {  	_ =	shalt  }
0x57: {  	_ =	shalt  }
0x58: {  	_ =	shalt  }
0x59: {  	_ =	shalt  }
0x5a: {  	_ =	shalt  }
0x5b: {  	_ =	shalt  }
0x5c: {  	_ =	shalt  }
0x5d: {  	_ =	shalt  }
0x5e: {  	_ =	shalt  }
0x5f: {  	_ =	shalt  }
0x60: {  	_ =	shalt  }
0x61: {  	_ =	shalt  }
0x62: {  	_ =	shalt  }
0x63: {  	_ =	shalt  }
0x64: {  	_ =	shalt  }
0x65: {  	_ =	shalt  }
0x66: {  	_ =	shalt  }
0x67: {  	_ =	shalt  }
0x68: {  	_ =	shalt  }
0x69: {  	_ =	shalt  }
0x6a: {  	_ =	shalt  }
0x6b: {  	_ =	shalt  }
0x6c: {  	_ =	shalt  }
0x6d: {  	_ =	shalt  }
0x6e: {  	_ =	shalt  }
0x6f: {  	_ =	shalt  }
0x70: {  	_ =	shalt  }
0x71: {  	_ =	shalt  }
0x72: {  	_ =	shalt  }
0x73: {  	_ =	shalt  }
0x74: {  	_ =	shalt  }
0x75: {  	_ =	shalt  }
0x76: {  	_ =	shalt  }
0x77: {  	_ =	shalt  }
0x78: {  	_ =	shalt  }
0x79: {  	_ =	shalt  }
0x7a: {  	_ =	shalt  }
0x7b: {  	_ =	shalt  }
0x7c: {  	_ =	shalt  }
0x7d: {  	_ =	shalt  }
0x7e: {  	_ =	shalt  }
0x7f: {  	_ =	shalt  }
0x80: {  	_ =	shalt  }
0x81: {  	_ =	shalt  }
0x82: {  	_ =	shalt  }
0x83: {  	_ =	shalt  }
0x84: {  	_ =	shalt  }
0x85: {  	_ =	shalt  }
0x86: {  	_ =	shalt  }
0x87: {  	_ =	shalt  }
.Lfunc_end0:
.L_simem_size_0:
called_computation.1_lowered:
.L_overlay_start_0:
0x88: {  	s2 =	sld [smem:$0x3FD9]  }
0x89: {  	s3 =	sld [smem:$0x3FFE];
	_ =	sdelay $0x1  }
0x8a: {  	s1 =	srdreg.scid  }
0x8b: {  	s0 =	sand.u32 $0x1, s1  }
0x8c: {  	s17 =	sshll.u32 s0, $0xA;
	s2 =	sadd.s32 s3, s2  }
0x8d: {  	s2 =	sadd.s32 s2, s17  }
0x8e: {  	[smem:$0x3FC5] =	sst s2  }
0x8f: {  	_ = 	snop  }
0x90: {  	(tm) =	ssettm $0x1  }
0x91: {  	s18 =	sld [smem:$0x3FFB];
	_ =	sdelay $0x3  }
0x92: {  	_ =	strace s18  }
0x93: {  	s2 =	sld [smem:$0x3FFC];
	_ =	sdelay $0x3  }
0x94: {  	_ =	strace s2  }
0x95: {  	s2 =	sld [smem:$0x3FFD];
	_ =	sdelay $0x3  }
0x96: {  	_ =	strace s2  }
0x97: {  	_ =	strace $0x8FFFFFFF  }
0x98: {  	s19 =	sld [smem:$0x3FDB];
	_ =	sdelay $0x1  }
0x99: {  	s20 =	simm.s32 $_scs_section_size  }
0x9a: {  	s4 =	simm.s32 $_size__tile_overlayer_lowered;
	s5 =	simm.s32 $_tile_overlayer_lowered  }
0x9b: {  	s6 =	simm.s32 $0x1BFF;
	s21 =	sshll.u32 s5, $0x1;
	s3 =	sadd.s32 s20, s19  }
0x9c: {  	s22 =	simm.s32 $0x0;
	s4 =	sshll.u32 s4, $0x1;
	s5 =	sadd.s32 s21, s3  }
0x9d: {  	[timem:s22], [sflag:s6] =	dma.local [hbm:s5], s4  }
0x9e: {  	_ =	swait.ge [sflag:s6], s4  }
0x9f: {  	s4 =	ssub.s32 $0x0, s4;
	[sflag:s6] =	ssyncset.done $0x0  }
0xa0: {  	[sflag:s6] =	ssyncadd.s32 s4;
	_ =	sdelay $0x1  }
0xa1: {  	s23 =	simm.s32 $0x1B8B  }
0xa2: {  	_ =	swait.ge [sflag:s23], $0x1  }
0xa3: {  	[sflag:s23] =	ssyncset.done $0x0  }
0xa4: {  	[sflag:s23] =	ssyncadd.s32 $0xFFFFFFFF  }
0xa5: {  	s4 =	sld [smem:$0x0]  }
0xa6: {  	s5 =	sand.u32 $0xFFFFFFFE, s1  }
0xa7: {  	p0 =	sne.s32 s1, s5  }
0xa8: {  	s5 =	sshll.u32 @p0 s5, $0xE  }
0xa9: {  	s5 =	sadd.s32 @p0 $0x11B8D, s5;
	s6 =	sshll.u32 @p0 s4, $0x11  }
0xaa: {  	s5 =	sor.u32 @p0 s6, s5  }
0xab: {  	[sflag:s5] =	ssyncadd.remote.s32 @p0 $0x1;
	_ =	sdelay $0x1  }
0xac: {  	s5 =	simm.s32 @p0 $0x1B8D  }
0xad: {  	_ =	swait.eq @p0 [sflag:s5], $0x1  }
0xae: {  	[sflag:s5] =	ssyncadd.s32 @p0 $0xFFFFFFFF  }
0xaf: {  	s6 =	sshll.u32 @!p0 s1, $0xE  }
0xb0: {  	s6 =	sor.u32 @!p0 $0x4000, s6;
	s5 =	simm.s32 @!p0 $0x1B8D  }
0xb1: {  	s4 =	sshll.u32 @!p0 s4, $0x11;
	s6 =	sadd.s32 @!p0 $0x11B8D, s6;
	_ =	swait.eq @!p0 [sflag:s5], $0x1  }
0xb2: {  	s4 =	sor.u32 @!p0 s4, s6;
	[sflag:s5] =	ssyncadd.s32 @!p0 $0xFFFFFFFF  }
0xb3: {  	s25 =	simm.s32 $0x1B8E;
	s24 =	sld [smem:$0x3FFE];
	[sflag:s4] =	ssyncadd.remote.s32 @!p0 $0x1  }
0xb4: {  	s26 =	simm.s32 $execute0_lowered;
	[smem:$0x3FD2] =	sst s25  }
0xb5: {  	s5 =	sshll.u32 s26, $0x1;
	_ =	strace $0x80000049;
	[dreg:$0x1] =	wrdreg $0xFFFFFFFF  }
0xb6: {  	s28 =	simm.s32 $_size_execute0_lowered;
	s3 =	sadd.s32 s3, s5;
	[dreg:$0x0] =	wrdreg $0x0  }
0xb7: {  	s5 =	sshll.u32 s28, $0x1;
	[dreg:$0x2] =	wrdreg s3  }
0xb8: {  	[dreg:$0x3] =	wrdreg s5  }
0xb9: {  	[dreg:$0x4] =	wrdreg $0xC0  }
0xba: {  	_ =	task [dreg:s22], $0x5FFFF  }
0xbb: {  	[dreg:$0x1] =	wrdreg $0xFFFFFFFF  }
0xbc: {  	[dreg:$0x0] =	wrdreg $0x60  }
0xbd: {  	[dreg:$0x2] =	wrdreg s24  }
0xbe: {  	[dreg:$0x3] =	wrdreg $0xA  }
0xbf: {  	_ =	task.clear_ibuf [dreg:s22], $0x4FFFF;
	_ =	strace $0x90000049  }
0xc0: {  	s29 =	simm.s32 $0xA;
	_ =	strace $0x8000004B  }
0xc1: {  	_ =	swait.ge [sflag:s29], $0x1  }
0xc2: {  	[sflag:s29] =	ssyncadd.s32 $0xFFFFFFFF  }
0xc3: {  	_ =	strace $0x9000004B  }
0xc4: {  	_ =	sfence  }
0xc5: {  	s30 =	sld [smem:$0x0];
	_ =	sdelay $0x2  }
0xc6: {  	s31 =	sshll.u32 s1, $0xD;
	s1 =	sshrl.u32 s1, $0x2  }
0xc7: {  	s4 =	sand.u32 $0x4000, s31;
	s1 =	sadd.s32 s1, s30  }
0xc8: {  	s0 =	sor.u32 s4, s0;
	s1 =	sshll.u32 s1, $0x11  }
0xc9: {  	s0 =	sor.u32 s1, s0  }
0xca: {  	s0 =	sadd.s32 $0x8F2B, s0  }
0xcb: {  	[sflag:s0] =	ssyncadd.remote.s32 $0x1  }
0xcc: {  	_ =	sfence.sel $0xFFFF  }
0xcd: {  	[dreg:$0x0] =	wrdreg $0xFFFFFFFF;
	(pc) =	sbr.abs _section_cstart, $3  }
0xce: {  	[dreg:$0x1] =	wrdreg $0xFFFFFFFF  }
0xcf: {  	_ =	task.clear_ibuf [dreg:s22], $0x2FFFF;
	_ =	strace $0x9FFFFFFF  }
0xd0: {  	(tm) =	ssettm $0x7FFFFFFF  }
0xd1: {  	_ =	shalt  }
tec
execute0_lowered:
.L_overlay_start_1:
0x0: {  	(tag) =	ssettag $0x1  }
0x1: {  	s7 =	rddreg [dreg:$0x0]  }
0x2: {  	s0 =	rddreg [dreg:$0x1];
	s2 =	simm.s32 $0x0;
	s3 =	srdreg.scid  }
0x3: {  	s1 =	stileid.u32;
	[smem:$0x7FF] =	sst s2  }
0x4: {  	s8 =	sand.u32 $0x1, s3;
	s4 =	sshll.u32 s1, $0x1;
	s3 =	sadd.s32 $0x6000, s7  }
0x5: {  	_ =	strace $0x8000004A;
	s9 =	sor.u32 s8, s4;
	s4 =	simm.s32 $0x1  }
0x6: {  	[tilespmem:s2], [sflag:$0x1] =	stream.linear.gather [hbm4b:s3+s2], $0x2000, $0x38;
	[tilespmem:$0x2180] =	vst v63  }
0x7: {  	s5 =	sshll.u32 s9, $0x5;
	_ =	swait.ge [sflag:s4], $0x2000  }
0x8: {  	s5 =	sadd.s32 s5, s7;
	[sflag:s4] =	ssyncset.done $0x0  }
0x9: {  	s6 =	simm.s32 $0x2000;
	s5 =	sadd.s32 $0x6400, s5;
	[sflag:s4] =	ssyncadd.s32 $0xFFFFE000  }
0xa: {  	[tilespmem:s6], [sflag:$0x1] =	stream.linear.gather [hbm4b:s5+s2], $0x100, $0x38;
	[tilespmem:$0x2180] =	vst v63  }
0xb: {  	_ =	swait.ge [sflag:s4], $0x100  }
0xc: {  	[sflag:s4] =	ssyncset.done $0x0  }
0xd: {  	[sflag:s4] =	ssyncadd.s32 $0xFFFFFF00  }
0xe: {  	v1 =	vld [tilespmem:$0x2000];
	_ =	sdelay $0x5  }
0xf: {  	v0 =	vimm.f32 $0.0e+00  }
0x10: {  	[tilespmem:$0x2100] =	vst v0;
	v2 =	vld [tilespmem:$0x2010]  }
0x11: {  	v1 =	vld.idx.msk [tilespmem:v1+s2+$0x0], $0xffff;
	_ =	sdelay $0x4  }
0x12: {  	v1 =	vadd.f32 $0.0e+00, v1;
	_ =	sdelay $0x1  }
0x13: {  	v3 =	vld [tilespmem:$0x2020];
	[tilespmem:$0x2100] =	vst v1  }
0x14: {  	v2 =	vld.idx.msk [tilespmem:v2+s2+$0x0], $0xffff;
	_ =	sdelay $0x4  }
0x15: {  	v1 =	vadd.f32 v2, v1;
	_ =	sdelay $0x1  }
0x16: {  	[tilespmem:$0x2100] =	vst v1  }
0x17: {  	v2 =	vld.idx.msk [tilespmem:v3+s2+$0x0], $0xffff  }
0x18: {  	v3 =	vld [tilespmem:$0x2030];
	_ =	sdelay $0x4  }
0x19: {  	v1 =	vadd.f32 v2, v1;
	_ =	sdelay $0x1  }
0x1a: {  	[tilespmem:$0x2100] =	vst v1  }
0x1b: {  	v2 =	vld.idx.msk [tilespmem:v3+s2+$0x0], $0xffff  }
0x1c: {  	v3 =	vld [tilespmem:$0x2040];
	_ =	sdelay $0x4  }
0x1d: {  	v1 =	vadd.f32 v2, v1;
	_ =	sdelay $0x1  }
0x1e: {  	[tilespmem:$0x2100] =	vst v1  }
0x1f: {  	v2 =	vld.idx.msk [tilespmem:v3+s2+$0x0], $0xffff  }
0x20: {  	v3 =	vld [tilespmem:$0x2050];
	_ =	sdelay $0x4  }
0x21: {  	v1 =	vadd.f32 v2, v1;
	_ =	sdelay $0x1  }
0x22: {  	[tilespmem:$0x2100] =	vst v1  }
0x23: {  	v2 =	vld.idx.msk [tilespmem:v3+s2+$0x0], $0xffff  }
0x24: {  	v3 =	vld [tilespmem:$0x2060];
	_ =	sdelay $0x4  }
0x25: {  	v1 =	vadd.f32 v2, v1;
	_ =	sdelay $0x1  }
0x26: {  	[tilespmem:$0x2100] =	vst v1  }
0x27: {  	v2 =	vld.idx.msk [tilespmem:v3+s2+$0x0], $0xffff  }
0x28: {  	v3 =	vld [tilespmem:$0x2070];
	_ =	sdelay $0x4  }
0x29: {  	v1 =	vadd.f32 v2, v1;
	_ =	sdelay $0x1  }
0x2a: {  	[tilespmem:$0x2100] =	vst v1  }
0x2b: {  	v2 =	vld.idx.msk [tilespmem:v3+s2+$0x0], $0xffff  }
0x2c: {  	v3 =	vld [tilespmem:$0x2080];
	_ =	sdelay $0x4  }
0x2d: {  	v1 =	vadd.f32 v2, v1;
	_ =	sdelay $0x1  }
0x2e: {  	[tilespmem:$0x2100] =	vst v1  }
0x2f: {  	v2 =	vld.idx.msk [tilespmem:v3+s2+$0x0], $0xffff  }
0x30: {  	v3 =	vld [tilespmem:$0x2090];
	_ =	sdelay $0x4  }
0x31: {  	v1 =	vadd.f32 v2, v1;
	_ =	sdelay $0x1  }
0x32: {  	[tilespmem:$0x2100] =	vst v1  }
0x33: {  	v2 =	vld.idx.msk [tilespmem:v3+s2+$0x0], $0xffff  }
0x34: {  	v3 =	vld [tilespmem:$0x20A0];
	_ =	sdelay $0x4  }
0x35: {  	v1 =	vadd.f32 v2, v1;
	_ =	sdelay $0x1  }
0x36: {  	[tilespmem:$0x2100] =	vst v1  }
0x37: {  	v2 =	vld.idx.msk [tilespmem:v3+s2+$0x0], $0xffff  }
0x38: {  	v3 =	vld [tilespmem:$0x20B0];
	_ =	sdelay $0x4  }
0x39: {  	v1 =	vadd.f32 v2, v1;
	_ =	sdelay $0x1  }
0x3a: {  	[tilespmem:$0x2100] =	vst v1  }
0x3b: {  	v2 =	vld.idx.msk [tilespmem:v3+s2+$0x0], $0xffff  }
0x3c: {  	v3 =	vld [tilespmem:$0x20C0];
	_ =	sdelay $0x4  }
0x3d: {  	v1 =	vadd.f32 v2, v1;
	_ =	sdelay $0x1  }
0x3e: {  	[tilespmem:$0x2100] =	vst v1  }
0x3f: {  	v2 =	vld.idx.msk [tilespmem:v3+s2+$0x0], $0xffff  }
0x40: {  	v3 =	vld [tilespmem:$0x20D0];
	_ =	sdelay $0x4  }
0x41: {  	v1 =	vadd.f32 v2, v1;
	_ =	sdelay $0x1  }
0x42: {  	[tilespmem:$0x2100] =	vst v1  }
0x43: {  	v2 =	vld.idx.msk [tilespmem:v3+s2+$0x0], $0xffff  }
0x44: {  	v3 =	vld [tilespmem:$0x20E0];
	_ =	sdelay $0x4  }
0x45: {  	v1 =	vadd.f32 v2, v1;
	_ =	sdelay $0x1  }
0x46: {  	[tilespmem:$0x2100] =	vst v1  }
0x47: {  	v2 =	vld.idx.msk [tilespmem:v3+s2+$0x0], $0xffff  }
0x48: {  	v3 =	vld [tilespmem:$0x20F0];
	_ =	sdelay $0x4  }
0x49: {  	v1 =	vadd.f32 v2, v1;
	_ =	sdelay $0x1  }
0x4a: {  	[tilespmem:$0x2100] =	vst v1  }
0x4b: {  	v2 =	vld.idx.msk [tilespmem:v3+s2+$0x0], $0xffff  }
0x4c: {  	s8 =	ssub.s32 $0x2, s8  }
0x4d: {  	s10 =	sshrl.u32 s8, $0x1  }
0x4e: {  	s8 =	ssub.s32 s8, s10  }
0x4f: {  	s31 =	smax.u32 s8, $0x1  }
0x50: {  	s9 =	sshll.u32 s9, $0x4;
	p0 =	sne.s32 s31, $0x1;
	v1 =	vadd.f32 v2, v1  }
.Ltmp0:
0x51: {  	s7 =	sadd.s32 s9, s7;
	(pc) =	sbr.rel @!p0 .LBB2_2-.Ltmp0, $4  }
0x52: {  	s7 =	sadd.s32 $0x6800, s7;
	s8 =	simm.s32 $0x2100;
	[tilespmem:$0x2100] =	vst v1  }
0x53: {  	[hbm4b:s7+s2] =	stream.linear.scatter [tilespmem:s8], [sflag:$0x1], $0x80, $0x38;
	[tilespmem:$0x2180] =	vst v63  }
0x54: {  	_ =	swait.ge [sflag:s4], $0x80  }
0x55: {  	s9 =	sadd.s32 $0xFFFFFFFF, s31;
	[sflag:s4] =	ssyncset.done $0x0  }
.LBB2_1:
0x56: {  	p0 =	sne.s32 s9, $0x1;
	s9 =	sadd.s32 $0xFFFFFFFF, s9;
	[sflag:s4] =	ssyncadd.s32 $0xFFFFFF80  }
0x57: {  	[tilespmem:s2], [sflag:$0x1] =	stream.linear.gather [hbm4b:s3+s2], $0x2000, $0x38;
	[tilespmem:$0x2180] =	vst v63  }
0x58: {  	_ =	swait.ge [sflag:s4], $0x2000  }
0x59: {  	[sflag:s4] =	ssyncset.done $0x0  }
0x5a: {  	[sflag:s4] =	ssyncadd.s32 $0xFFFFE000  }
0x5b: {  	[tilespmem:s6], [sflag:$0x1] =	stream.linear.gather [hbm4b:s5+s2], $0x100, $0x38;
	[tilespmem:$0x2180] =	vst v63  }
0x5c: {  	_ =	swait.ge [sflag:s4], $0x100  }
0x5d: {  	[sflag:s4] =	ssyncset.done $0x0  }
0x5e: {  	[sflag:s4] =	ssyncadd.s32 $0xFFFFFF00  }
0x5f: {  	v1 =	vld [tilespmem:$0x2000];
	_ =	sdelay $0x6  }
0x60: {  	[tilespmem:$0x2100] =	vst v0  }
0x61: {  	v1 =	vld.idx.msk [tilespmem:v1+s2+$0x0], $0xffff  }
0x62: {  	v2 =	vld [tilespmem:$0x2010];
	_ =	sdelay $0x4  }
0x63: {  	v1 =	vadd.f32 $0.0e+00, v1;
	_ =	sdelay $0x1  }
0x64: {  	[tilespmem:$0x2100] =	vst v1  }
0x65: {  	v2 =	vld.idx.msk [tilespmem:v2+s2+$0x0], $0xffff  }
0x66: {  	v3 =	vld [tilespmem:$0x2020];
	_ =	sdelay $0x4  }
0x67: {  	v1 =	vadd.f32 v2, v1;
	_ =	sdelay $0x1  }
0x68: {  	[tilespmem:$0x2100] =	vst v1  }
0x69: {  	v2 =	vld.idx.msk [tilespmem:v3+s2+$0x0], $0xffff  }
0x6a: {  	v3 =	vld [tilespmem:$0x2030];
	_ =	sdelay $0x4  }
0x6b: {  	v1 =	vadd.f32 v2, v1;
	_ =	sdelay $0x1  }
0x6c: {  	[tilespmem:$0x2100] =	vst v1  }
0x6d: {  	v2 =	vld.idx.msk [tilespmem:v3+s2+$0x0], $0xffff  }
0x6e: {  	v3 =	vld [tilespmem:$0x2040];
	_ =	sdelay $0x4  }
0x6f: {  	v1 =	vadd.f32 v2, v1;
	_ =	sdelay $0x1  }
0x70: {  	[tilespmem:$0x2100] =	vst v1  }
0x71: {  	v2 =	vld.idx.msk [tilespmem:v3+s2+$0x0], $0xffff  }
0x72: {  	v3 =	vld [tilespmem:$0x2050];
	_ =	sdelay $0x4  }
0x73: {  	v1 =	vadd.f32 v2, v1;
	_ =	sdelay $0x1  }
0x74: {  	[tilespmem:$0x2100] =	vst v1  }
0x75: {  	v2 =	vld.idx.msk [tilespmem:v3+s2+$0x0], $0xffff  }
0x76: {  	v3 =	vld [tilespmem:$0x2060];
	_ =	sdelay $0x4  }
0x77: {  	v1 =	vadd.f32 v2, v1;
	_ =	sdelay $0x1  }
0x78: {  	[tilespmem:$0x2100] =	vst v1  }
0x79: {  	v2 =	vld.idx.msk [tilespmem:v3+s2+$0x0], $0xffff  }
0x7a: {  	v3 =	vld [tilespmem:$0x2070];
	_ =	sdelay $0x4  }
0x7b: {  	v1 =	vadd.f32 v2, v1;
	_ =	sdelay $0x1  }
0x7c: {  	[tilespmem:$0x2100] =	vst v1  }
0x7d: {  	v2 =	vld.idx.msk [tilespmem:v3+s2+$0x0], $0xffff  }
0x7e: {  	v3 =	vld [tilespmem:$0x2080];
	_ =	sdelay $0x4  }
0x7f: {  	v1 =	vadd.f32 v2, v1;
	_ =	sdelay $0x1  }
0x80: {  	[tilespmem:$0x2100] =	vst v1  }
0x81: {  	v2 =	vld.idx.msk [tilespmem:v3+s2+$0x0], $0xffff  }
0x82: {  	v3 =	vld [tilespmem:$0x2090];
	_ =	sdelay $0x4  }
0x83: {  	v1 =	vadd.f32 v2, v1;
	_ =	sdelay $0x1  }
0x84: {  	[tilespmem:$0x2100] =	vst v1  }
0x85: {  	v2 =	vld.idx.msk [tilespmem:v3+s2+$0x0], $0xffff  }
0x86: {  	v3 =	vld [tilespmem:$0x20A0];
	_ =	sdelay $0x4  }
0x87: {  	v1 =	vadd.f32 v2, v1;
	_ =	sdelay $0x1  }
0x88: {  	[tilespmem:$0x2100] =	vst v1  }
0x89: {  	v2 =	vld.idx.msk [tilespmem:v3+s2+$0x0], $0xffff  }
0x8a: {  	v3 =	vld [tilespmem:$0x20B0];
	_ =	sdelay $0x4  }
0x8b: {  	v1 =	vadd.f32 v2, v1;
	_ =	sdelay $0x1  }
0x8c: {  	[tilespmem:$0x2100] =	vst v1  }
0x8d: {  	v2 =	vld.idx.msk [tilespmem:v3+s2+$0x0], $0xffff  }
0x8e: {  	v3 =	vld [tilespmem:$0x20C0];
	_ =	sdelay $0x4  }
0x8f: {  	v1 =	vadd.f32 v2, v1;
	_ =	sdelay $0x1  }
0x90: {  	[tilespmem:$0x2100] =	vst v1  }
0x91: {  	v2 =	vld.idx.msk [tilespmem:v3+s2+$0x0], $0xffff  }
0x92: {  	v3 =	vld [tilespmem:$0x20D0];
	_ =	sdelay $0x4  }
0x93: {  	v1 =	vadd.f32 v2, v1;
	_ =	sdelay $0x1  }
0x94: {  	[tilespmem:$0x2100] =	vst v1  }
0x95: {  	v2 =	vld.idx.msk [tilespmem:v3+s2+$0x0], $0xffff  }
0x96: {  	v3 =	vld [tilespmem:$0x20E0];
	_ =	sdelay $0x4  }
0x97: {  	v1 =	vadd.f32 v2, v1;
	_ =	sdelay $0x1  }
0x98: {  	[tilespmem:$0x2100] =	vst v1  }
0x99: {  	v2 =	vld.idx.msk [tilespmem:v3+s2+$0x0], $0xffff  }
0x9a: {  	v3 =	vld [tilespmem:$0x20F0];
	_ =	sdelay $0x4  }
0x9b: {  	v1 =	vadd.f32 v2, v1;
	_ =	sdelay $0x1  }
0x9c: {  	[tilespmem:$0x2100] =	vst v1  }
0x9d: {  	v2 =	vld.idx.msk [tilespmem:v3+s2+$0x0], $0xffff;
	_ =	sdelay $0x5  }
0x9e: {  	v1 =	vadd.f32 v2, v1  }
.Ltmp1:
0x9f: {  	(pc) =	sbr.rel @p0 .LBB2_1-.Ltmp1, $4  }
0xa0: {  	[tilespmem:$0x2100] =	vst v1  }
0xa1: {  	[hbm4b:s7+s2] =	stream.linear.scatter [tilespmem:s8], [sflag:$0x1], $0x80, $0x38;
	[tilespmem:$0x2180] =	vst v63  }
0xa2: {  	_ =	swait.ge [sflag:s4], $0x80  }
0xa3: {  	[sflag:s4] =	ssyncset.done $0x0  }
.LBB2_2:
0xa4: {  	[sflag:s4] =	ssyncadd.s32 $0xFFFFFF80  }
0xa5: {  	_ =	sfence.sel $0x180000  }
0xa6: {  	[bflag:$0x0] =	sbarrier.arrive $0xFFFF  }
0xa7: {  	p0 =	sne.s32 s1, $0x0;
	_ =	strace $0x9000004A  }
0xa8: {  	s0 =	sadd.s32 @!p0 $0x100000, s0;
	[bflag:$0x2] =	sbarrier.arrive $0xFFFF  }
0xa9: {  	[sflag:s0] =	ssyncadd.tile.s32 @!p0 $0x1;
	_ =	shalt  }
.Lfunc_end2:
_tile_overlayer_lowered:
.L_overlay_start_2:
0xaa: {  	(tag) =	ssettag $0x2  }
0xab: {  	s0 =	rddreg [dreg:$0x0];
	s2 =	stileid.u32  }
0xac: {  	s1 =	rddreg [dreg:$0x1];
	p0 =	sne.s32 s2, $0x0  }
0xad: {  	s3 =	rddreg [dreg:$0x2];
	[bflag:$0x3] =	sbarrier.arrive $0xFFFF;
	s2 =	simm.s32 @!p0 $0x1C01  }
0xae: {  	[timem:s3], [sflag:s2] =	dma.local @!p0 [hbm:s0], s1  }
0xaf: {  	s0 =	simm.s32 @!p0 $0x1  }
0xb0: {  	_ =	swait.ge @!p0 [sflag:s0], s1  }
0xb1: {  	s1 =	ssub.s32 @!p0 $0x0, s1;
	[sflag:s0] =	ssyncset.done @!p0 $0x0  }
0xb2: {  	[sflag:s0] =	ssyncadd.s32 @!p0 s1  }
0xb3: {  	[bflag:$0x3] =	sbarrier.arrive $0xFFFF  }
0xb4: {  	_ =	shalt  }

</sc_bundles>
